<compile_context>
chip_gen: v7x
topology: tpu7x:2x2x1
jax: 0.10.2.dev20260603
libtpu: 0.0.44.dev20260713+nightly
codegen_flags: <defaults>
</compile_context>

<pallas_src>
import functools

import jax
import jax.numpy as jnp
from jax import lax
from jax.experimental import pallas as pl
from jax.experimental.pallas import tpu as pltpu
from jax.experimental.pallas import tpu_sc as plsc

N = 10000
E = 320000
D = 128
G = 128

NC = 2
NS = 16
NW = NC * NS
EPW = E // NW
CH = 128
NFULL = EPW // CH
TAIL = EPW - NFULL * CH
NP = 10240
RPW = NP // NS
RB = 1000
NB = N // RB

_mesh = plsc.VectorSubcoreMesh(core_axis_name="c", subcore_axis_name="s")


NR = NP // 128

@functools.partial(
    pl.kernel,
    out_type=jax.ShapeDtypeStruct((NC, NP, 16), jnp.float32),
    mesh=_mesh,
    scratch_types=[
        pltpu.VMEM_SHARED((NR, 128), jnp.float32),
        pltpu.VMEM((CH,), jnp.int32),
        pltpu.VMEM((NR, 128), jnp.float32),
        pltpu.VMEM((TAIL,), jnp.int32),
        pltpu.VMEM((NR,), jnp.int32),
        pltpu.VMEM((RPW, 16), jnp.float32),
    ],
    compiler_params=pltpu.CompilerParams(needs_layout_passes=False),
)
def _deg_kernel(dst_hbm, z80_hbm, i80_hbm, out_hbm,
                accs, idxd, loc, idxt, rowid, outcol):
    c = lax.axis_index("c")
    s = lax.axis_index("s")
    wid = c * NS + s

    @pl.when(s == 0)
    def _zero_shared():
        pltpu.sync_copy(z80_hbm, accs)

    pltpu.sync_copy(z80_hbm, loc)
    pltpu.sync_copy(i80_hbm, rowid)
    plsc.subcore_barrier()
    base = wid * EPW
    lane = lax.broadcasted_iota(jnp.int32, (16,), 0)

    def group(d16):
        cnt, last = plsc.scan_count(d16)
        plsc.addupdate_scatter(loc, [d16 >> 7, d16 & 127],
                               cnt.astype(jnp.float32), mask=last)

    def step(k, carry):
        pltpu.sync_copy(dst_hbm.at[pl.ds(base + k * CH, CH)], idxd)
        for t in range(CH // 16):
            group(idxd[pl.ds(t * 16, 16)])
        return carry

    lax.fori_loop(0, NFULL, step, 0)
    pltpu.sync_copy(dst_hbm.at[pl.ds(base + NFULL * CH, TAIL)], idxt)
    for t in range(TAIL // 16):
        group(idxt[pl.ds(t * 16, 16)])
    pltpu.sync_copy(loc, accs.at[rowid], add=True)
    plsc.subcore_barrier()
    pltpu.sync_copy(accs, loc)
    vbase = s * RPW
    for j in range(RPW // 16):
        v16 = vbase + j * 16 + lane
        deg16 = plsc.load_gather(loc, [v16 >> 7, v16 & 127])
        plsc.store_scatter(outcol, [j * 16 + lane, lane * 0], deg16)
    pltpu.sync_copy(outcol, out_hbm.at[c, pl.ds(vbase, RPW)])


@functools.partial(
    pl.kernel,
    out_type=jax.ShapeDtypeStruct((NC, NP, D), jnp.float32),
    mesh=_mesh,
    scratch_types=[
        pltpu.VMEM_SHARED((NP, D), jnp.float32),
        pltpu.VMEM((CH,), jnp.int32),
        pltpu.VMEM((CH,), jnp.int32),
        pltpu.VMEM((CH, D), jnp.float32),
        pltpu.VMEM((TAIL,), jnp.int32),
        pltpu.VMEM((TAIL,), jnp.int32),
        pltpu.VMEM((TAIL, D), jnp.float32),
        pltpu.SemaphoreType.DMA,
    ],
)
def _agg_kernel(g_hbm, src_hbm, dst_hbm, zrow_hbm, out_hbm,
                acc, idxs, idxd, rows, idxs_t, idxd_t, rows_t, sem):
    c = lax.axis_index("c")
    s = lax.axis_index("s")
    wid = c * NS + s
    pltpu.sync_copy(zrow_hbm, acc.at[pl.ds(s * RPW, RPW)])
    plsc.subcore_barrier()
    base = wid * EPW

    def step(k, carry):
        off = base + k * CH
        pltpu.sync_copy(src_hbm.at[pl.ds(off, CH)], idxs)
        pltpu.sync_copy(dst_hbm.at[pl.ds(off, CH)], idxd)
        pltpu.async_copy(g_hbm.at[idxs], rows, sem).wait()
        pltpu.sync_copy(rows, acc.at[idxd], add=True)
        return carry

    lax.fori_loop(0, NFULL, step, 0)
    off = base + NFULL * CH
    pltpu.sync_copy(src_hbm.at[pl.ds(off, TAIL)], idxs_t)
    pltpu.sync_copy(dst_hbm.at[pl.ds(off, TAIL)], idxd_t)
    pltpu.async_copy(g_hbm.at[idxs_t], rows_t, sem).wait()
    pltpu.sync_copy(rows_t, acc.at[idxd_t], add=True)
    plsc.subcore_barrier()
    pltpu.sync_copy(acc.at[pl.ds(s * RPW, RPW)],
                    out_hbm.at[c, pl.ds(s * RPW, RPW)])


def _dinv_block(deg_block):
    deg = deg_block[0, :, 0:1] + deg_block[1, :, 0:1] + 1.0
    return lax.rsqrt(deg)


def _tc1_body(deg_ref, x_ref, w1_ref, g1_ref):
    dinv = _dinv_block(deg_ref[...])
    h = jnp.dot(x_ref[...], w1_ref[...], preferred_element_type=jnp.float32)
    g1_ref[...] = h * dinv


def _tc2_body(deg_ref, p_ref, g1_ref, b1_ref, w2_ref, g2_ref):
    dinv = _dinv_block(deg_ref[...])
    p = p_ref[...]
    z = jnp.maximum((p[0] + p[1] + g1_ref[...]) * dinv + b1_ref[...], 0.0)
    h2 = jnp.dot(z, w2_ref[...], preferred_element_type=jnp.float32)
    g2_ref[...] = h2 * dinv


def _tc3_body(deg_ref, p_ref, g2_ref, b2_ref, bt_ref, wl_ref, bl_ref,
              out_ref, pool_scr, cnt_scr):
    i = pl.program_id(0)

    @pl.when(i == 0)
    def _init():
        pool_scr[...] = jnp.zeros_like(pool_scr)
        cnt_scr[...] = jnp.zeros_like(cnt_scr)

    dinv = _dinv_block(deg_ref[...])
    p = p_ref[...]
    z = (p[0] + p[1] + g2_ref[...]) * dinv + b2_ref[...]
    seg = bt_ref[...].reshape(RB, 1)
    gid = lax.broadcasted_iota(jnp.int32, (RB, G), 1).astype(jnp.float32)
    m = (seg == gid).astype(jnp.float32)
    dn = (((0,), (0,)), ((), ()))
    pool_scr[...] += lax.dot_general(m, z, dn,
                                     preferred_element_type=jnp.float32)
    cnt_scr[...] += lax.dot_general(m, jnp.ones((RB, G), jnp.float32), dn,
                                    preferred_element_type=jnp.float32)

    @pl.when(i == pl.num_programs(0) - 1)
    def _fin():
        mean = pool_scr[...] / jnp.maximum(cnt_scr[...], 1.0)
        out_ref[...] = (jnp.dot(mean, wl_ref[...],
                                preferred_element_type=jnp.float32)
                        + bl_ref[...])


_deg_spec = pl.BlockSpec((NC, RB, 16), lambda i: (0, i, 0))
_row_spec = pl.BlockSpec((RB, D), lambda i: (i, 0))
_part_spec = pl.BlockSpec((NC, RB, D), lambda i: (0, i, 0))
_mat_spec = pl.BlockSpec((D, D), lambda i: (0, 0))
_vec_spec = pl.BlockSpec((1, D), lambda i: (0, 0))

_tc1 = pl.pallas_call(
    _tc1_body,
    grid=(NB,),
    in_specs=[_deg_spec, _row_spec, _mat_spec],
    out_specs=_row_spec,
    out_shape=jax.ShapeDtypeStruct((N, D), jnp.float32),
)

_tc2 = pl.pallas_call(
    _tc2_body,
    grid=(NB,),
    in_specs=[_deg_spec, _part_spec, _row_spec, _vec_spec, _mat_spec],
    out_specs=_row_spec,
    out_shape=jax.ShapeDtypeStruct((N, D), jnp.float32),
)

_tc3 = pl.pallas_call(
    _tc3_body,
    grid=(NB,),
    in_specs=[
        _deg_spec, _part_spec, _row_spec, _vec_spec,
        pl.BlockSpec((1, 1, RB), lambda i: (i, 0, 0)),
        _mat_spec, _vec_spec,
    ],
    out_specs=pl.BlockSpec((G, D), lambda i: (0, 0)),
    out_shape=jax.ShapeDtypeStruct((G, D), jnp.float32),
    scratch_shapes=[
        pltpu.VMEM((G, D), jnp.float32),
        pltpu.VMEM((G, G), jnp.float32),
    ],
)


def kernel(x, edge_index, batch, W1, b1, W2, b2, Wl, bl):
    src = edge_index[0]
    dst = edge_index[1]

    z80 = jnp.zeros((NR, 128), jnp.float32)
    i80 = jnp.arange(NR, dtype=jnp.int32)
    zrow = jnp.zeros((RPW, D), jnp.float32)
    b1r = b1.reshape(1, D)
    b2r = b2.reshape(1, D)
    wlp = jnp.zeros((D, D), jnp.float32).at[:, :Wl.shape[1]].set(Wl)
    blp = jnp.zeros((1, D), jnp.float32).at[0, :bl.shape[0]].set(bl)
    batf = batch.astype(jnp.float32).reshape(NB, 1, RB)

    degp = _deg_kernel(dst, z80, i80)
    g1 = _tc1(degp, x, W1)
    p1 = _agg_kernel(g1, src, dst, zrow)
    g2 = _tc2(degp, p1, g1, b1r, W2)
    p2 = _agg_kernel(g2, src, dst, zrow)
    outp = _tc3(degp, p2, g2, b2r, batf, wlp, blp)
    return outp[:, :Wl.shape[1]]

# --- scband reference (transcript-rebuilt; emitter-appended) ---
"""Pipeline reference for scband-gcn-85349590106379 (READ-ONLY COPY).

The authoritative reference and input builder live on the scoring server;
editing this copy changes nothing except your own understanding.
"""

import jax, jax.numpy as jnp
import numpy as np

N = 10000
E = 320000
D = 128
G = 128


def setup_inputs(seed: int = 0) -> dict:
    key = jax.random.key(seed)
    ks = jax.random.split(key, 10)
    x = jax.random.normal(ks[0], (N, D), dtype=jnp.float32)
    edge_index = jax.random.randint(ks[1], (2, E), 0, N, dtype=jnp.int32)
    batch = jnp.sort(jax.random.randint(ks[2], (N,), 0, G, dtype=jnp.int32))
    W1 = jax.random.normal(ks[3], (D, D), dtype=jnp.float32) * 0.05
    b1 = jnp.zeros((D,), dtype=jnp.float32)
    W2 = jax.random.normal(ks[4], (D, D), dtype=jnp.float32) * 0.05
    b2 = jnp.zeros((D,), dtype=jnp.float32)
    Wl = jax.random.normal(ks[5], (D, 2), dtype=jnp.float32) * 0.05
    bl = jnp.zeros((2,), dtype=jnp.float32)
    return {"x": x, "edge_index": edge_index, "batch": batch,
            "W1": W1, "b1": b1, "W2": W2, "b2": b2, "Wl": Wl, "bl": bl}


def _gcn_conv(x, src, dst, W, b):
    # PyG GCNConv: add self-loops, symmetric normalization, linear transform,
    # scatter-add aggregation, then bias.
    n = x.shape[0]
    loop = jnp.arange(n, dtype=src.dtype)
    s = jnp.concatenate([src, loop])
    d = jnp.concatenate([dst, loop])
    ones = jnp.ones(s.shape, dtype=x.dtype)
    deg = jax.ops.segment_sum(ones, d, num_segments=n)
    dinv = jnp.where(deg > 0, 1.0 / jnp.sqrt(deg), 0.0)
    norm = dinv[s] * dinv[d]
    h = x @ W
    msg = h[s] * norm[:, None]
    out = jax.ops.segment_sum(msg, d, num_segments=n)
    return out + b


def reference(x, edge_index, batch, W1, b1, W2, b2, Wl, bl):
    src = edge_index[0]
    dst = edge_index[1]
    h = jax.nn.relu(_gcn_conv(x, src, dst, W1, b1))
    h = _gcn_conv(h, src, dst, W2, b2)
    # global_mean_pool over graphs in the batch
    sums = jax.ops.segment_sum(h, batch, num_segments=G)
    cnt = jax.ops.segment_sum(jnp.ones((h.shape[0],), h.dtype), batch, num_segments=G)
    mean = sums / jnp.clip(cnt, 1.0)[:, None]
    # dropout is identity in eval mode
    return mean @ Wl + bl

if __name__ == "__main__":
    import jax
    _d = setup_inputs()
    print(jax.jit(kernel)(*tuple(_d.values())))

</pallas_src>

<mosaic_0001>
#map = affine_map<(d0, d1) -> (0, 0)>
#map1 = affine_map<(d0, d1) -> (0)>
#map2 = affine_map<(d0, d1) -> (0, 0, 0)>
module attributes {stable_mosaic.version = 14 : i64} {
  func.func @_agg_kernel(%arg0: i32, %arg1: i32, %arg2: memref<10000x128xf32, #tpu.memory_space<hbm>>, %arg3: memref<320000xi32, #tpu.memory_space<hbm>>, %arg4: memref<320000xi32, #tpu.memory_space<hbm>>, %arg5: memref<640x128xf32, #tpu.memory_space<hbm>>, %arg6: memref<2x10240x128xf32, #tpu.memory_space<hbm>>, %arg7: memref<10240x128xf32, #tpu.memory_space<vmem_shared>>, %arg8: memref<128xi32, #tpu.memory_space<vmem>>, %arg9: memref<128xi32, #tpu.memory_space<vmem>>, %arg10: memref<128x128xf32, #tpu.memory_space<vmem>>, %arg11: memref<16xi32, #tpu.memory_space<vmem>>, %arg12: memref<16xi32, #tpu.memory_space<vmem>>, %arg13: memref<16x128xf32, #tpu.memory_space<vmem>>, %arg14: memref<!tpu.dma_semaphore, #tpu.memory_space<semaphore_mem>>) attributes {dimension_semantics = [#tpu.dimension_semantics<core_parallel>, #tpu.dimension_semantics<subcore_parallel>], iteration_bounds = array<i64: 2, 16>, scalar_prefetch = 0 : i64, scratch_operands = 8 : i64, tpu.core_type = #tpu.core_type<sc_vector_subcore>, window_params = [{transform_indices = #map}, {transform_indices = #map1}, {transform_indices = #map1}, {transform_indices = #map}, {transform_indices = #map2}]} {
    %mul3A = arith.constant 16 : i32
    %mul3A_0 = arith.muli %arg0, %mul3A : i32
    %add3A = arith.addi %mul3A_0, %arg1 : i32
    %mul3A_1 = arith.constant 640 : i32
    %mul3A_2 = arith.muli %arg1, %mul3A_1 : i32
    "tpu.region"() ({
      %run_scoped3A = tpu.sem_alloc : memref<!tpu.dma_semaphore, #tpu.memory_space<semaphore_mem>>
      %dma_start3A_21 = arith.constant 0 : i32
      %dma_start3A_22 = tpu.memref_slice %arg7[%mul3A_2, %dma_start3A_21] : memref<10240x128xf32, #tpu.memory_space<vmem_shared>> -> memref<640x128xf32, #tpu.memory_space<vmem_shared>>
      tpu.enqueue_dma source(%arg5 : memref<640x128xf32, #tpu.memory_space<hbm>>) target(%dma_start3A_22 : memref<640x128xf32, #tpu.memory_space<vmem_shared>>) target_semaphore(%run_scoped3A : memref<!tpu.dma_semaphore, #tpu.memory_space<semaphore_mem>>)
      %dma_wait3A_23 = arith.constant 0 : i32
      %dma_wait3A_24 = tpu.memref_slice %arg7[%mul3A_2, %dma_wait3A_23] : memref<10240x128xf32, #tpu.memory_space<vmem_shared>> -> memref<640x128xf32, #tpu.memory_space<vmem_shared>>
      tpu.wait_dma2 semaphore(%run_scoped3A : memref<!tpu.dma_semaphore, #tpu.memory_space<semaphore_mem>>) src(%arg5 : memref<640x128xf32, #tpu.memory_space<hbm>>) dst(%dma_wait3A_24 : memref<640x128xf32, #tpu.memory_space<vmem_shared>>)
      tpu.yield
    }) : () -> ()
    %barrier3A = arith.constant 0 : index
    tpu.barrier barrier_id(%barrier3A)
    %mul3A_3 = arith.constant 10000 : i32
    %mul3A_4 = arith.muli %add3A, %mul3A_3 : i32
    %scan3A = arith.constant 0 : i32
    %scan3A_5 = arith.constant 0 : i32
    %scan3A_6 = arith.constant 78 : i32
    %scan3A_7 = arith.addi %scan3A_5, %scan3A_6 : i32
    %scan3A_8 = arith.constant 1 : i32
    scf.for %scan3A_21 = %scan3A_5 to %scan3A_7 step %scan3A_8  : i32 {
      %mul3A_22 = arith.constant 128 : i32
      %mul3A_23 = arith.muli %scan3A_21, %mul3A_22 : i32
      %add3A_24 = arith.addi %mul3A_4, %mul3A_23 : i32
      "tpu.region"() ({
        %run_scoped3A = tpu.sem_alloc : memref<!tpu.dma_semaphore, #tpu.memory_space<semaphore_mem>>
        %dma_start3A_31 = tpu.memref_slice %arg3[%add3A_24] : memref<320000xi32, #tpu.memory_space<hbm>> -> memref<128xi32, #tpu.memory_space<hbm>>
        %dma_start3A_32 = tpu.memref_slice %arg3[%add3A_24] : memref<320000xi32, #tpu.memory_space<hbm>> -> memref<128xi32, #tpu.memory_space<hbm>>
        tpu.enqueue_dma source(%dma_start3A_32 : memref<128xi32, #tpu.memory_space<hbm>>) target(%arg8 : memref<128xi32, #tpu.memory_space<vmem>>) target_semaphore(%run_scoped3A : memref<!tpu.dma_semaphore, #tpu.memory_space<semaphore_mem>>)
        %dma_wait3A_33 = tpu.memref_slice %arg3[%add3A_24] : memref<320000xi32, #tpu.memory_space<hbm>> -> memref<128xi32, #tpu.memory_space<hbm>>
        %dma_wait3A_34 = tpu.memref_slice %arg3[%add3A_24] : memref<320000xi32, #tpu.memory_space<hbm>> -> memref<128xi32, #tpu.memory_space<hbm>>
        tpu.wait_dma2 semaphore(%run_scoped3A : memref<!tpu.dma_semaphore, #tpu.memory_space<semaphore_mem>>) src(%dma_wait3A_34 : memref<128xi32, #tpu.memory_space<hbm>>) dst(%arg8 : memref<128xi32, #tpu.memory_space<vmem>>)
        tpu.yield
      }) : () -> ()
      "tpu.region"() ({
        %run_scoped3A = tpu.sem_alloc : memref<!tpu.dma_semaphore, #tpu.memory_space<semaphore_mem>>
        %dma_start3A_31 = tpu.memref_slice %arg4[%add3A_24] : memref<320000xi32, #tpu.memory_space<hbm>> -> memref<128xi32, #tpu.memory_space<hbm>>
        %dma_start3A_32 = tpu.memref_slice %arg4[%add3A_24] : memref<320000xi32, #tpu.memory_space<hbm>> -> memref<128xi32, #tpu.memory_space<hbm>>
        tpu.enqueue_dma source(%dma_start3A_32 : memref<128xi32, #tpu.memory_space<hbm>>) target(%arg9 : memref<128xi32, #tpu.memory_space<vmem>>) target_semaphore(%run_scoped3A : memref<!tpu.dma_semaphore, #tpu.memory_space<semaphore_mem>>)
        %dma_wait3A_33 = tpu.memref_slice %arg4[%add3A_24] : memref<320000xi32, #tpu.memory_space<hbm>> -> memref<128xi32, #tpu.memory_space<hbm>>
        %dma_wait3A_34 = tpu.memref_slice %arg4[%add3A_24] : memref<320000xi32, #tpu.memory_space<hbm>> -> memref<128xi32, #tpu.memory_space<hbm>>
        tpu.wait_dma2 semaphore(%run_scoped3A : memref<!tpu.dma_semaphore, #tpu.memory_space<semaphore_mem>>) src(%dma_wait3A_34 : memref<128xi32, #tpu.memory_space<hbm>>) dst(%arg9 : memref<128xi32, #tpu.memory_space<vmem>>)
        tpu.yield
      }) : () -> ()
      %dma_start3A_25 = arith.constant 0 : i32
      %dma_start3A_26 = arith.constant 0 : i32
      %dma_start3A_27 = tpu.memref_slice %arg2[%dma_start3A_25, %dma_start3A_26] : memref<10000x128xf32, #tpu.memory_space<hbm>> -> memref<10000x128xf32, #tpu.memory_space<hbm>>
      tpu.enqueue_indirect_dma source(%dma_start3A_27 : memref<10000x128xf32, #tpu.memory_space<hbm>>) target(%arg10 : memref<128x128xf32, #tpu.memory_space<vmem>>) offsets(%arg8 : memref<128xi32, #tpu.memory_space<vmem>>) semaphore(%arg14 : memref<!tpu.dma_semaphore, #tpu.memory_space<semaphore_mem>>)
      %dma_wait3A_28 = arith.constant 0 : i32
      %dma_wait3A_29 = arith.constant 0 : i32
      %dma_wait3A_30 = tpu.memref_slice %arg2[%dma_wait3A_28, %dma_wait3A_29] : memref<10000x128xf32, #tpu.memory_space<hbm>> -> memref<10000x128xf32, #tpu.memory_space<hbm>>
      tpu.wait_indirect_dma semaphore(%arg14 : memref<!tpu.dma_semaphore, #tpu.memory_space<semaphore_mem>>) src(%dma_wait3A_30 : memref<10000x128xf32, #tpu.memory_space<hbm>>) dst(%arg10 : memref<128x128xf32, #tpu.memory_space<vmem>>)
      "tpu.region"() ({
        %run_scoped3A = tpu.sem_alloc : memref<!tpu.dma_semaphore, #tpu.memory_space<semaphore_mem>>
        %dma_start3A_31 = arith.constant 0 : i32
        %dma_start3A_32 = arith.constant 0 : i32
        %dma_start3A_33 = tpu.memref_slice %arg7[%dma_start3A_31, %dma_start3A_32] : memref<10240x128xf32, #tpu.memory_space<vmem_shared>> -> memref<10240x128xf32, #tpu.memory_space<vmem_shared>>
        tpu.enqueue_indirect_dma source(%arg10 : memref<128x128xf32, #tpu.memory_space<vmem>>) target(%dma_start3A_33 : memref<10240x128xf32, #tpu.memory_space<vmem_shared>>) offsets(%arg9 : memref<128xi32, #tpu.memory_space<vmem>>) semaphore(%run_scoped3A : memref<!tpu.dma_semaphore, #tpu.memory_space<semaphore_mem>>) {add = true}
        %dma_wait3A_34 = arith.constant 0 : i32
        %dma_wait3A_35 = arith.constant 0 : i32
        %dma_wait3A_36 = tpu.memref_slice %arg7[%dma_wait3A_34, %dma_wait3A_35] : memref<10240x128xf32, #tpu.memory_space<vmem_shared>> -> memref<10240x128xf32, #tpu.memory_space<vmem_shared>>
        tpu.wait_indirect_dma semaphore(%run_scoped3A : memref<!tpu.dma_semaphore, #tpu.memory_space<semaphore_mem>>) src(%arg10 : memref<128x128xf32, #tpu.memory_space<vmem>>) dst(%dma_wait3A_36 : memref<10240x128xf32, #tpu.memory_space<vmem_shared>>)
        tpu.yield
      }) : () -> ()
    }
    %scan3A_9 = arith.constant 78 : i32
    %add3A_10 = arith.constant 9984 : i32
    %add3A_11 = arith.addi %mul3A_4, %add3A_10 : i32
    "tpu.region"() ({
      %run_scoped3A = tpu.sem_alloc : memref<!tpu.dma_semaphore, #tpu.memory_space<semaphore_mem>>
      %dma_start3A_21 = tpu.memref_slice %arg3[%add3A_11] : memref<320000xi32, #tpu.memory_space<hbm>> -> memref<16xi32, #tpu.memory_space<hbm>>
      %dma_start3A_22 = tpu.memref_slice %arg3[%add3A_11] : memref<320000xi32, #tpu.memory_space<hbm>> -> memref<16xi32, #tpu.memory_space<hbm>>
      tpu.enqueue_dma source(%dma_start3A_22 : memref<16xi32, #tpu.memory_space<hbm>>) target(%arg11 : memref<16xi32, #tpu.memory_space<vmem>>) target_semaphore(%run_scoped3A : memref<!tpu.dma_semaphore, #tpu.memory_space<semaphore_mem>>)
      %dma_wait3A_23 = tpu.memref_slice %arg3[%add3A_11] : memref<320000xi32, #tpu.memory_space<hbm>> -> memref<16xi32, #tpu.memory_space<hbm>>
      %dma_wait3A_24 = tpu.memref_slice %arg3[%add3A_11] : memref<320000xi32, #tpu.memory_space<hbm>> -> memref<16xi32, #tpu.memory_space<hbm>>
      tpu.wait_dma2 semaphore(%run_scoped3A : memref<!tpu.dma_semaphore, #tpu.memory_space<semaphore_mem>>) src(%dma_wait3A_24 : memref<16xi32, #tpu.memory_space<hbm>>) dst(%arg11 : memref<16xi32, #tpu.memory_space<vmem>>)
      tpu.yield
    }) : () -> ()
    "tpu.region"() ({
      %run_scoped3A = tpu.sem_alloc : memref<!tpu.dma_semaphore, #tpu.memory_space<semaphore_mem>>
      %dma_start3A_21 = tpu.memref_slice %arg4[%add3A_11] : memref<320000xi32, #tpu.memory_space<hbm>> -> memref<16xi32, #tpu.memory_space<hbm>>
      %dma_start3A_22 = tpu.memref_slice %arg4[%add3A_11] : memref<320000xi32, #tpu.memory_space<hbm>> -> memref<16xi32, #tpu.memory_space<hbm>>
      tpu.enqueue_dma source(%dma_start3A_22 : memref<16xi32, #tpu.memory_space<hbm>>) target(%arg12 : memref<16xi32, #tpu.memory_space<vmem>>) target_semaphore(%run_scoped3A : memref<!tpu.dma_semaphore, #tpu.memory_space<semaphore_mem>>)
      %dma_wait3A_23 = tpu.memref_slice %arg4[%add3A_11] : memref<320000xi32, #tpu.memory_space<hbm>> -> memref<16xi32, #tpu.memory_space<hbm>>
      %dma_wait3A_24 = tpu.memref_slice %arg4[%add3A_11] : memref<320000xi32, #tpu.memory_space<hbm>> -> memref<16xi32, #tpu.memory_space<hbm>>
      tpu.wait_dma2 semaphore(%run_scoped3A : memref<!tpu.dma_semaphore, #tpu.memory_space<semaphore_mem>>) src(%dma_wait3A_24 : memref<16xi32, #tpu.memory_space<hbm>>) dst(%arg12 : memref<16xi32, #tpu.memory_space<vmem>>)
      tpu.yield
    }) : () -> ()
    %dma_start3A = arith.constant 0 : i32
    %dma_start3A_12 = arith.constant 0 : i32
    %dma_start3A_13 = tpu.memref_slice %arg2[%dma_start3A, %dma_start3A_12] : memref<10000x128xf32, #tpu.memory_space<hbm>> -> memref<10000x128xf32, #tpu.memory_space<hbm>>
    tpu.enqueue_indirect_dma source(%dma_start3A_13 : memref<10000x128xf32, #tpu.memory_space<hbm>>) target(%arg13 : memref<16x128xf32, #tpu.memory_space<vmem>>) offsets(%arg11 : memref<16xi32, #tpu.memory_space<vmem>>) semaphore(%arg14 : memref<!tpu.dma_semaphore, #tpu.memory_space<semaphore_mem>>)
    %dma_wait3A = arith.constant 0 : i32
    %dma_wait3A_14 = arith.constant 0 : i32
    %dma_wait3A_15 = tpu.memref_slice %arg2[%dma_wait3A, %dma_wait3A_14] : memref<10000x128xf32, #tpu.memory_space<hbm>> -> memref<10000x128xf32, #tpu.memory_space<hbm>>
    tpu.wait_indirect_dma semaphore(%arg14 : memref<!tpu.dma_semaphore, #tpu.memory_space<semaphore_mem>>) src(%dma_wait3A_15 : memref<10000x128xf32, #tpu.memory_space<hbm>>) dst(%arg13 : memref<16x128xf32, #tpu.memory_space<vmem>>)
    "tpu.region"() ({
      %run_scoped3A = tpu.sem_alloc : memref<!tpu.dma_semaphore, #tpu.memory_space<semaphore_mem>>
      %dma_start3A_21 = arith.constant 0 : i32
      %dma_start3A_22 = arith.constant 0 : i32
      %dma_start3A_23 = tpu.memref_slice %arg7[%dma_start3A_21, %dma_start3A_22] : memref<10240x128xf32, #tpu.memory_space<vmem_shared>> -> memref<10240x128xf32, #tpu.memory_space<vmem_shared>>
      tpu.enqueue_indirect_dma source(%arg13 : memref<16x128xf32, #tpu.memory_space<vmem>>) target(%dma_start3A_23 : memref<10240x128xf32, #tpu.memory_space<vmem_shared>>) offsets(%arg12 : memref<16xi32, #tpu.memory_space<vmem>>) semaphore(%run_scoped3A : memref<!tpu.dma_semaphore, #tpu.memory_space<semaphore_mem>>) {add = true}
      %dma_wait3A_24 = arith.constant 0 : i32
      %dma_wait3A_25 = arith.constant 0 : i32
      %dma_wait3A_26 = tpu.memref_slice %arg7[%dma_wait3A_24, %dma_wait3A_25] : memref<10240x128xf32, #tpu.memory_space<vmem_shared>> -> memref<10240x128xf32, #tpu.memory_space<vmem_shared>>
      tpu.wait_indirect_dma semaphore(%run_scoped3A : memref<!tpu.dma_semaphore, #tpu.memory_space<semaphore_mem>>) src(%arg13 : memref<16x128xf32, #tpu.memory_space<vmem>>) dst(%dma_wait3A_26 : memref<10240x128xf32, #tpu.memory_space<vmem_shared>>)
      tpu.yield
    }) : () -> ()
    %barrier3A_16 = arith.constant 0 : index
    tpu.barrier barrier_id(%barrier3A_16)
    %mul3A_17 = arith.constant 640 : i32
    %mul3A_18 = arith.muli %arg1, %mul3A_17 : i32
    %mul3A_19 = arith.constant 640 : i32
    %mul3A_20 = arith.muli %arg1, %mul3A_19 : i32
    "tpu.region"() ({
      %run_scoped3A = tpu.sem_alloc : memref<!tpu.dma_semaphore, #tpu.memory_space<semaphore_mem>>
      %dma_start3A_21 = arith.constant 0 : i32
      %dma_start3A_22 = tpu.memref_slice %arg6[%arg0, %mul3A_20, %dma_start3A_21] : memref<2x10240x128xf32, #tpu.memory_space<hbm>> -> memref<1x640x128xf32, #tpu.memory_space<hbm>>
      %dma_start3A_23 = tpu.memref_squeeze %dma_start3A_22 : memref<1x640x128xf32, #tpu.memory_space<hbm>> -> memref<640x128xf32, #tpu.memory_space<hbm>>
      %dma_start3A_24 = arith.constant 0 : i32
      %dma_start3A_25 = tpu.memref_slice %arg7[%mul3A_18, %dma_start3A_24] : memref<10240x128xf32, #tpu.memory_space<vmem_shared>> -> memref<640x128xf32, #tpu.memory_space<vmem_shared>>
      tpu.enqueue_dma source(%dma_start3A_25 : memref<640x128xf32, #tpu.memory_space<vmem_shared>>) target(%dma_start3A_23 : memref<640x128xf32, #tpu.memory_space<hbm>>) target_semaphore(%run_scoped3A : memref<!tpu.dma_semaphore, #tpu.memory_space<semaphore_mem>>)
      %dma_wait3A_26 = arith.constant 0 : i32
      %dma_wait3A_27 = tpu.memref_slice %arg6[%arg0, %mul3A_20, %dma_wait3A_26] : memref<2x10240x128xf32, #tpu.memory_space<hbm>> -> memref<1x640x128xf32, #tpu.memory_space<hbm>>
      %dma_wait3A_28 = tpu.memref_squeeze %dma_wait3A_27 : memref<1x640x128xf32, #tpu.memory_space<hbm>> -> memref<640x128xf32, #tpu.memory_space<hbm>>
      %dma_wait3A_29 = arith.constant 0 : i32
      %dma_wait3A_30 = tpu.memref_slice %arg7[%mul3A_18, %dma_wait3A_29] : memref<10240x128xf32, #tpu.memory_space<vmem_shared>> -> memref<640x128xf32, #tpu.memory_space<vmem_shared>>
      tpu.wait_dma2 semaphore(%run_scoped3A : memref<!tpu.dma_semaphore, #tpu.memory_space<semaphore_mem>>) src(%dma_wait3A_30 : memref<640x128xf32, #tpu.memory_space<vmem_shared>>) dst(%dma_wait3A_28 : memref<640x128xf32, #tpu.memory_space<hbm>>)
      tpu.yield
    }) : () -> ()
    return
  }
}

#map = affine_map<(d0, d1) -> (0)>
#map1 = affine_map<(d0, d1) -> (0, 0)>
#map2 = affine_map<(d0, d1) -> (0, 0, 0)>
module attributes {stable_mosaic.version = 14 : i64} {
  func.func @_deg_kernel(%arg0: i32, %arg1: i32, %arg2: memref<320000xi32, #tpu.memory_space<hbm>>, %arg3: memref<80x128xf32, #tpu.memory_space<hbm>>, %arg4: memref<80xi32, #tpu.memory_space<hbm>>, %arg5: memref<2x10240x16xf32, #tpu.memory_space<hbm>>, %arg6: memref<80x128xf32, #tpu.memory_space<vmem_shared>>, %arg7: memref<128xi32, #tpu.memory_space<vmem>>, %arg8: memref<80x128xf32, #tpu.memory_space<vmem>>, %arg9: memref<16xi32, #tpu.memory_space<vmem>>, %arg10: memref<80xi32, #tpu.memory_space<vmem>>, %arg11: memref<640x16xf32, #tpu.memory_space<vmem>>) attributes {dimension_semantics = [#tpu.dimension_semantics<core_parallel>, #tpu.dimension_semantics<subcore_parallel>], iteration_bounds = array<i64: 2, 16>, scalar_prefetch = 0 : i64, scratch_operands = 6 : i64, tpu.core_type = #tpu.core_type<sc_vector_subcore>, window_params = [{transform_indices = #map}, {transform_indices = #map1}, {transform_indices = #map}, {transform_indices = #map2}]} {
    %mul3A = arith.constant 16 : i32
    %mul3A_0 = arith.muli %arg0, %mul3A : i32
    %add3A = arith.addi %mul3A_0, %arg1 : i32
    %eq3A = arith.constant 0 : i32
    %eq3A_1 = arith.cmpi eq, %arg1, %eq3A : i32
    %convert_element_type3A = arith.extui %eq3A_1 : i1 to i32
    %cond3A = arith.constant 0 : i32
    %cond3A_2 = arith.cmpi ne, %convert_element_type3A, %cond3A : i32
    scf.if %cond3A_2 {
      "tpu.region"() ({
        %run_scoped3A = tpu.sem_alloc : memref<!tpu.dma_semaphore, #tpu.memory_space<semaphore_mem>>
        tpu.enqueue_dma source(%arg3 : memref<80x128xf32, #tpu.memory_space<hbm>>) target(%arg6 : memref<80x128xf32, #tpu.memory_space<vmem_shared>>) target_semaphore(%run_scoped3A : memref<!tpu.dma_semaphore, #tpu.memory_space<semaphore_mem>>)
        tpu.wait_dma2 semaphore(%run_scoped3A : memref<!tpu.dma_semaphore, #tpu.memory_space<semaphore_mem>>) src(%arg3 : memref<80x128xf32, #tpu.memory_space<hbm>>) dst(%arg6 : memref<80x128xf32, #tpu.memory_space<vmem_shared>>)
        tpu.yield
      }) : () -> ()
    } else {
    }
    "tpu.region"() ({
      %run_scoped3A = tpu.sem_alloc : memref<!tpu.dma_semaphore, #tpu.memory_space<semaphore_mem>>
      tpu.enqueue_dma source(%arg3 : memref<80x128xf32, #tpu.memory_space<hbm>>) target(%arg8 : memref<80x128xf32, #tpu.memory_space<vmem>>) target_semaphore(%run_scoped3A : memref<!tpu.dma_semaphore, #tpu.memory_space<semaphore_mem>>)
      tpu.wait_dma2 semaphore(%run_scoped3A : memref<!tpu.dma_semaphore, #tpu.memory_space<semaphore_mem>>) src(%arg3 : memref<80x128xf32, #tpu.memory_space<hbm>>) dst(%arg8 : memref<80x128xf32, #tpu.memory_space<vmem>>)
      tpu.yield
    }) : () -> ()
    "tpu.region"() ({
      %run_scoped3A = tpu.sem_alloc : memref<!tpu.dma_semaphore, #tpu.memory_space<semaphore_mem>>
      tpu.enqueue_dma source(%arg4 : memref<80xi32, #tpu.memory_space<hbm>>) target(%arg10 : memref<80xi32, #tpu.memory_space<vmem>>) target_semaphore(%run_scoped3A : memref<!tpu.dma_semaphore, #tpu.memory_space<semaphore_mem>>)
      tpu.wait_dma2 semaphore(%run_scoped3A : memref<!tpu.dma_semaphore, #tpu.memory_space<semaphore_mem>>) src(%arg4 : memref<80xi32, #tpu.memory_space<hbm>>) dst(%arg10 : memref<80xi32, #tpu.memory_space<vmem>>)
      tpu.yield
    }) : () -> ()
    %barrier3A = arith.constant 0 : index
    tpu.barrier barrier_id(%barrier3A)
    %mul3A_3 = arith.constant 10000 : i32
    %mul3A_4 = arith.muli %add3A, %mul3A_3 : i32
    %iota3A = tpu.iota {dimensions = array<i32: 0>} : vector<16xi32>
    %scan3A = arith.constant 0 : i32
    %scan3A_5 = arith.constant 0 : i32
    %scan3A_6 = arith.constant 78 : i32
    %scan3A_7 = arith.addi %scan3A_5, %scan3A_6 : i32
    %scan3A_8 = arith.constant 1 : i32
    scf.for %scan3A_702 = %scan3A_5 to %scan3A_7 step %scan3A_8  : i32 {
      %mul3A_703 = arith.constant 128 : i32
      %mul3A_704 = arith.muli %scan3A_702, %mul3A_703 : i32
      %add3A_705 = arith.addi %mul3A_4, %mul3A_704 : i32
      "tpu.region"() ({
        %run_scoped3A = tpu.sem_alloc : memref<!tpu.dma_semaphore, #tpu.memory_space<semaphore_mem>>
        %dma_start3A = tpu.memref_slice %arg2[%add3A_705] : memref<320000xi32, #tpu.memory_space<hbm>> -> memref<128xi32, #tpu.memory_space<hbm>>
        %dma_start3A_810 = tpu.memref_slice %arg2[%add3A_705] : memref<320000xi32, #tpu.memory_space<hbm>> -> memref<128xi32, #tpu.memory_space<hbm>>
        tpu.enqueue_dma source(%dma_start3A_810 : memref<128xi32, #tpu.memory_space<hbm>>) target(%arg7 : memref<128xi32, #tpu.memory_space<vmem>>) target_semaphore(%run_scoped3A : memref<!tpu.dma_semaphore, #tpu.memory_space<semaphore_mem>>)
        %dma_wait3A = tpu.memref_slice %arg2[%add3A_705] : memref<320000xi32, #tpu.memory_space<hbm>> -> memref<128xi32, #tpu.memory_space<hbm>>
        %dma_wait3A_811 = tpu.memref_slice %arg2[%add3A_705] : memref<320000xi32, #tpu.memory_space<hbm>> -> memref<128xi32, #tpu.memory_space<hbm>>
        tpu.wait_dma2 semaphore(%run_scoped3A : memref<!tpu.dma_semaphore, #tpu.memory_space<semaphore_mem>>) src(%dma_wait3A_811 : memref<128xi32, #tpu.memory_space<hbm>>) dst(%arg7 : memref<128xi32, #tpu.memory_space<vmem>>)
        tpu.yield
      }) : () -> ()
      %get3A_706 = arith.constant 0 : index
      %get3A_707 = tpu.vector_load %arg7[%get3A_706] {strides = array<i32>} : memref<128xi32, #tpu.memory_space<vmem>>, vector<16xi32>,
      %broadcast_in_dim3A_708 = arith.constant true
      %broadcast_in_dim3A_709 = vector.broadcast %broadcast_in_dim3A_708 : i1 to vector<16xi1>
      %unique3A_710, %unique3A_711 = tpu.scan_count mask(%broadcast_in_dim3A_709 : vector<16xi1>) value(%get3A_707 : vector<16xi32>) : vector<16xi1>, vector<16xi32>
      %shift_right_arithmetic3A_712 = arith.constant 7 : i32
      %shift_right_arithmetic3A_713 = vector.broadcast %shift_right_arithmetic3A_712 : i32 to vector<16xi32>
      %shift_right_arithmetic3A_714 = arith.shrsi %get3A_707, %shift_right_arithmetic3A_713 : vector<16xi32>
      %and3A_715 = arith.constant 127 : i32
      %and3A_716 = vector.broadcast %and3A_715 : i32 to vector<16xi32>
      %and3A_717 = arith.andi %get3A_707, %and3A_716 : vector<16xi32>
      %convert_element_type3A_718 = arith.sitofp %unique3A_711 : vector<16xi32> to vector<16xf32>
      tpu.vector_store_idx %arg8[%shift_right_arithmetic3A_714, %and3A_717], %convert_element_type3A_718 masked %unique3A_710 {add = true} : memref<80x128xf32, #tpu.memory_space<vmem>>[vector<16xi32>, vector<16xi32>], vector<16xf32>, vector<16xi1>
      %get3A_719 = arith.constant 16 : index
      %get3A_720 = tpu.vector_load %arg7[%get3A_719] {strides = array<i32>} : memref<128xi32, #tpu.memory_space<vmem>>, vector<16xi32>,
      %broadcast_in_dim3A_721 = arith.constant true
      %broadcast_in_dim3A_722 = vector.broadcast %broadcast_in_dim3A_721 : i1 to vector<16xi1>
      %unique3A_723, %unique3A_724 = tpu.scan_count mask(%broadcast_in_dim3A_722 : vector<16xi1>) value(%get3A_720 : vector<16xi32>) : vector<16xi1>, vector<16xi32>
      %shift_right_arithmetic3A_725 = arith.constant 7 : i32
      %shift_right_arithmetic3A_726 = vector.broadcast %shift_right_arithmetic3A_725 : i32 to vector<16xi32>
      %shift_right_arithmetic3A_727 = arith.shrsi %get3A_720, %shift_right_arithmetic3A_726 : vector<16xi32>
      %and3A_728 = arith.constant 127 : i32
      %and3A_729 = vector.broadcast %and3A_728 : i32 to vector<16xi32>
      %and3A_730 = arith.andi %get3A_720, %and3A_729 : vector<16xi32>
      %convert_element_type3A_731 = arith.sitofp %unique3A_724 : vector<16xi32> to vector<16xf32>
      tpu.vector_store_idx %arg8[%shift_right_arithmetic3A_727, %and3A_730], %convert_element_type3A_731 masked %unique3A_723 {add = true} : memref<80x128xf32, #tpu.memory_space<vmem>>[vector<16xi32>, vector<16xi32>], vector<16xf32>, vector<16xi1>
      %get3A_732 = arith.constant 32 : index
      %get3A_733 = tpu.vector_load %arg7[%get3A_732] {strides = array<i32>} : memref<128xi32, #tpu.memory_space<vmem>>, vector<16xi32>,
      %broadcast_in_dim3A_734 = arith.constant true
      %broadcast_in_dim3A_735 = vector.broadcast %broadcast_in_dim3A_734 : i1 to vector<16xi1>
      %unique3A_736, %unique3A_737 = tpu.scan_count mask(%broadcast_in_dim3A_735 : vector<16xi1>) value(%get3A_733 : vector<16xi32>) : vector<16xi1>, vector<16xi32>
      %shift_right_arithmetic3A_738 = arith.constant 7 : i32
      %shift_right_arithmetic3A_739 = vector.broadcast %shift_right_arithmetic3A_738 : i32 to vector<16xi32>
      %shift_right_arithmetic3A_740 = arith.shrsi %get3A_733, %shift_right_arithmetic3A_739 : vector<16xi32>
      %and3A_741 = arith.constant 127 : i32
      %and3A_742 = vector.broadcast %and3A_741 : i32 to vector<16xi32>
      %and3A_743 = arith.andi %get3A_733, %and3A_742 : vector<16xi32>
      %convert_element_type3A_744 = arith.sitofp %unique3A_737 : vector<16xi32> to vector<16xf32>
      tpu.vector_store_idx %arg8[%shift_right_arithmetic3A_740, %and3A_743], %convert_element_type3A_744 masked %unique3A_736 {add = true} : memref<80x128xf32, #tpu.memory_space<vmem>>[vector<16xi32>, vector<16xi32>], vector<16xf32>, vector<16xi1>
      %get3A_745 = arith.constant 48 : index
      %get3A_746 = tpu.vector_load %arg7[%get3A_745] {strides = array<i32>} : memref<128xi32, #tpu.memory_space<vmem>>, vector<16xi32>,
      %broadcast_in_dim3A_747 = arith.constant true
      %broadcast_in_dim3A_748 = vector.broadcast %broadcast_in_dim3A_747 : i1 to vector<16xi1>
      %unique3A_749, %unique3A_750 = tpu.scan_count mask(%broadcast_in_dim3A_748 : vector<16xi1>) value(%get3A_746 : vector<16xi32>) : vector<16xi1>, vector<16xi32>
      %shift_right_arithmetic3A_751 = arith.constant 7 : i32
      %shift_right_arithmetic3A_752 = vector.broadcast %shift_right_arithmetic3A_751 : i32 to vector<16xi32>
      %shift_right_arithmetic3A_753 = arith.shrsi %get3A_746, %shift_right_arithmetic3A_752 : vector<16xi32>
      %and3A_754 = arith.constant 127 : i32
      %and3A_755 = vector.broadcast %and3A_754 : i32 to vector<16xi32>
      %and3A_756 = arith.andi %get3A_746, %and3A_755 : vector<16xi32>
      %convert_element_type3A_757 = arith.sitofp %unique3A_750 : vector<16xi32> to vector<16xf32>
      tpu.vector_store_idx %arg8[%shift_right_arithmetic3A_753, %and3A_756], %convert_element_type3A_757 masked %unique3A_749 {add = true} : memref<80x128xf32, #tpu.memory_space<vmem>>[vector<16xi32>, vector<16xi32>], vector<16xf32>, vector<16xi1>
      %get3A_758 = arith.constant 64 : index
      %get3A_759 = tpu.vector_load %arg7[%get3A_758] {strides = array<i32>} : memref<128xi32, #tpu.memory_space<vmem>>, vector<16xi32>,
      %broadcast_in_dim3A_760 = arith.constant true
      %broadcast_in_dim3A_761 = vector.broadcast %broadcast_in_dim3A_760 : i1 to vector<16xi1>
      %unique3A_762, %unique3A_763 = tpu.scan_count mask(%broadcast_in_dim3A_761 : vector<16xi1>) value(%get3A_759 : vector<16xi32>) : vector<16xi1>, vector<16xi32>
      %shift_right_arithmetic3A_764 = arith.constant 7 : i32
      %shift_right_arithmetic3A_765 = vector.broadcast %shift_right_arithmetic3A_764 : i32 to vector<16xi32>
      %shift_right_arithmetic3A_766 = arith.shrsi %get3A_759, %shift_right_arithmetic3A_765 : vector<16xi32>
      %and3A_767 = arith.constant 127 : i32
      %and3A_768 = vector.broadcast %and3A_767 : i32 to vector<16xi32>
      %and3A_769 = arith.andi %get3A_759, %and3A_768 : vector<16xi32>
      %convert_element_type3A_770 = arith.sitofp %unique3A_763 : vector<16xi32> to vector<16xf32>
      tpu.vector_store_idx %arg8[%shift_right_arithmetic3A_766, %and3A_769], %convert_element_type3A_770 masked %unique3A_762 {add = true} : memref<80x128xf32, #tpu.memory_space<vmem>>[vector<16xi32>, vector<16xi32>], vector<16xf32>, vector<16xi1>
      %get3A_771 = arith.constant 80 : index
      %get3A_772 = tpu.vector_load %arg7[%get3A_771] {strides = array<i32>} : memref<128xi32, #tpu.memory_space<vmem>>, vector<16xi32>,
      %broadcast_in_dim3A_773 = arith.constant true
      %broadcast_in_dim3A_774 = vector.broadcast %broadcast_in_dim3A_773 : i1 to vector<16xi1>
      %unique3A_775, %unique3A_776 = tpu.scan_count mask(%broadcast_in_dim3A_774 : vector<16xi1>) value(%get3A_772 : vector<16xi32>) : vector<16xi1>, vector<16xi32>
      %shift_right_arithmetic3A_777 = arith.constant 7 : i32
      %shift_right_arithmetic3A_778 = vector.broadcast %shift_right_arithmetic3A_777 : i32 to vector<16xi32>
      %shift_right_arithmetic3A_779 = arith.shrsi %get3A_772, %shift_right_arithmetic3A_778 : vector<16xi32>
      %and3A_780 = arith.constant 127 : i32
      %and3A_781 = vector.broadcast %and3A_780 : i32 to vector<16xi32>
      %and3A_782 = arith.andi %get3A_772, %and3A_781 : vector<16xi32>
      %convert_element_type3A_783 = arith.sitofp %unique3A_776 : vector<16xi32> to vector<16xf32>
      tpu.vector_store_idx %arg8[%shift_right_arithmetic3A_779, %and3A_782], %convert_element_type3A_783 masked %unique3A_775 {add = true} : memref<80x128xf32, #tpu.memory_space<vmem>>[vector<16xi32>, vector<16xi32>], vector<16xf32>, vector<16xi1>
      %get3A_784 = arith.constant 96 : index
      %get3A_785 = tpu.vector_load %arg7[%get3A_784] {strides = array<i32>} : memref<128xi32, #tpu.memory_space<vmem>>, vector<16xi32>,
      %broadcast_in_dim3A_786 = arith.constant true
      %broadcast_in_dim3A_787 = vector.broadcast %broadcast_in_dim3A_786 : i1 to vector<16xi1>
      %unique3A_788, %unique3A_789 = tpu.scan_count mask(%broadcast_in_dim3A_787 : vector<16xi1>) value(%get3A_785 : vector<16xi32>) : vector<16xi1>, vector<16xi32>
      %shift_right_arithmetic3A_790 = arith.constant 7 : i32
      %shift_right_arithmetic3A_791 = vector.broadcast %shift_right_arithmetic3A_790 : i32 to vector<16xi32>
      %shift_right_arithmetic3A_792 = arith.shrsi %get3A_785, %shift_right_arithmetic3A_791 : vector<16xi32>
      %and3A_793 = arith.constant 127 : i32
      %and3A_794 = vector.broadcast %and3A_793 : i32 to vector<16xi32>
      %and3A_795 = arith.andi %get3A_785, %and3A_794 : vector<16xi32>
      %convert_element_type3A_796 = arith.sitofp %unique3A_789 : vector<16xi32> to vector<16xf32>
      tpu.vector_store_idx %arg8[%shift_right_arithmetic3A_792, %and3A_795], %convert_element_type3A_796 masked %unique3A_788 {add = true} : memref<80x128xf32, #tpu.memory_space<vmem>>[vector<16xi32>, vector<16xi32>], vector<16xf32>, vector<16xi1>
      %get3A_797 = arith.constant 112 : index
      %get3A_798 = tpu.vector_load %arg7[%get3A_797] {strides = array<i32>} : memref<128xi32, #tpu.memory_space<vmem>>, vector<16xi32>,
      %broadcast_in_dim3A_799 = arith.constant true
      %broadcast_in_dim3A_800 = vector.broadcast %broadcast_in_dim3A_799 : i1 to vector<16xi1>
      %unique3A_801, %unique3A_802 = tpu.scan_count mask(%broadcast_in_dim3A_800 : vector<16xi1>) value(%get3A_798 : vector<16xi32>) : vector<16xi1>, vector<16xi32>
      %shift_right_arithmetic3A_803 = arith.constant 7 : i32
      %shift_right_arithmetic3A_804 = vector.broadcast %shift_right_arithmetic3A_803 : i32 to vector<16xi32>
      %shift_right_arithmetic3A_805 = arith.shrsi %get3A_798, %shift_right_arithmetic3A_804 : vector<16xi32>
      %and3A_806 = arith.constant 127 : i32
      %and3A_807 = vector.broadcast %and3A_806 : i32 to vector<16xi32>
      %and3A_808 = arith.andi %get3A_798, %and3A_807 : vector<16xi32>
      %convert_element_type3A_809 = arith.sitofp %unique3A_802 : vector<16xi32> to vector<16xf32>
      tpu.vector_store_idx %arg8[%shift_right_arithmetic3A_805, %and3A_808], %convert_element_type3A_809 masked %unique3A_801 {add = true} : memref<80x128xf32, #tpu.memory_space<vmem>>[vector<16xi32>, vector<16xi32>], vector<16xf32>, vector<16xi1>
    }
    %scan3A_9 = arith.constant 78 : i32
    %add3A_10 = arith.constant 9984 : i32
    %add3A_11 = arith.addi %mul3A_4, %add3A_10 : i32
    "tpu.region"() ({
      %run_scoped3A = tpu.sem_alloc : memref<!tpu.dma_semaphore, #tpu.memory_space<semaphore_mem>>
      %dma_start3A = tpu.memref_slice %arg2[%add3A_11] : memref<320000xi32, #tpu.memory_space<hbm>> -> memref<16xi32, #tpu.memory_space<hbm>>
      %dma_start3A_702 = tpu.memref_slice %arg2[%add3A_11] : memref<320000xi32, #tpu.memory_space<hbm>> -> memref<16xi32, #tpu.memory_space<hbm>>
      tpu.enqueue_dma source(%dma_start3A_702 : memref<16xi32, #tpu.memory_space<hbm>>) target(%arg9 : memref<16xi32, #tpu.memory_space<vmem>>) target_semaphore(%run_scoped3A : memref<!tpu.dma_semaphore, #tpu.memory_space<semaphore_mem>>)
      %dma_wait3A = tpu.memref_slice %arg2[%add3A_11] : memref<320000xi32, #tpu.memory_space<hbm>> -> memref<16xi32, #tpu.memory_space<hbm>>
      %dma_wait3A_703 = tpu.memref_slice %arg2[%add3A_11] : memref<320000xi32, #tpu.memory_space<hbm>> -> memref<16xi32, #tpu.memory_space<hbm>>
      tpu.wait_dma2 semaphore(%run_scoped3A : memref<!tpu.dma_semaphore, #tpu.memory_space<semaphore_mem>>) src(%dma_wait3A_703 : memref<16xi32, #tpu.memory_space<hbm>>) dst(%arg9 : memref<16xi32, #tpu.memory_space<vmem>>)
      tpu.yield
    }) : () -> ()
    %get3A = arith.constant 0 : index
    %get3A_12 = tpu.vector_load %arg9[%get3A] {strides = array<i32>} : memref<16xi32, #tpu.memory_space<vmem>>, vector<16xi32>,
    %broadcast_in_dim3A = arith.constant true
    %broadcast_in_dim3A_13 = vector.broadcast %broadcast_in_dim3A : i1 to vector<16xi1>
    %unique3A, %unique3A_14 = tpu.scan_count mask(%broadcast_in_dim3A_13 : vector<16xi1>) value(%get3A_12 : vector<16xi32>) : vector<16xi1>, vector<16xi32>
    %shift_right_arithmetic3A = arith.constant 7 : i32
    %shift_right_arithmetic3A_15 = vector.broadcast %shift_right_arithmetic3A : i32 to vector<16xi32>
    %shift_right_arithmetic3A_16 = arith.shrsi %get3A_12, %shift_right_arithmetic3A_15 : vector<16xi32>
    %and3A = arith.constant 127 : i32
    %and3A_17 = vector.broadcast %and3A : i32 to vector<16xi32>
    %and3A_18 = arith.andi %get3A_12, %and3A_17 : vector<16xi32>
    %convert_element_type3A_19 = arith.sitofp %unique3A_14 : vector<16xi32> to vector<16xf32>
    tpu.vector_store_idx %arg8[%shift_right_arithmetic3A_16, %and3A_18], %convert_element_type3A_19 masked %unique3A {add = true} : memref<80x128xf32, #tpu.memory_space<vmem>>[vector<16xi32>, vector<16xi32>], vector<16xf32>, vector<16xi1>
    "tpu.region"() ({
      %run_scoped3A = tpu.sem_alloc : memref<!tpu.dma_semaphore, #tpu.memory_space<semaphore_mem>>
      %dma_start3A = arith.constant 0 : i32
      %dma_start3A_702 = arith.constant 0 : i32
      %dma_start3A_703 = tpu.memref_slice %arg6[%dma_start3A, %dma_start3A_702] : memref<80x128xf32, #tpu.memory_space<vmem_shared>> -> memref<80x128xf32, #tpu.memory_space<vmem_shared>>
      tpu.enqueue_indirect_dma source(%arg8 : memref<80x128xf32, #tpu.memory_space<vmem>>) target(%dma_start3A_703 : memref<80x128xf32, #tpu.memory_space<vmem_shared>>) offsets(%arg10 : memref<80xi32, #tpu.memory_space<vmem>>) semaphore(%run_scoped3A : memref<!tpu.dma_semaphore, #tpu.memory_space<semaphore_mem>>) {add = true}
      %dma_wait3A = arith.constant 0 : i32
      %dma_wait3A_704 = arith.constant 0 : i32
      %dma_wait3A_705 = tpu.memref_slice %arg6[%dma_wait3A, %dma_wait3A_704] : memref<80x128xf32, #tpu.memory_space<vmem_shared>> -> memref<80x128xf32, #tpu.memory_space<vmem_shared>>
      tpu.wait_indirect_dma semaphore(%run_scoped3A : memref<!tpu.dma_semaphore, #tpu.memory_space<semaphore_mem>>) src(%arg8 : memref<80x128xf32, #tpu.memory_space<vmem>>) dst(%dma_wait3A_705 : memref<80x128xf32, #tpu.memory_space<vmem_shared>>)
      tpu.yield
    }) : () -> ()
    %barrier3A_20 = arith.constant 0 : index
    tpu.barrier barrier_id(%barrier3A_20)
    "tpu.region"() ({
      %run_scoped3A = tpu.sem_alloc : memref<!tpu.dma_semaphore, #tpu.memory_space<semaphore_mem>>
      tpu.enqueue_dma source(%arg6 : memref<80x128xf32, #tpu.memory_space<vmem_shared>>) target(%arg8 : memref<80x128xf32, #tpu.memory_space<vmem>>) target_semaphore(%run_scoped3A : memref<!tpu.dma_semaphore, #tpu.memory_space<semaphore_mem>>)
      tpu.wait_dma2 semaphore(%run_scoped3A : memref<!tpu.dma_semaphore, #tpu.memory_space<semaphore_mem>>) src(%arg6 : memref<80x128xf32, #tpu.memory_space<vmem_shared>>) dst(%arg8 : memref<80x128xf32, #tpu.memory_space<vmem>>)
      tpu.yield
    }) : () -> ()
    %mul3A_21 = arith.constant 640 : i32
    %mul3A_22 = arith.muli %arg1, %mul3A_21 : i32
    %add3A_23 = arith.constant 0 : i32
    %add3A_24 = arith.addi %mul3A_22, %add3A_23 : i32
    %add3A_25 = vector.broadcast %add3A_24 : i32 to vector<16xi32>
    %add3A_26 = arith.addi %add3A_25, %iota3A : vector<16xi32>
    %shift_right_arithmetic3A_27 = arith.constant 7 : i32
    %shift_right_arithmetic3A_28 = vector.broadcast %shift_right_arithmetic3A_27 : i32 to vector<16xi32>
    %shift_right_arithmetic3A_29 = arith.shrsi %add3A_26, %shift_right_arithmetic3A_28 : vector<16xi32>
    %and3A_30 = arith.constant 127 : i32
    %and3A_31 = vector.broadcast %and3A_30 : i32 to vector<16xi32>
    %and3A_32 = arith.andi %add3A_26, %and3A_31 : vector<16xi32>
    %gather3A = tpu.vector_load_idx %arg8[%shift_right_arithmetic3A_29, %and3A_32] : memref<80x128xf32, #tpu.memory_space<vmem>>[vector<16xi32>, vector<16xi32>], vector<16xf32>,
    %add3A_33 = arith.constant 0 : i32
    %add3A_34 = vector.broadcast %add3A_33 : i32 to vector<16xi32>
    %add3A_35 = arith.addi %add3A_34, %iota3A : vector<16xi32>
    %mul3A_36 = arith.constant 0 : i32
    %mul3A_37 = vector.broadcast %mul3A_36 : i32 to vector<16xi32>
    %mul3A_38 = arith.muli %iota3A, %mul3A_37 : vector<16xi32>
    tpu.vector_store_idx %arg11[%add3A_35, %mul3A_38], %gather3A : memref<640x16xf32, #tpu.memory_space<vmem>>[vector<16xi32>, vector<16xi32>], vector<16xf32>,
    %add3A_39 = arith.constant 16 : i32
    %add3A_40 = arith.addi %mul3A_22, %add3A_39 : i32
    %add3A_41 = vector.broadcast %add3A_40 : i32 to vector<16xi32>
    %add3A_42 = arith.addi %add3A_41, %iota3A : vector<16xi32>
    %shift_right_arithmetic3A_43 = arith.constant 7 : i32
    %shift_right_arithmetic3A_44 = vector.broadcast %shift_right_arithmetic3A_43 : i32 to vector<16xi32>
    %shift_right_arithmetic3A_45 = arith.shrsi %add3A_42, %shift_right_arithmetic3A_44 : vector<16xi32>
    %and3A_46 = arith.constant 127 : i32
    %and3A_47 = vector.broadcast %and3A_46 : i32 to vector<16xi32>
    %and3A_48 = arith.andi %add3A_42, %and3A_47 : vector<16xi32>
    %gather3A_49 = tpu.vector_load_idx %arg8[%shift_right_arithmetic3A_45, %and3A_48] : memref<80x128xf32, #tpu.memory_space<vmem>>[vector<16xi32>, vector<16xi32>], vector<16xf32>,
    %add3A_50 = arith.constant 16 : i32
    %add3A_51 = vector.broadcast %add3A_50 : i32 to vector<16xi32>
    %add3A_52 = arith.addi %add3A_51, %iota3A : vector<16xi32>
    %mul3A_53 = arith.constant 0 : i32
    %mul3A_54 = vector.broadcast %mul3A_53 : i32 to vector<16xi32>
    %mul3A_55 = arith.muli %iota3A, %mul3A_54 : vector<16xi32>
    tpu.vector_store_idx %arg11[%add3A_52, %mul3A_55], %gather3A_49 : memref<640x16xf32, #tpu.memory_space<vmem>>[vector<16xi32>, vector<16xi32>], vector<16xf32>,
    %add3A_56 = arith.constant 32 : i32
    %add3A_57 = arith.addi %mul3A_22, %add3A_56 : i32
    %add3A_58 = vector.broadcast %add3A_57 : i32 to vector<16xi32>
    %add3A_59 = arith.addi %add3A_58, %iota3A : vector<16xi32>
    %shift_right_arithmetic3A_60 = arith.constant 7 : i32
    %shift_right_arithmetic3A_61 = vector.broadcast %shift_right_arithmetic3A_60 : i32 to vector<16xi32>
    %shift_right_arithmetic3A_62 = arith.shrsi %add3A_59, %shift_right_arithmetic3A_61 : vector<16xi32>
    %and3A_63 = arith.constant 127 : i32
    %and3A_64 = vector.broadcast %and3A_63 : i32 to vector<16xi32>
    %and3A_65 = arith.andi %add3A_59, %and3A_64 : vector<16xi32>
    %gather3A_66 = tpu.vector_load_idx %arg8[%shift_right_arithmetic3A_62, %and3A_65] : memref<80x128xf32, #tpu.memory_space<vmem>>[vector<16xi32>, vector<16xi32>], vector<16xf32>,
    %add3A_67 = arith.constant 32 : i32
    %add3A_68 = vector.broadcast %add3A_67 : i32 to vector<16xi32>
    %add3A_69 = arith.addi %add3A_68, %iota3A : vector<16xi32>
    %mul3A_70 = arith.constant 0 : i32
    %mul3A_71 = vector.broadcast %mul3A_70 : i32 to vector<16xi32>
    %mul3A_72 = arith.muli %iota3A, %mul3A_71 : vector<16xi32>
    tpu.vector_store_idx %arg11[%add3A_69, %mul3A_72], %gather3A_66 : memref<640x16xf32, #tpu.memory_space<vmem>>[vector<16xi32>, vector<16xi32>], vector<16xf32>,
    %add3A_73 = arith.constant 48 : i32
    %add3A_74 = arith.addi %mul3A_22, %add3A_73 : i32
    %add3A_75 = vector.broadcast %add3A_74 : i32 to vector<16xi32>
    %add3A_76 = arith.addi %add3A_75, %iota3A : vector<16xi32>
    %shift_right_arithmetic3A_77 = arith.constant 7 : i32
    %shift_right_arithmetic3A_78 = vector.broadcast %shift_right_arithmetic3A_77 : i32 to vector<16xi32>
    %shift_right_arithmetic3A_79 = arith.shrsi %add3A_76, %shift_right_arithmetic3A_78 : vector<16xi32>
    %and3A_80 = arith.constant 127 : i32
    %and3A_81 = vector.broadcast %and3A_80 : i32 to vector<16xi32>
    %and3A_82 = arith.andi %add3A_76, %and3A_81 : vector<16xi32>
    %gather3A_83 = tpu.vector_load_idx %arg8[%shift_right_arithmetic3A_79, %and3A_82] : memref<80x128xf32, #tpu.memory_space<vmem>>[vector<16xi32>, vector<16xi32>], vector<16xf32>,
    %add3A_84 = arith.constant 48 : i32
    %add3A_85 = vector.broadcast %add3A_84 : i32 to vector<16xi32>
    %add3A_86 = arith.addi %add3A_85, %iota3A : vector<16xi32>
    %mul3A_87 = arith.constant 0 : i32
    %mul3A_88 = vector.broadcast %mul3A_87 : i32 to vector<16xi32>
    %mul3A_89 = arith.muli %iota3A, %mul3A_88 : vector<16xi32>
    tpu.vector_store_idx %arg11[%add3A_86, %mul3A_89], %gather3A_83 : memref<640x16xf32, #tpu.memory_space<vmem>>[vector<16xi32>, vector<16xi32>], vector<16xf32>,
    %add3A_90 = arith.constant 64 : i32
    %add3A_91 = arith.addi %mul3A_22, %add3A_90 : i32
    %add3A_92 = vector.broadcast %add3A_91 : i32 to vector<16xi32>
    %add3A_93 = arith.addi %add3A_92, %iota3A : vector<16xi32>
    %shift_right_arithmetic3A_94 = arith.constant 7 : i32
    %shift_right_arithmetic3A_95 = vector.broadcast %shift_right_arithmetic3A_94 : i32 to vector<16xi32>
    %shift_right_arithmetic3A_96 = arith.shrsi %add3A_93, %shift_right_arithmetic3A_95 : vector<16xi32>
    %and3A_97 = arith.constant 127 : i32
    %and3A_98 = vector.broadcast %and3A_97 : i32 to vector<16xi32>
    %and3A_99 = arith.andi %add3A_93, %and3A_98 : vector<16xi32>
    %gather3A_100 = tpu.vector_load_idx %arg8[%shift_right_arithmetic3A_96, %and3A_99] : memref<80x128xf32, #tpu.memory_space<vmem>>[vector<16xi32>, vector<16xi32>], vector<16xf32>,
    %add3A_101 = arith.constant 64 : i32
    %add3A_102 = vector.broadcast %add3A_101 : i32 to vector<16xi32>
    %add3A_103 = arith.addi %add3A_102, %iota3A : vector<16xi32>
    %mul3A_104 = arith.constant 0 : i32
    %mul3A_105 = vector.broadcast %mul3A_104 : i32 to vector<16xi32>
    %mul3A_106 = arith.muli %iota3A, %mul3A_105 : vector<16xi32>
    tpu.vector_store_idx %arg11[%add3A_103, %mul3A_106], %gather3A_100 : memref<640x16xf32, #tpu.memory_space<vmem>>[vector<16xi32>, vector<16xi32>], vector<16xf32>,
    %add3A_107 = arith.constant 80 : i32
    %add3A_108 = arith.addi %mul3A_22, %add3A_107 : i32
    %add3A_109 = vector.broadcast %add3A_108 : i32 to vector<16xi32>
    %add3A_110 = arith.addi %add3A_109, %iota3A : vector<16xi32>
    %shift_right_arithmetic3A_111 = arith.constant 7 : i32
    %shift_right_arithmetic3A_112 = vector.broadcast %shift_right_arithmetic3A_111 : i32 to vector<16xi32>
    %shift_right_arithmetic3A_113 = arith.shrsi %add3A_110, %shift_right_arithmetic3A_112 : vector<16xi32>
    %and3A_114 = arith.constant 127 : i32
    %and3A_115 = vector.broadcast %and3A_114 : i32 to vector<16xi32>
    %and3A_116 = arith.andi %add3A_110, %and3A_115 : vector<16xi32>
    %gather3A_117 = tpu.vector_load_idx %arg8[%shift_right_arithmetic3A_113, %and3A_116] : memref<80x128xf32, #tpu.memory_space<vmem>>[vector<16xi32>, vector<16xi32>], vector<16xf32>,
    %add3A_118 = arith.constant 80 : i32
    %add3A_119 = vector.broadcast %add3A_118 : i32 to vector<16xi32>
    %add3A_120 = arith.addi %add3A_119, %iota3A : vector<16xi32>
    %mul3A_121 = arith.constant 0 : i32
    %mul3A_122 = vector.broadcast %mul3A_121 : i32 to vector<16xi32>
    %mul3A_123 = arith.muli %iota3A, %mul3A_122 : vector<16xi32>
    tpu.vector_store_idx %arg11[%add3A_120, %mul3A_123], %gather3A_117 : memref<640x16xf32, #tpu.memory_space<vmem>>[vector<16xi32>, vector<16xi32>], vector<16xf32>,
    %add3A_124 = arith.constant 96 : i32
    %add3A_125 = arith.addi %mul3A_22, %add3A_124 : i32
    %add3A_126 = vector.broadcast %add3A_125 : i32 to vector<16xi32>
    %add3A_127 = arith.addi %add3A_126, %iota3A : vector<16xi32>
    %shift_right_arithmetic3A_128 = arith.constant 7 : i32
    %shift_right_arithmetic3A_129 = vector.broadcast %shift_right_arithmetic3A_128 : i32 to vector<16xi32>
    %shift_right_arithmetic3A_130 = arith.shrsi %add3A_127, %shift_right_arithmetic3A_129 : vector<16xi32>
    %and3A_131 = arith.constant 127 : i32
    %and3A_132 = vector.broadcast %and3A_131 : i32 to vector<16xi32>
    %and3A_133 = arith.andi %add3A_127, %and3A_132 : vector<16xi32>
    %gather3A_134 = tpu.vector_load_idx %arg8[%shift_right_arithmetic3A_130, %and3A_133] : memref<80x128xf32, #tpu.memory_space<vmem>>[vector<16xi32>, vector<16xi32>], vector<16xf32>,
    %add3A_135 = arith.constant 96 : i32
    %add3A_136 = vector.broadcast %add3A_135 : i32 to vector<16xi32>
    %add3A_137 = arith.addi %add3A_136, %iota3A : vector<16xi32>
    %mul3A_138 = arith.constant 0 : i32
    %mul3A_139 = vector.broadcast %mul3A_138 : i32 to vector<16xi32>
    %mul3A_140 = arith.muli %iota3A, %mul3A_139 : vector<16xi32>
    tpu.vector_store_idx %arg11[%add3A_137, %mul3A_140], %gather3A_134 : memref<640x16xf32, #tpu.memory_space<vmem>>[vector<16xi32>, vector<16xi32>], vector<16xf32>,
    %add3A_141 = arith.constant 112 : i32
    %add3A_142 = arith.addi %mul3A_22, %add3A_141 : i32
    %add3A_143 = vector.broadcast %add3A_142 : i32 to vector<16xi32>
    %add3A_144 = arith.addi %add3A_143, %iota3A : vector<16xi32>
    %shift_right_arithmetic3A_145 = arith.constant 7 : i32
    %shift_right_arithmetic3A_146 = vector.broadcast %shift_right_arithmetic3A_145 : i32 to vector<16xi32>
    %shift_right_arithmetic3A_147 = arith.shrsi %add3A_144, %shift_right_arithmetic3A_146 : vector<16xi32>
    %and3A_148 = arith.constant 127 : i32
    %and3A_149 = vector.broadcast %and3A_148 : i32 to vector<16xi32>
    %and3A_150 = arith.andi %add3A_144, %and3A_149 : vector<16xi32>
    %gather3A_151 = tpu.vector_load_idx %arg8[%shift_right_arithmetic3A_147, %and3A_150] : memref<80x128xf32, #tpu.memory_space<vmem>>[vector<16xi32>, vector<16xi32>], vector<16xf32>,
    %add3A_152 = arith.constant 112 : i32
    %add3A_153 = vector.broadcast %add3A_152 : i32 to vector<16xi32>
    %add3A_154 = arith.addi %add3A_153, %iota3A : vector<16xi32>
    %mul3A_155 = arith.constant 0 : i32
    %mul3A_156 = vector.broadcast %mul3A_155 : i32 to vector<16xi32>
    %mul3A_157 = arith.muli %iota3A, %mul3A_156 : vector<16xi32>
    tpu.vector_store_idx %arg11[%add3A_154, %mul3A_157], %gather3A_151 : memref<640x16xf32, #tpu.memory_space<vmem>>[vector<16xi32>, vector<16xi32>], vector<16xf32>,
    %add3A_158 = arith.constant 128 : i32
    %add3A_159 = arith.addi %mul3A_22, %add3A_158 : i32
    %add3A_160 = vector.broadcast %add3A_159 : i32 to vector<16xi32>
    %add3A_161 = arith.addi %add3A_160, %iota3A : vector<16xi32>
    %shift_right_arithmetic3A_162 = arith.constant 7 : i32
    %shift_right_arithmetic3A_163 = vector.broadcast %shift_right_arithmetic3A_162 : i32 to vector<16xi32>
    %shift_right_arithmetic3A_164 = arith.shrsi %add3A_161, %shift_right_arithmetic3A_163 : vector<16xi32>
    %and3A_165 = arith.constant 127 : i32
    %and3A_166 = vector.broadcast %and3A_165 : i32 to vector<16xi32>
    %and3A_167 = arith.andi %add3A_161, %and3A_166 : vector<16xi32>
    %gather3A_168 = tpu.vector_load_idx %arg8[%shift_right_arithmetic3A_164, %and3A_167] : memref<80x128xf32, #tpu.memory_space<vmem>>[vector<16xi32>, vector<16xi32>], vector<16xf32>,
    %add3A_169 = arith.constant 128 : i32
    %add3A_170 = vector.broadcast %add3A_169 : i32 to vector<16xi32>
    %add3A_171 = arith.addi %add3A_170, %iota3A : vector<16xi32>
    %mul3A_172 = arith.constant 0 : i32
    %mul3A_173 = vector.broadcast %mul3A_172 : i32 to vector<16xi32>
    %mul3A_174 = arith.muli %iota3A, %mul3A_173 : vector<16xi32>
    tpu.vector_store_idx %arg11[%add3A_171, %mul3A_174], %gather3A_168 : memref<640x16xf32, #tpu.memory_space<vmem>>[vector<16xi32>, vector<16xi32>], vector<16xf32>,
    %add3A_175 = arith.constant 144 : i32
    %add3A_176 = arith.addi %mul3A_22, %add3A_175 : i32
    %add3A_177 = vector.broadcast %add3A_176 : i32 to vector<16xi32>
    %add3A_178 = arith.addi %add3A_177, %iota3A : vector<16xi32>
    %shift_right_arithmetic3A_179 = arith.constant 7 : i32
    %shift_right_arithmetic3A_180 = vector.broadcast %shift_right_arithmetic3A_179 : i32 to vector<16xi32>
    %shift_right_arithmetic3A_181 = arith.shrsi %add3A_178, %shift_right_arithmetic3A_180 : vector<16xi32>
    %and3A_182 = arith.constant 127 : i32
    %and3A_183 = vector.broadcast %and3A_182 : i32 to vector<16xi32>
    %and3A_184 = arith.andi %add3A_178, %and3A_183 : vector<16xi32>
    %gather3A_185 = tpu.vector_load_idx %arg8[%shift_right_arithmetic3A_181, %and3A_184] : memref<80x128xf32, #tpu.memory_space<vmem>>[vector<16xi32>, vector<16xi32>], vector<16xf32>,
    %add3A_186 = arith.constant 144 : i32
    %add3A_187 = vector.broadcast %add3A_186 : i32 to vector<16xi32>
    %add3A_188 = arith.addi %add3A_187, %iota3A : vector<16xi32>
    %mul3A_189 = arith.constant 0 : i32
    %mul3A_190 = vector.broadcast %mul3A_189 : i32 to vector<16xi32>
    %mul3A_191 = arith.muli %iota3A, %mul3A_190 : vector<16xi32>
    tpu.vector_store_idx %arg11[%add3A_188, %mul3A_191], %gather3A_185 : memref<640x16xf32, #tpu.memory_space<vmem>>[vector<16xi32>, vector<16xi32>], vector<16xf32>,
    %add3A_192 = arith.constant 160 : i32
    %add3A_193 = arith.addi %mul3A_22, %add3A_192 : i32
    %add3A_194 = vector.broadcast %add3A_193 : i32 to vector<16xi32>
    %add3A_195 = arith.addi %add3A_194, %iota3A : vector<16xi32>
    %shift_right_arithmetic3A_196 = arith.constant 7 : i32
    %shift_right_arithmetic3A_197 = vector.broadcast %shift_right_arithmetic3A_196 : i32 to vector<16xi32>
    %shift_right_arithmetic3A_198 = arith.shrsi %add3A_195, %shift_right_arithmetic3A_197 : vector<16xi32>
    %and3A_199 = arith.constant 127 : i32
    %and3A_200 = vector.broadcast %and3A_199 : i32 to vector<16xi32>
    %and3A_201 = arith.andi %add3A_195, %and3A_200 : vector<16xi32>
    %gather3A_202 = tpu.vector_load_idx %arg8[%shift_right_arithmetic3A_198, %and3A_201] : memref<80x128xf32, #tpu.memory_space<vmem>>[vector<16xi32>, vector<16xi32>], vector<16xf32>,
    %add3A_203 = arith.constant 160 : i32
    %add3A_204 = vector.broadcast %add3A_203 : i32 to vector<16xi32>
    %add3A_205 = arith.addi %add3A_204, %iota3A : vector<16xi32>
    %mul3A_206 = arith.constant 0 : i32
    %mul3A_207 = vector.broadcast %mul3A_206 : i32 to vector<16xi32>
    %mul3A_208 = arith.muli %iota3A, %mul3A_207 : vector<16xi32>
    tpu.vector_store_idx %arg11[%add3A_205, %mul3A_208], %gather3A_202 : memref<640x16xf32, #tpu.memory_space<vmem>>[vector<16xi32>, vector<16xi32>], vector<16xf32>,
    %add3A_209 = arith.constant 176 : i32
    %add3A_210 = arith.addi %mul3A_22, %add3A_209 : i32
    %add3A_211 = vector.broadcast %add3A_210 : i32 to vector<16xi32>
    %add3A_212 = arith.addi %add3A_211, %iota3A : vector<16xi32>
    %shift_right_arithmetic3A_213 = arith.constant 7 : i32
    %shift_right_arithmetic3A_214 = vector.broadcast %shift_right_arithmetic3A_213 : i32 to vector<16xi32>
    %shift_right_arithmetic3A_215 = arith.shrsi %add3A_212, %shift_right_arithmetic3A_214 : vector<16xi32>
    %and3A_216 = arith.constant 127 : i32
    %and3A_217 = vector.broadcast %and3A_216 : i32 to vector<16xi32>
    %and3A_218 = arith.andi %add3A_212, %and3A_217 : vector<16xi32>
    %gather3A_219 = tpu.vector_load_idx %arg8[%shift_right_arithmetic3A_215, %and3A_218] : memref<80x128xf32, #tpu.memory_space<vmem>>[vector<16xi32>, vector<16xi32>], vector<16xf32>,
    %add3A_220 = arith.constant 176 : i32
    %add3A_221 = vector.broadcast %add3A_220 : i32 to vector<16xi32>
    %add3A_222 = arith.addi %add3A_221, %iota3A : vector<16xi32>
    %mul3A_223 = arith.constant 0 : i32
    %mul3A_224 = vector.broadcast %mul3A_223 : i32 to vector<16xi32>
    %mul3A_225 = arith.muli %iota3A, %mul3A_224 : vector<16xi32>
    tpu.vector_store_idx %arg11[%add3A_222, %mul3A_225], %gather3A_219 : memref<640x16xf32, #tpu.memory_space<vmem>>[vector<16xi32>, vector<16xi32>], vector<16xf32>,
    %add3A_226 = arith.constant 192 : i32
    %add3A_227 = arith.addi %mul3A_22, %add3A_226 : i32
    %add3A_228 = vector.broadcast %add3A_227 : i32 to vector<16xi32>
    %add3A_229 = arith.addi %add3A_228, %iota3A : vector<16xi32>
    %shift_right_arithmetic3A_230 = arith.constant 7 : i32
    %shift_right_arithmetic3A_231 = vector.broadcast %shift_right_arithmetic3A_230 : i32 to vector<16xi32>
    %shift_right_arithmetic3A_232 = arith.shrsi %add3A_229, %shift_right_arithmetic3A_231 : vector<16xi32>
    %and3A_233 = arith.constant 127 : i32
    %and3A_234 = vector.broadcast %and3A_233 : i32 to vector<16xi32>
    %and3A_235 = arith.andi %add3A_229, %and3A_234 : vector<16xi32>
    %gather3A_236 = tpu.vector_load_idx %arg8[%shift_right_arithmetic3A_232, %and3A_235] : memref<80x128xf32, #tpu.memory_space<vmem>>[vector<16xi32>, vector<16xi32>], vector<16xf32>,
    %add3A_237 = arith.constant 192 : i32
    %add3A_238 = vector.broadcast %add3A_237 : i32 to vector<16xi32>
    %add3A_239 = arith.addi %add3A_238, %iota3A : vector<16xi32>
    %mul3A_240 = arith.constant 0 : i32
    %mul3A_241 = vector.broadcast %mul3A_240 : i32 to vector<16xi32>
    %mul3A_242 = arith.muli %iota3A, %mul3A_241 : vector<16xi32>
    tpu.vector_store_idx %arg11[%add3A_239, %mul3A_242], %gather3A_236 : memref<640x16xf32, #tpu.memory_space<vmem>>[vector<16xi32>, vector<16xi32>], vector<16xf32>,
    %add3A_243 = arith.constant 208 : i32
    %add3A_244 = arith.addi %mul3A_22, %add3A_243 : i32
    %add3A_245 = vector.broadcast %add3A_244 : i32 to vector<16xi32>
    %add3A_246 = arith.addi %add3A_245, %iota3A : vector<16xi32>
    %shift_right_arithmetic3A_247 = arith.constant 7 : i32
    %shift_right_arithmetic3A_248 = vector.broadcast %shift_right_arithmetic3A_247 : i32 to vector<16xi32>
    %shift_right_arithmetic3A_249 = arith.shrsi %add3A_246, %shift_right_arithmetic3A_248 : vector<16xi32>
    %and3A_250 = arith.constant 127 : i32
    %and3A_251 = vector.broadcast %and3A_250 : i32 to vector<16xi32>
    %and3A_252 = arith.andi %add3A_246, %and3A_251 : vector<16xi32>
    %gather3A_253 = tpu.vector_load_idx %arg8[%shift_right_arithmetic3A_249, %and3A_252] : memref<80x128xf32, #tpu.memory_space<vmem>>[vector<16xi32>, vector<16xi32>], vector<16xf32>,
    %add3A_254 = arith.constant 208 : i32
    %add3A_255 = vector.broadcast %add3A_254 : i32 to vector<16xi32>
    %add3A_256 = arith.addi %add3A_255, %iota3A : vector<16xi32>
    %mul3A_257 = arith.constant 0 : i32
    %mul3A_258 = vector.broadcast %mul3A_257 : i32 to vector<16xi32>
    %mul3A_259 = arith.muli %iota3A, %mul3A_258 : vector<16xi32>
    tpu.vector_store_idx %arg11[%add3A_256, %mul3A_259], %gather3A_253 : memref<640x16xf32, #tpu.memory_space<vmem>>[vector<16xi32>, vector<16xi32>], vector<16xf32>,
    %add3A_260 = arith.constant 224 : i32
    %add3A_261 = arith.addi %mul3A_22, %add3A_260 : i32
    %add3A_262 = vector.broadcast %add3A_261 : i32 to vector<16xi32>
    %add3A_263 = arith.addi %add3A_262, %iota3A : vector<16xi32>
    %shift_right_arithmetic3A_264 = arith.constant 7 : i32
    %shift_right_arithmetic3A_265 = vector.broadcast %shift_right_arithmetic3A_264 : i32 to vector<16xi32>
    %shift_right_arithmetic3A_266 = arith.shrsi %add3A_263, %shift_right_arithmetic3A_265 : vector<16xi32>
    %and3A_267 = arith.constant 127 : i32
    %and3A_268 = vector.broadcast %and3A_267 : i32 to vector<16xi32>
    %and3A_269 = arith.andi %add3A_263, %and3A_268 : vector<16xi32>
    %gather3A_270 = tpu.vector_load_idx %arg8[%shift_right_arithmetic3A_266, %and3A_269] : memref<80x128xf32, #tpu.memory_space<vmem>>[vector<16xi32>, vector<16xi32>], vector<16xf32>,
    %add3A_271 = arith.constant 224 : i32
    %add3A_272 = vector.broadcast %add3A_271 : i32 to vector<16xi32>
    %add3A_273 = arith.addi %add3A_272, %iota3A : vector<16xi32>
    %mul3A_274 = arith.constant 0 : i32
    %mul3A_275 = vector.broadcast %mul3A_274 : i32 to vector<16xi32>
    %mul3A_276 = arith.muli %iota3A, %mul3A_275 : vector<16xi32>
    tpu.vector_store_idx %arg11[%add3A_273, %mul3A_276], %gather3A_270 : memref<640x16xf32, #tpu.memory_space<vmem>>[vector<16xi32>, vector<16xi32>], vector<16xf32>,
    %add3A_277 = arith.constant 240 : i32
    %add3A_278 = arith.addi %mul3A_22, %add3A_277 : i32
    %add3A_279 = vector.broadcast %add3A_278 : i32 to vector<16xi32>
    %add3A_280 = arith.addi %add3A_279, %iota3A : vector<16xi32>
    %shift_right_arithmetic3A_281 = arith.constant 7 : i32
    %shift_right_arithmetic3A_282 = vector.broadcast %shift_right_arithmetic3A_281 : i32 to vector<16xi32>
    %shift_right_arithmetic3A_283 = arith.shrsi %add3A_280, %shift_right_arithmetic3A_282 : vector<16xi32>
    %and3A_284 = arith.constant 127 : i32
    %and3A_285 = vector.broadcast %and3A_284 : i32 to vector<16xi32>
    %and3A_286 = arith.andi %add3A_280, %and3A_285 : vector<16xi32>
    %gather3A_287 = tpu.vector_load_idx %arg8[%shift_right_arithmetic3A_283, %and3A_286] : memref<80x128xf32, #tpu.memory_space<vmem>>[vector<16xi32>, vector<16xi32>], vector<16xf32>,
    %add3A_288 = arith.constant 240 : i32
    %add3A_289 = vector.broadcast %add3A_288 : i32 to vector<16xi32>
    %add3A_290 = arith.addi %add3A_289, %iota3A : vector<16xi32>
    %mul3A_291 = arith.constant 0 : i32
    %mul3A_292 = vector.broadcast %mul3A_291 : i32 to vector<16xi32>
    %mul3A_293 = arith.muli %iota3A, %mul3A_292 : vector<16xi32>
    tpu.vector_store_idx %arg11[%add3A_290, %mul3A_293], %gather3A_287 : memref<640x16xf32, #tpu.memory_space<vmem>>[vector<16xi32>, vector<16xi32>], vector<16xf32>,
    %add3A_294 = arith.constant 256 : i32
    %add3A_295 = arith.addi %mul3A_22, %add3A_294 : i32
    %add3A_296 = vector.broadcast %add3A_295 : i32 to vector<16xi32>
    %add3A_297 = arith.addi %add3A_296, %iota3A : vector<16xi32>
    %shift_right_arithmetic3A_298 = arith.constant 7 : i32
    %shift_right_arithmetic3A_299 = vector.broadcast %shift_right_arithmetic3A_298 : i32 to vector<16xi32>
    %shift_right_arithmetic3A_300 = arith.shrsi %add3A_297, %shift_right_arithmetic3A_299 : vector<16xi32>
    %and3A_301 = arith.constant 127 : i32
    %and3A_302 = vector.broadcast %and3A_301 : i32 to vector<16xi32>
    %and3A_303 = arith.andi %add3A_297, %and3A_302 : vector<16xi32>
    %gather3A_304 = tpu.vector_load_idx %arg8[%shift_right_arithmetic3A_300, %and3A_303] : memref<80x128xf32, #tpu.memory_space<vmem>>[vector<16xi32>, vector<16xi32>], vector<16xf32>,
    %add3A_305 = arith.constant 256 : i32
    %add3A_306 = vector.broadcast %add3A_305 : i32 to vector<16xi32>
    %add3A_307 = arith.addi %add3A_306, %iota3A : vector<16xi32>
    %mul3A_308 = arith.constant 0 : i32
    %mul3A_309 = vector.broadcast %mul3A_308 : i32 to vector<16xi32>
    %mul3A_310 = arith.muli %iota3A, %mul3A_309 : vector<16xi32>
    tpu.vector_store_idx %arg11[%add3A_307, %mul3A_310], %gather3A_304 : memref<640x16xf32, #tpu.memory_space<vmem>>[vector<16xi32>, vector<16xi32>], vector<16xf32>,
    %add3A_311 = arith.constant 272 : i32
    %add3A_312 = arith.addi %mul3A_22, %add3A_311 : i32
    %add3A_313 = vector.broadcast %add3A_312 : i32 to vector<16xi32>
    %add3A_314 = arith.addi %add3A_313, %iota3A : vector<16xi32>
    %shift_right_arithmetic3A_315 = arith.constant 7 : i32
    %shift_right_arithmetic3A_316 = vector.broadcast %shift_right_arithmetic3A_315 : i32 to vector<16xi32>
    %shift_right_arithmetic3A_317 = arith.shrsi %add3A_314, %shift_right_arithmetic3A_316 : vector<16xi32>
    %and3A_318 = arith.constant 127 : i32
    %and3A_319 = vector.broadcast %and3A_318 : i32 to vector<16xi32>
    %and3A_320 = arith.andi %add3A_314, %and3A_319 : vector<16xi32>
    %gather3A_321 = tpu.vector_load_idx %arg8[%shift_right_arithmetic3A_317, %and3A_320] : memref<80x128xf32, #tpu.memory_space<vmem>>[vector<16xi32>, vector<16xi32>], vector<16xf32>,
    %add3A_322 = arith.constant 272 : i32
    %add3A_323 = vector.broadcast %add3A_322 : i32 to vector<16xi32>
    %add3A_324 = arith.addi %add3A_323, %iota3A : vector<16xi32>
    %mul3A_325 = arith.constant 0 : i32
    %mul3A_326 = vector.broadcast %mul3A_325 : i32 to vector<16xi32>
    %mul3A_327 = arith.muli %iota3A, %mul3A_326 : vector<16xi32>
    tpu.vector_store_idx %arg11[%add3A_324, %mul3A_327], %gather3A_321 : memref<640x16xf32, #tpu.memory_space<vmem>>[vector<16xi32>, vector<16xi32>], vector<16xf32>,
    %add3A_328 = arith.constant 288 : i32
    %add3A_329 = arith.addi %mul3A_22, %add3A_328 : i32
    %add3A_330 = vector.broadcast %add3A_329 : i32 to vector<16xi32>
    %add3A_331 = arith.addi %add3A_330, %iota3A : vector<16xi32>
    %shift_right_arithmetic3A_332 = arith.constant 7 : i32
    %shift_right_arithmetic3A_333 = vector.broadcast %shift_right_arithmetic3A_332 : i32 to vector<16xi32>
    %shift_right_arithmetic3A_334 = arith.shrsi %add3A_331, %shift_right_arithmetic3A_333 : vector<16xi32>
    %and3A_335 = arith.constant 127 : i32
    %and3A_336 = vector.broadcast %and3A_335 : i32 to vector<16xi32>
    %and3A_337 = arith.andi %add3A_331, %and3A_336 : vector<16xi32>
    %gather3A_338 = tpu.vector_load_idx %arg8[%shift_right_arithmetic3A_334, %and3A_337] : memref<80x128xf32, #tpu.memory_space<vmem>>[vector<16xi32>, vector<16xi32>], vector<16xf32>,
    %add3A_339 = arith.constant 288 : i32
    %add3A_340 = vector.broadcast %add3A_339 : i32 to vector<16xi32>
    %add3A_341 = arith.addi %add3A_340, %iota3A : vector<16xi32>
    %mul3A_342 = arith.constant 0 : i32
    %mul3A_343 = vector.broadcast %mul3A_342 : i32 to vector<16xi32>
    %mul3A_344 = arith.muli %iota3A, %mul3A_343 : vector<16xi32>
    tpu.vector_store_idx %arg11[%add3A_341, %mul3A_344], %gather3A_338 : memref<640x16xf32, #tpu.memory_space<vmem>>[vector<16xi32>, vector<16xi32>], vector<16xf32>,
    %add3A_345 = arith.constant 304 : i32
    %add3A_346 = arith.addi %mul3A_22, %add3A_345 : i32
    %add3A_347 = vector.broadcast %add3A_346 : i32 to vector<16xi32>
    %add3A_348 = arith.addi %add3A_347, %iota3A : vector<16xi32>
    %shift_right_arithmetic3A_349 = arith.constant 7 : i32
    %shift_right_arithmetic3A_350 = vector.broadcast %shift_right_arithmetic3A_349 : i32 to vector<16xi32>
    %shift_right_arithmetic3A_351 = arith.shrsi %add3A_348, %shift_right_arithmetic3A_350 : vector<16xi32>
    %and3A_352 = arith.constant 127 : i32
    %and3A_353 = vector.broadcast %and3A_352 : i32 to vector<16xi32>
    %and3A_354 = arith.andi %add3A_348, %and3A_353 : vector<16xi32>
    %gather3A_355 = tpu.vector_load_idx %arg8[%shift_right_arithmetic3A_351, %and3A_354] : memref<80x128xf32, #tpu.memory_space<vmem>>[vector<16xi32>, vector<16xi32>], vector<16xf32>,
    %add3A_356 = arith.constant 304 : i32
    %add3A_357 = vector.broadcast %add3A_356 : i32 to vector<16xi32>
    %add3A_358 = arith.addi %add3A_357, %iota3A : vector<16xi32>
    %mul3A_359 = arith.constant 0 : i32
    %mul3A_360 = vector.broadcast %mul3A_359 : i32 to vector<16xi32>
    %mul3A_361 = arith.muli %iota3A, %mul3A_360 : vector<16xi32>
    tpu.vector_store_idx %arg11[%add3A_358, %mul3A_361], %gather3A_355 : memref<640x16xf32, #tpu.memory_space<vmem>>[vector<16xi32>, vector<16xi32>], vector<16xf32>,
    %add3A_362 = arith.constant 320 : i32
    %add3A_363 = arith.addi %mul3A_22, %add3A_362 : i32
    %add3A_364 = vector.broadcast %add3A_363 : i32 to vector<16xi32>
    %add3A_365 = arith.addi %add3A_364, %iota3A : vector<16xi32>
    %shift_right_arithmetic3A_366 = arith.constant 7 : i32
    %shift_right_arithmetic3A_367 = vector.broadcast %shift_right_arithmetic3A_366 : i32 to vector<16xi32>
    %shift_right_arithmetic3A_368 = arith.shrsi %add3A_365, %shift_right_arithmetic3A_367 : vector<16xi32>
    %and3A_369 = arith.constant 127 : i32
    %and3A_370 = vector.broadcast %and3A_369 : i32 to vector<16xi32>
    %and3A_371 = arith.andi %add3A_365, %and3A_370 : vector<16xi32>
    %gather3A_372 = tpu.vector_load_idx %arg8[%shift_right_arithmetic3A_368, %and3A_371] : memref<80x128xf32, #tpu.memory_space<vmem>>[vector<16xi32>, vector<16xi32>], vector<16xf32>,
    %add3A_373 = arith.constant 320 : i32
    %add3A_374 = vector.broadcast %add3A_373 : i32 to vector<16xi32>
    %add3A_375 = arith.addi %add3A_374, %iota3A : vector<16xi32>
    %mul3A_376 = arith.constant 0 : i32
    %mul3A_377 = vector.broadcast %mul3A_376 : i32 to vector<16xi32>
    %mul3A_378 = arith.muli %iota3A, %mul3A_377 : vector<16xi32>
    tpu.vector_store_idx %arg11[%add3A_375, %mul3A_378], %gather3A_372 : memref<640x16xf32, #tpu.memory_space<vmem>>[vector<16xi32>, vector<16xi32>], vector<16xf32>,
    %add3A_379 = arith.constant 336 : i32
    %add3A_380 = arith.addi %mul3A_22, %add3A_379 : i32
    %add3A_381 = vector.broadcast %add3A_380 : i32 to vector<16xi32>
    %add3A_382 = arith.addi %add3A_381, %iota3A : vector<16xi32>
    %shift_right_arithmetic3A_383 = arith.constant 7 : i32
    %shift_right_arithmetic3A_384 = vector.broadcast %shift_right_arithmetic3A_383 : i32 to vector<16xi32>
    %shift_right_arithmetic3A_385 = arith.shrsi %add3A_382, %shift_right_arithmetic3A_384 : vector<16xi32>
    %and3A_386 = arith.constant 127 : i32
    %and3A_387 = vector.broadcast %and3A_386 : i32 to vector<16xi32>
    %and3A_388 = arith.andi %add3A_382, %and3A_387 : vector<16xi32>
    %gather3A_389 = tpu.vector_load_idx %arg8[%shift_right_arithmetic3A_385, %and3A_388] : memref<80x128xf32, #tpu.memory_space<vmem>>[vector<16xi32>, vector<16xi32>], vector<16xf32>,
    %add3A_390 = arith.constant 336 : i32
    %add3A_391 = vector.broadcast %add3A_390 : i32 to vector<16xi32>
    %add3A_392 = arith.addi %add3A_391, %iota3A : vector<16xi32>
    %mul3A_393 = arith.constant 0 : i32
    %mul3A_394 = vector.broadcast %mul3A_393 : i32 to vector<16xi32>
    %mul3A_395 = arith.muli %iota3A, %mul3A_394 : vector<16xi32>
    tpu.vector_store_idx %arg11[%add3A_392, %mul3A_395], %gather3A_389 : memref<640x16xf32, #tpu.memory_space<vmem>>[vector<16xi32>, vector<16xi32>], vector<16xf32>,
    %add3A_396 = arith.constant 352 : i32
    %add3A_397 = arith.addi %mul3A_22, %add3A_396 : i32
    %add3A_398 = vector.broadcast %add3A_397 : i32 to vector<16xi32>
    %add3A_399 = arith.addi %add3A_398, %iota3A : vector<16xi32>
    %shift_right_arithmetic3A_400 = arith.constant 7 : i32
    %shift_right_arithmetic3A_401 = vector.broadcast %shift_right_arithmetic3A_400 : i32 to vector<16xi32>
    %shift_right_arithmetic3A_402 = arith.shrsi %add3A_399, %shift_right_arithmetic3A_401 : vector<16xi32>
    %and3A_403 = arith.constant 127 : i32
    %and3A_404 = vector.broadcast %and3A_403 : i32 to vector<16xi32>
    %and3A_405 = arith.andi %add3A_399, %and3A_404 : vector<16xi32>
    %gather3A_406 = tpu.vector_load_idx %arg8[%shift_right_arithmetic3A_402, %and3A_405] : memref<80x128xf32, #tpu.memory_space<vmem>>[vector<16xi32>, vector<16xi32>], vector<16xf32>,
    %add3A_407 = arith.constant 352 : i32
    %add3A_408 = vector.broadcast %add3A_407 : i32 to vector<16xi32>
    %add3A_409 = arith.addi %add3A_408, %iota3A : vector<16xi32>
    %mul3A_410 = arith.constant 0 : i32
    %mul3A_411 = vector.broadcast %mul3A_410 : i32 to vector<16xi32>
    %mul3A_412 = arith.muli %iota3A, %mul3A_411 : vector<16xi32>
    tpu.vector_store_idx %arg11[%add3A_409, %mul3A_412], %gather3A_406 : memref<640x16xf32, #tpu.memory_space<vmem>>[vector<16xi32>, vector<16xi32>], vector<16xf32>,
    %add3A_413 = arith.constant 368 : i32
    %add3A_414 = arith.addi %mul3A_22, %add3A_413 : i32
    %add3A_415 = vector.broadcast %add3A_414 : i32 to vector<16xi32>
    %add3A_416 = arith.addi %add3A_415, %iota3A : vector<16xi32>
    %shift_right_arithmetic3A_417 = arith.constant 7 : i32
    %shift_right_arithmetic3A_418 = vector.broadcast %shift_right_arithmetic3A_417 : i32 to vector<16xi32>
    %shift_right_arithmetic3A_419 = arith.shrsi %add3A_416, %shift_right_arithmetic3A_418 : vector<16xi32>
    %and3A_420 = arith.constant 127 : i32
    %and3A_421 = vector.broadcast %and3A_420 : i32 to vector<16xi32>
    %and3A_422 = arith.andi %add3A_416, %and3A_421 : vector<16xi32>
    %gather3A_423 = tpu.vector_load_idx %arg8[%shift_right_arithmetic3A_419, %and3A_422] : memref<80x128xf32, #tpu.memory_space<vmem>>[vector<16xi32>, vector<16xi32>], vector<16xf32>,
    %add3A_424 = arith.constant 368 : i32
    %add3A_425 = vector.broadcast %add3A_424 : i32 to vector<16xi32>
    %add3A_426 = arith.addi %add3A_425, %iota3A : vector<16xi32>
    %mul3A_427 = arith.constant 0 : i32
    %mul3A_428 = vector.broadcast %mul3A_427 : i32 to vector<16xi32>
    %mul3A_429 = arith.muli %iota3A, %mul3A_428 : vector<16xi32>
    tpu.vector_store_idx %arg11[%add3A_426, %mul3A_429], %gather3A_423 : memref<640x16xf32, #tpu.memory_space<vmem>>[vector<16xi32>, vector<16xi32>], vector<16xf32>,
    %add3A_430 = arith.constant 384 : i32
    %add3A_431 = arith.addi %mul3A_22, %add3A_430 : i32
    %add3A_432 = vector.broadcast %add3A_431 : i32 to vector<16xi32>
    %add3A_433 = arith.addi %add3A_432, %iota3A : vector<16xi32>
    %shift_right_arithmetic3A_434 = arith.constant 7 : i32
    %shift_right_arithmetic3A_435 = vector.broadcast %shift_right_arithmetic3A_434 : i32 to vector<16xi32>
    %shift_right_arithmetic3A_436 = arith.shrsi %add3A_433, %shift_right_arithmetic3A_435 : vector<16xi32>
    %and3A_437 = arith.constant 127 : i32
    %and3A_438 = vector.broadcast %and3A_437 : i32 to vector<16xi32>
    %and3A_439 = arith.andi %add3A_433, %and3A_438 : vector<16xi32>
    %gather3A_440 = tpu.vector_load_idx %arg8[%shift_right_arithmetic3A_436, %and3A_439] : memref<80x128xf32, #tpu.memory_space<vmem>>[vector<16xi32>, vector<16xi32>], vector<16xf32>,
    %add3A_441 = arith.constant 384 : i32
    %add3A_442 = vector.broadcast %add3A_441 : i32 to vector<16xi32>
    %add3A_443 = arith.addi %add3A_442, %iota3A : vector<16xi32>
    %mul3A_444 = arith.constant 0 : i32
    %mul3A_445 = vector.broadcast %mul3A_444 : i32 to vector<16xi32>
    %mul3A_446 = arith.muli %iota3A, %mul3A_445 : vector<16xi32>
    tpu.vector_store_idx %arg11[%add3A_443, %mul3A_446], %gather3A_440 : memref<640x16xf32, #tpu.memory_space<vmem>>[vector<16xi32>, vector<16xi32>], vector<16xf32>,
    %add3A_447 = arith.constant 400 : i32
    %add3A_448 = arith.addi %mul3A_22, %add3A_447 : i32
    %add3A_449 = vector.broadcast %add3A_448 : i32 to vector<16xi32>
    %add3A_450 = arith.addi %add3A_449, %iota3A : vector<16xi32>
    %shift_right_arithmetic3A_451 = arith.constant 7 : i32
    %shift_right_arithmetic3A_452 = vector.broadcast %shift_right_arithmetic3A_451 : i32 to vector<16xi32>
    %shift_right_arithmetic3A_453 = arith.shrsi %add3A_450, %shift_right_arithmetic3A_452 : vector<16xi32>
    %and3A_454 = arith.constant 127 : i32
    %and3A_455 = vector.broadcast %and3A_454 : i32 to vector<16xi32>
    %and3A_456 = arith.andi %add3A_450, %and3A_455 : vector<16xi32>
    %gather3A_457 = tpu.vector_load_idx %arg8[%shift_right_arithmetic3A_453, %and3A_456] : memref<80x128xf32, #tpu.memory_space<vmem>>[vector<16xi32>, vector<16xi32>], vector<16xf32>,
    %add3A_458 = arith.constant 400 : i32
    %add3A_459 = vector.broadcast %add3A_458 : i32 to vector<16xi32>
    %add3A_460 = arith.addi %add3A_459, %iota3A : vector<16xi32>
    %mul3A_461 = arith.constant 0 : i32
    %mul3A_462 = vector.broadcast %mul3A_461 : i32 to vector<16xi32>
    %mul3A_463 = arith.muli %iota3A, %mul3A_462 : vector<16xi32>
    tpu.vector_store_idx %arg11[%add3A_460, %mul3A_463], %gather3A_457 : memref<640x16xf32, #tpu.memory_space<vmem>>[vector<16xi32>, vector<16xi32>], vector<16xf32>,
    %add3A_464 = arith.constant 416 : i32
    %add3A_465 = arith.addi %mul3A_22, %add3A_464 : i32
    %add3A_466 = vector.broadcast %add3A_465 : i32 to vector<16xi32>
    %add3A_467 = arith.addi %add3A_466, %iota3A : vector<16xi32>
    %shift_right_arithmetic3A_468 = arith.constant 7 : i32
    %shift_right_arithmetic3A_469 = vector.broadcast %shift_right_arithmetic3A_468 : i32 to vector<16xi32>
    %shift_right_arithmetic3A_470 = arith.shrsi %add3A_467, %shift_right_arithmetic3A_469 : vector<16xi32>
    %and3A_471 = arith.constant 127 : i32
    %and3A_472 = vector.broadcast %and3A_471 : i32 to vector<16xi32>
    %and3A_473 = arith.andi %add3A_467, %and3A_472 : vector<16xi32>
    %gather3A_474 = tpu.vector_load_idx %arg8[%shift_right_arithmetic3A_470, %and3A_473] : memref<80x128xf32, #tpu.memory_space<vmem>>[vector<16xi32>, vector<16xi32>], vector<16xf32>,
    %add3A_475 = arith.constant 416 : i32
    %add3A_476 = vector.broadcast %add3A_475 : i32 to vector<16xi32>
    %add3A_477 = arith.addi %add3A_476, %iota3A : vector<16xi32>
    %mul3A_478 = arith.constant 0 : i32
    %mul3A_479 = vector.broadcast %mul3A_478 : i32 to vector<16xi32>
    %mul3A_480 = arith.muli %iota3A, %mul3A_479 : vector<16xi32>
    tpu.vector_store_idx %arg11[%add3A_477, %mul3A_480], %gather3A_474 : memref<640x16xf32, #tpu.memory_space<vmem>>[vector<16xi32>, vector<16xi32>], vector<16xf32>,
    %add3A_481 = arith.constant 432 : i32
    %add3A_482 = arith.addi %mul3A_22, %add3A_481 : i32
    %add3A_483 = vector.broadcast %add3A_482 : i32 to vector<16xi32>
    %add3A_484 = arith.addi %add3A_483, %iota3A : vector<16xi32>
    %shift_right_arithmetic3A_485 = arith.constant 7 : i32
    %shift_right_arithmetic3A_486 = vector.broadcast %shift_right_arithmetic3A_485 : i32 to vector<16xi32>
    %shift_right_arithmetic3A_487 = arith.shrsi %add3A_484, %shift_right_arithmetic3A_486 : vector<16xi32>
    %and3A_488 = arith.constant 127 : i32
    %and3A_489 = vector.broadcast %and3A_488 : i32 to vector<16xi32>
    %and3A_490 = arith.andi %add3A_484, %and3A_489 : vector<16xi32>
    %gather3A_491 = tpu.vector_load_idx %arg8[%shift_right_arithmetic3A_487, %and3A_490] : memref<80x128xf32, #tpu.memory_space<vmem>>[vector<16xi32>, vector<16xi32>], vector<16xf32>,
    %add3A_492 = arith.constant 432 : i32
    %add3A_493 = vector.broadcast %add3A_492 : i32 to vector<16xi32>
    %add3A_494 = arith.addi %add3A_493, %iota3A : vector<16xi32>
    %mul3A_495 = arith.constant 0 : i32
    %mul3A_496 = vector.broadcast %mul3A_495 : i32 to vector<16xi32>
    %mul3A_497 = arith.muli %iota3A, %mul3A_496 : vector<16xi32>
    tpu.vector_store_idx %arg11[%add3A_494, %mul3A_497], %gather3A_491 : memref<640x16xf32, #tpu.memory_space<vmem>>[vector<16xi32>, vector<16xi32>], vector<16xf32>,
    %add3A_498 = arith.constant 448 : i32
    %add3A_499 = arith.addi %mul3A_22, %add3A_498 : i32
    %add3A_500 = vector.broadcast %add3A_499 : i32 to vector<16xi32>
    %add3A_501 = arith.addi %add3A_500, %iota3A : vector<16xi32>
    %shift_right_arithmetic3A_502 = arith.constant 7 : i32
    %shift_right_arithmetic3A_503 = vector.broadcast %shift_right_arithmetic3A_502 : i32 to vector<16xi32>
    %shift_right_arithmetic3A_504 = arith.shrsi %add3A_501, %shift_right_arithmetic3A_503 : vector<16xi32>
    %and3A_505 = arith.constant 127 : i32
    %and3A_506 = vector.broadcast %and3A_505 : i32 to vector<16xi32>
    %and3A_507 = arith.andi %add3A_501, %and3A_506 : vector<16xi32>
    %gather3A_508 = tpu.vector_load_idx %arg8[%shift_right_arithmetic3A_504, %and3A_507] : memref<80x128xf32, #tpu.memory_space<vmem>>[vector<16xi32>, vector<16xi32>], vector<16xf32>,
    %add3A_509 = arith.constant 448 : i32
    %add3A_510 = vector.broadcast %add3A_509 : i32 to vector<16xi32>
    %add3A_511 = arith.addi %add3A_510, %iota3A : vector<16xi32>
    %mul3A_512 = arith.constant 0 : i32
    %mul3A_513 = vector.broadcast %mul3A_512 : i32 to vector<16xi32>
    %mul3A_514 = arith.muli %iota3A, %mul3A_513 : vector<16xi32>
    tpu.vector_store_idx %arg11[%add3A_511, %mul3A_514], %gather3A_508 : memref<640x16xf32, #tpu.memory_space<vmem>>[vector<16xi32>, vector<16xi32>], vector<16xf32>,
    %add3A_515 = arith.constant 464 : i32
    %add3A_516 = arith.addi %mul3A_22, %add3A_515 : i32
    %add3A_517 = vector.broadcast %add3A_516 : i32 to vector<16xi32>
    %add3A_518 = arith.addi %add3A_517, %iota3A : vector<16xi32>
    %shift_right_arithmetic3A_519 = arith.constant 7 : i32
    %shift_right_arithmetic3A_520 = vector.broadcast %shift_right_arithmetic3A_519 : i32 to vector<16xi32>
    %shift_right_arithmetic3A_521 = arith.shrsi %add3A_518, %shift_right_arithmetic3A_520 : vector<16xi32>
    %and3A_522 = arith.constant 127 : i32
    %and3A_523 = vector.broadcast %and3A_522 : i32 to vector<16xi32>
    %and3A_524 = arith.andi %add3A_518, %and3A_523 : vector<16xi32>
    %gather3A_525 = tpu.vector_load_idx %arg8[%shift_right_arithmetic3A_521, %and3A_524] : memref<80x128xf32, #tpu.memory_space<vmem>>[vector<16xi32>, vector<16xi32>], vector<16xf32>,
    %add3A_526 = arith.constant 464 : i32
    %add3A_527 = vector.broadcast %add3A_526 : i32 to vector<16xi32>
    %add3A_528 = arith.addi %add3A_527, %iota3A : vector<16xi32>
    %mul3A_529 = arith.constant 0 : i32
    %mul3A_530 = vector.broadcast %mul3A_529 : i32 to vector<16xi32>
    %mul3A_531 = arith.muli %iota3A, %mul3A_530 : vector<16xi32>
    tpu.vector_store_idx %arg11[%add3A_528, %mul3A_531], %gather3A_525 : memref<640x16xf32, #tpu.memory_space<vmem>>[vector<16xi32>, vector<16xi32>], vector<16xf32>,
    %add3A_532 = arith.constant 480 : i32
    %add3A_533 = arith.addi %mul3A_22, %add3A_532 : i32
    %add3A_534 = vector.broadcast %add3A_533 : i32 to vector<16xi32>
    %add3A_535 = arith.addi %add3A_534, %iota3A : vector<16xi32>
    %shift_right_arithmetic3A_536 = arith.constant 7 : i32
    %shift_right_arithmetic3A_537 = vector.broadcast %shift_right_arithmetic3A_536 : i32 to vector<16xi32>
    %shift_right_arithmetic3A_538 = arith.shrsi %add3A_535, %shift_right_arithmetic3A_537 : vector<16xi32>
    %and3A_539 = arith.constant 127 : i32
    %and3A_540 = vector.broadcast %and3A_539 : i32 to vector<16xi32>
    %and3A_541 = arith.andi %add3A_535, %and3A_540 : vector<16xi32>
    %gather3A_542 = tpu.vector_load_idx %arg8[%shift_right_arithmetic3A_538, %and3A_541] : memref<80x128xf32, #tpu.memory_space<vmem>>[vector<16xi32>, vector<16xi32>], vector<16xf32>,
    %add3A_543 = arith.constant 480 : i32
    %add3A_544 = vector.broadcast %add3A_543 : i32 to vector<16xi32>
    %add3A_545 = arith.addi %add3A_544, %iota3A : vector<16xi32>
    %mul3A_546 = arith.constant 0 : i32
    %mul3A_547 = vector.broadcast %mul3A_546 : i32 to vector<16xi32>
    %mul3A_548 = arith.muli %iota3A, %mul3A_547 : vector<16xi32>
    tpu.vector_store_idx %arg11[%add3A_545, %mul3A_548], %gather3A_542 : memref<640x16xf32, #tpu.memory_space<vmem>>[vector<16xi32>, vector<16xi32>], vector<16xf32>,
    %add3A_549 = arith.constant 496 : i32
    %add3A_550 = arith.addi %mul3A_22, %add3A_549 : i32
    %add3A_551 = vector.broadcast %add3A_550 : i32 to vector<16xi32>
    %add3A_552 = arith.addi %add3A_551, %iota3A : vector<16xi32>
    %shift_right_arithmetic3A_553 = arith.constant 7 : i32
    %shift_right_arithmetic3A_554 = vector.broadcast %shift_right_arithmetic3A_553 : i32 to vector<16xi32>
    %shift_right_arithmetic3A_555 = arith.shrsi %add3A_552, %shift_right_arithmetic3A_554 : vector<16xi32>
    %and3A_556 = arith.constant 127 : i32
    %and3A_557 = vector.broadcast %and3A_556 : i32 to vector<16xi32>
    %and3A_558 = arith.andi %add3A_552, %and3A_557 : vector<16xi32>
    %gather3A_559 = tpu.vector_load_idx %arg8[%shift_right_arithmetic3A_555, %and3A_558] : memref<80x128xf32, #tpu.memory_space<vmem>>[vector<16xi32>, vector<16xi32>], vector<16xf32>,
    %add3A_560 = arith.constant 496 : i32
    %add3A_561 = vector.broadcast %add3A_560 : i32 to vector<16xi32>
    %add3A_562 = arith.addi %add3A_561, %iota3A : vector<16xi32>
    %mul3A_563 = arith.constant 0 : i32
    %mul3A_564 = vector.broadcast %mul3A_563 : i32 to vector<16xi32>
    %mul3A_565 = arith.muli %iota3A, %mul3A_564 : vector<16xi32>
    tpu.vector_store_idx %arg11[%add3A_562, %mul3A_565], %gather3A_559 : memref<640x16xf32, #tpu.memory_space<vmem>>[vector<16xi32>, vector<16xi32>], vector<16xf32>,
    %add3A_566 = arith.constant 512 : i32
    %add3A_567 = arith.addi %mul3A_22, %add3A_566 : i32
    %add3A_568 = vector.broadcast %add3A_567 : i32 to vector<16xi32>
    %add3A_569 = arith.addi %add3A_568, %iota3A : vector<16xi32>
    %shift_right_arithmetic3A_570 = arith.constant 7 : i32
    %shift_right_arithmetic3A_571 = vector.broadcast %shift_right_arithmetic3A_570 : i32 to vector<16xi32>
    %shift_right_arithmetic3A_572 = arith.shrsi %add3A_569, %shift_right_arithmetic3A_571 : vector<16xi32>
    %and3A_573 = arith.constant 127 : i32
    %and3A_574 = vector.broadcast %and3A_573 : i32 to vector<16xi32>
    %and3A_575 = arith.andi %add3A_569, %and3A_574 : vector<16xi32>
    %gather3A_576 = tpu.vector_load_idx %arg8[%shift_right_arithmetic3A_572, %and3A_575] : memref<80x128xf32, #tpu.memory_space<vmem>>[vector<16xi32>, vector<16xi32>], vector<16xf32>,
    %add3A_577 = arith.constant 512 : i32
    %add3A_578 = vector.broadcast %add3A_577 : i32 to vector<16xi32>
    %add3A_579 = arith.addi %add3A_578, %iota3A : vector<16xi32>
    %mul3A_580 = arith.constant 0 : i32
    %mul3A_581 = vector.broadcast %mul3A_580 : i32 to vector<16xi32>
    %mul3A_582 = arith.muli %iota3A, %mul3A_581 : vector<16xi32>
    tpu.vector_store_idx %arg11[%add3A_579, %mul3A_582], %gather3A_576 : memref<640x16xf32, #tpu.memory_space<vmem>>[vector<16xi32>, vector<16xi32>], vector<16xf32>,
    %add3A_583 = arith.constant 528 : i32
    %add3A_584 = arith.addi %mul3A_22, %add3A_583 : i32
    %add3A_585 = vector.broadcast %add3A_584 : i32 to vector<16xi32>
    %add3A_586 = arith.addi %add3A_585, %iota3A : vector<16xi32>
    %shift_right_arithmetic3A_587 = arith.constant 7 : i32
    %shift_right_arithmetic3A_588 = vector.broadcast %shift_right_arithmetic3A_587 : i32 to vector<16xi32>
    %shift_right_arithmetic3A_589 = arith.shrsi %add3A_586, %shift_right_arithmetic3A_588 : vector<16xi32>
    %and3A_590 = arith.constant 127 : i32
    %and3A_591 = vector.broadcast %and3A_590 : i32 to vector<16xi32>
    %and3A_592 = arith.andi %add3A_586, %and3A_591 : vector<16xi32>
    %gather3A_593 = tpu.vector_load_idx %arg8[%shift_right_arithmetic3A_589, %and3A_592] : memref<80x128xf32, #tpu.memory_space<vmem>>[vector<16xi32>, vector<16xi32>], vector<16xf32>,
    %add3A_594 = arith.constant 528 : i32
    %add3A_595 = vector.broadcast %add3A_594 : i32 to vector<16xi32>
    %add3A_596 = arith.addi %add3A_595, %iota3A : vector<16xi32>
    %mul3A_597 = arith.constant 0 : i32
    %mul3A_598 = vector.broadcast %mul3A_597 : i32 to vector<16xi32>
    %mul3A_599 = arith.muli %iota3A, %mul3A_598 : vector<16xi32>
    tpu.vector_store_idx %arg11[%add3A_596, %mul3A_599], %gather3A_593 : memref<640x16xf32, #tpu.memory_space<vmem>>[vector<16xi32>, vector<16xi32>], vector<16xf32>,
    %add3A_600 = arith.constant 544 : i32
    %add3A_601 = arith.addi %mul3A_22, %add3A_600 : i32
    %add3A_602 = vector.broadcast %add3A_601 : i32 to vector<16xi32>
    %add3A_603 = arith.addi %add3A_602, %iota3A : vector<16xi32>
    %shift_right_arithmetic3A_604 = arith.constant 7 : i32
    %shift_right_arithmetic3A_605 = vector.broadcast %shift_right_arithmetic3A_604 : i32 to vector<16xi32>
    %shift_right_arithmetic3A_606 = arith.shrsi %add3A_603, %shift_right_arithmetic3A_605 : vector<16xi32>
    %and3A_607 = arith.constant 127 : i32
    %and3A_608 = vector.broadcast %and3A_607 : i32 to vector<16xi32>
    %and3A_609 = arith.andi %add3A_603, %and3A_608 : vector<16xi32>
    %gather3A_610 = tpu.vector_load_idx %arg8[%shift_right_arithmetic3A_606, %and3A_609] : memref<80x128xf32, #tpu.memory_space<vmem>>[vector<16xi32>, vector<16xi32>], vector<16xf32>,
    %add3A_611 = arith.constant 544 : i32
    %add3A_612 = vector.broadcast %add3A_611 : i32 to vector<16xi32>
    %add3A_613 = arith.addi %add3A_612, %iota3A : vector<16xi32>
    %mul3A_614 = arith.constant 0 : i32
    %mul3A_615 = vector.broadcast %mul3A_614 : i32 to vector<16xi32>
    %mul3A_616 = arith.muli %iota3A, %mul3A_615 : vector<16xi32>
    tpu.vector_store_idx %arg11[%add3A_613, %mul3A_616], %gather3A_610 : memref<640x16xf32, #tpu.memory_space<vmem>>[vector<16xi32>, vector<16xi32>], vector<16xf32>,
    %add3A_617 = arith.constant 560 : i32
    %add3A_618 = arith.addi %mul3A_22, %add3A_617 : i32
    %add3A_619 = vector.broadcast %add3A_618 : i32 to vector<16xi32>
    %add3A_620 = arith.addi %add3A_619, %iota3A : vector<16xi32>
    %shift_right_arithmetic3A_621 = arith.constant 7 : i32
    %shift_right_arithmetic3A_622 = vector.broadcast %shift_right_arithmetic3A_621 : i32 to vector<16xi32>
    %shift_right_arithmetic3A_623 = arith.shrsi %add3A_620, %shift_right_arithmetic3A_622 : vector<16xi32>
    %and3A_624 = arith.constant 127 : i32
    %and3A_625 = vector.broadcast %and3A_624 : i32 to vector<16xi32>
    %and3A_626 = arith.andi %add3A_620, %and3A_625 : vector<16xi32>
    %gather3A_627 = tpu.vector_load_idx %arg8[%shift_right_arithmetic3A_623, %and3A_626] : memref<80x128xf32, #tpu.memory_space<vmem>>[vector<16xi32>, vector<16xi32>], vector<16xf32>,
    %add3A_628 = arith.constant 560 : i32
    %add3A_629 = vector.broadcast %add3A_628 : i32 to vector<16xi32>
    %add3A_630 = arith.addi %add3A_629, %iota3A : vector<16xi32>
    %mul3A_631 = arith.constant 0 : i32
    %mul3A_632 = vector.broadcast %mul3A_631 : i32 to vector<16xi32>
    %mul3A_633 = arith.muli %iota3A, %mul3A_632 : vector<16xi32>
    tpu.vector_store_idx %arg11[%add3A_630, %mul3A_633], %gather3A_627 : memref<640x16xf32, #tpu.memory_space<vmem>>[vector<16xi32>, vector<16xi32>], vector<16xf32>,
    %add3A_634 = arith.constant 576 : i32
    %add3A_635 = arith.addi %mul3A_22, %add3A_634 : i32
    %add3A_636 = vector.broadcast %add3A_635 : i32 to vector<16xi32>
    %add3A_637 = arith.addi %add3A_636, %iota3A : vector<16xi32>
    %shift_right_arithmetic3A_638 = arith.constant 7 : i32
    %shift_right_arithmetic3A_639 = vector.broadcast %shift_right_arithmetic3A_638 : i32 to vector<16xi32>
    %shift_right_arithmetic3A_640 = arith.shrsi %add3A_637, %shift_right_arithmetic3A_639 : vector<16xi32>
    %and3A_641 = arith.constant 127 : i32
    %and3A_642 = vector.broadcast %and3A_641 : i32 to vector<16xi32>
    %and3A_643 = arith.andi %add3A_637, %and3A_642 : vector<16xi32>
    %gather3A_644 = tpu.vector_load_idx %arg8[%shift_right_arithmetic3A_640, %and3A_643] : memref<80x128xf32, #tpu.memory_space<vmem>>[vector<16xi32>, vector<16xi32>], vector<16xf32>,
    %add3A_645 = arith.constant 576 : i32
    %add3A_646 = vector.broadcast %add3A_645 : i32 to vector<16xi32>
    %add3A_647 = arith.addi %add3A_646, %iota3A : vector<16xi32>
    %mul3A_648 = arith.constant 0 : i32
    %mul3A_649 = vector.broadcast %mul3A_648 : i32 to vector<16xi32>
    %mul3A_650 = arith.muli %iota3A, %mul3A_649 : vector<16xi32>
    tpu.vector_store_idx %arg11[%add3A_647, %mul3A_650], %gather3A_644 : memref<640x16xf32, #tpu.memory_space<vmem>>[vector<16xi32>, vector<16xi32>], vector<16xf32>,
    %add3A_651 = arith.constant 592 : i32
    %add3A_652 = arith.addi %mul3A_22, %add3A_651 : i32
    %add3A_653 = vector.broadcast %add3A_652 : i32 to vector<16xi32>
    %add3A_654 = arith.addi %add3A_653, %iota3A : vector<16xi32>
    %shift_right_arithmetic3A_655 = arith.constant 7 : i32
    %shift_right_arithmetic3A_656 = vector.broadcast %shift_right_arithmetic3A_655 : i32 to vector<16xi32>
    %shift_right_arithmetic3A_657 = arith.shrsi %add3A_654, %shift_right_arithmetic3A_656 : vector<16xi32>
    %and3A_658 = arith.constant 127 : i32
    %and3A_659 = vector.broadcast %and3A_658 : i32 to vector<16xi32>
    %and3A_660 = arith.andi %add3A_654, %and3A_659 : vector<16xi32>
    %gather3A_661 = tpu.vector_load_idx %arg8[%shift_right_arithmetic3A_657, %and3A_660] : memref<80x128xf32, #tpu.memory_space<vmem>>[vector<16xi32>, vector<16xi32>], vector<16xf32>,
    %add3A_662 = arith.constant 592 : i32
    %add3A_663 = vector.broadcast %add3A_662 : i32 to vector<16xi32>
    %add3A_664 = arith.addi %add3A_663, %iota3A : vector<16xi32>
    %mul3A_665 = arith.constant 0 : i32
    %mul3A_666 = vector.broadcast %mul3A_665 : i32 to vector<16xi32>
    %mul3A_667 = arith.muli %iota3A, %mul3A_666 : vector<16xi32>
    tpu.vector_store_idx %arg11[%add3A_664, %mul3A_667], %gather3A_661 : memref<640x16xf32, #tpu.memory_space<vmem>>[vector<16xi32>, vector<16xi32>], vector<16xf32>,
    %add3A_668 = arith.constant 608 : i32
    %add3A_669 = arith.addi %mul3A_22, %add3A_668 : i32
    %add3A_670 = vector.broadcast %add3A_669 : i32 to vector<16xi32>
    %add3A_671 = arith.addi %add3A_670, %iota3A : vector<16xi32>
    %shift_right_arithmetic3A_672 = arith.constant 7 : i32
    %shift_right_arithmetic3A_673 = vector.broadcast %shift_right_arithmetic3A_672 : i32 to vector<16xi32>
    %shift_right_arithmetic3A_674 = arith.shrsi %add3A_671, %shift_right_arithmetic3A_673 : vector<16xi32>
    %and3A_675 = arith.constant 127 : i32
    %and3A_676 = vector.broadcast %and3A_675 : i32 to vector<16xi32>
    %and3A_677 = arith.andi %add3A_671, %and3A_676 : vector<16xi32>
    %gather3A_678 = tpu.vector_load_idx %arg8[%shift_right_arithmetic3A_674, %and3A_677] : memref<80x128xf32, #tpu.memory_space<vmem>>[vector<16xi32>, vector<16xi32>], vector<16xf32>,
    %add3A_679 = arith.constant 608 : i32
    %add3A_680 = vector.broadcast %add3A_679 : i32 to vector<16xi32>
    %add3A_681 = arith.addi %add3A_680, %iota3A : vector<16xi32>
    %mul3A_682 = arith.constant 0 : i32
    %mul3A_683 = vector.broadcast %mul3A_682 : i32 to vector<16xi32>
    %mul3A_684 = arith.muli %iota3A, %mul3A_683 : vector<16xi32>
    tpu.vector_store_idx %arg11[%add3A_681, %mul3A_684], %gather3A_678 : memref<640x16xf32, #tpu.memory_space<vmem>>[vector<16xi32>, vector<16xi32>], vector<16xf32>,
    %add3A_685 = arith.constant 624 : i32
    %add3A_686 = arith.addi %mul3A_22, %add3A_685 : i32
    %add3A_687 = vector.broadcast %add3A_686 : i32 to vector<16xi32>
    %add3A_688 = arith.addi %add3A_687, %iota3A : vector<16xi32>
    %shift_right_arithmetic3A_689 = arith.constant 7 : i32
    %shift_right_arithmetic3A_690 = vector.broadcast %shift_right_arithmetic3A_689 : i32 to vector<16xi32>
    %shift_right_arithmetic3A_691 = arith.shrsi %add3A_688, %shift_right_arithmetic3A_690 : vector<16xi32>
    %and3A_692 = arith.constant 127 : i32
    %and3A_693 = vector.broadcast %and3A_692 : i32 to vector<16xi32>
    %and3A_694 = arith.andi %add3A_688, %and3A_693 : vector<16xi32>
    %gather3A_695 = tpu.vector_load_idx %arg8[%shift_right_arithmetic3A_691, %and3A_694] : memref<80x128xf32, #tpu.memory_space<vmem>>[vector<16xi32>, vector<16xi32>], vector<16xf32>,
    %add3A_696 = arith.constant 624 : i32
    %add3A_697 = vector.broadcast %add3A_696 : i32 to vector<16xi32>
    %add3A_698 = arith.addi %add3A_697, %iota3A : vector<16xi32>
    %mul3A_699 = arith.constant 0 : i32
    %mul3A_700 = vector.broadcast %mul3A_699 : i32 to vector<16xi32>
    %mul3A_701 = arith.muli %iota3A, %mul3A_700 : vector<16xi32>
    tpu.vector_store_idx %arg11[%add3A_698, %mul3A_701], %gather3A_695 : memref<640x16xf32, #tpu.memory_space<vmem>>[vector<16xi32>, vector<16xi32>], vector<16xf32>,
    "tpu.region"() ({
      %run_scoped3A = tpu.sem_alloc : memref<!tpu.dma_semaphore, #tpu.memory_space<semaphore_mem>>
      %dma_start3A = arith.constant 0 : i32
      %dma_start3A_702 = tpu.memref_slice %arg5[%arg0, %mul3A_22, %dma_start3A] : memref<2x10240x16xf32, #tpu.memory_space<hbm>> -> memref<1x640x16xf32, #tpu.memory_space<hbm>>
      %dma_start3A_703 = tpu.memref_squeeze %dma_start3A_702 : memref<1x640x16xf32, #tpu.memory_space<hbm>> -> memref<640x16xf32, #tpu.memory_space<hbm>>
      %dma_start3A_704 = arith.constant 0 : i32
      %dma_start3A_705 = tpu.memref_slice %arg5[%arg0, %mul3A_22, %dma_start3A_704] : memref<2x10240x16xf32, #tpu.memory_space<hbm>> -> memref<1x640x16xf32, #tpu.memory_space<hbm>>
      %dma_start3A_706 = tpu.memref_squeeze %dma_start3A_705 : memref<1x640x16xf32, #tpu.memory_space<hbm>> -> memref<640x16xf32, #tpu.memory_space<hbm>>
      tpu.enqueue_dma source(%arg11 : memref<640x16xf32, #tpu.memory_space<vmem>>) target(%dma_start3A_706 : memref<640x16xf32, #tpu.memory_space<hbm>>) target_semaphore(%run_scoped3A : memref<!tpu.dma_semaphore, #tpu.memory_space<semaphore_mem>>)
      %dma_wait3A = arith.constant 0 : i32
      %dma_wait3A_707 = tpu.memref_slice %arg5[%arg0, %mul3A_22, %dma_wait3A] : memref<2x10240x16xf32, #tpu.memory_space<hbm>> -> memref<1x640x16xf32, #tpu.memory_space<hbm>>
      %dma_wait3A_708 = tpu.memref_squeeze %dma_wait3A_707 : memref<1x640x16xf32, #tpu.memory_space<hbm>> -> memref<640x16xf32, #tpu.memory_space<hbm>>
      %dma_wait3A_709 = arith.constant 0 : i32
      %dma_wait3A_710 = tpu.memref_slice %arg5[%arg0, %mul3A_22, %dma_wait3A_709] : memref<2x10240x16xf32, #tpu.memory_space<hbm>> -> memref<1x640x16xf32, #tpu.memory_space<hbm>>
      %dma_wait3A_711 = tpu.memref_squeeze %dma_wait3A_710 : memref<1x640x16xf32, #tpu.memory_space<hbm>> -> memref<640x16xf32, #tpu.memory_space<hbm>>
      tpu.wait_dma2 semaphore(%run_scoped3A : memref<!tpu.dma_semaphore, #tpu.memory_space<semaphore_mem>>) src(%arg11 : memref<640x16xf32, #tpu.memory_space<vmem>>) dst(%dma_wait3A_711 : memref<640x16xf32, #tpu.memory_space<hbm>>)
      tpu.yield
    }) : () -> ()
    return
  }
}

#map = affine_map<(d0, d1) -> (0, 0)>
#map1 = affine_map<(d0, d1) -> (0)>
#map2 = affine_map<(d0, d1) -> (0, 0, 0)>
module attributes {stable_mosaic.version = 14 : i64} {
  func.func @_agg_kernel(%arg0: i32, %arg1: i32, %arg2: memref<10000x128xf32, #tpu.memory_space<hbm>>, %arg3: memref<320000xi32, #tpu.memory_space<hbm>>, %arg4: memref<320000xi32, #tpu.memory_space<hbm>>, %arg5: memref<640x128xf32, #tpu.memory_space<hbm>>, %arg6: memref<2x10240x128xf32, #tpu.memory_space<hbm>>, %arg7: memref<10240x128xf32, #tpu.memory_space<vmem_shared>>, %arg8: memref<128xi32, #tpu.memory_space<vmem>>, %arg9: memref<128xi32, #tpu.memory_space<vmem>>, %arg10: memref<128x128xf32, #tpu.memory_space<vmem>>, %arg11: memref<16xi32, #tpu.memory_space<vmem>>, %arg12: memref<16xi32, #tpu.memory_space<vmem>>, %arg13: memref<16x128xf32, #tpu.memory_space<vmem>>, %arg14: memref<!tpu.dma_semaphore, #tpu.memory_space<semaphore_mem>>) attributes {dimension_semantics = [#tpu.dimension_semantics<core_parallel>, #tpu.dimension_semantics<subcore_parallel>], iteration_bounds = array<i64: 2, 16>, scalar_prefetch = 0 : i64, scratch_operands = 8 : i64, tpu.core_type = #tpu.core_type<sc_vector_subcore>, window_params = [{transform_indices = #map}, {transform_indices = #map1}, {transform_indices = #map1}, {transform_indices = #map}, {transform_indices = #map2}]} {
    %mul3A = arith.constant 16 : i32
    %mul3A_0 = arith.muli %arg0, %mul3A : i32
    %add3A = arith.addi %mul3A_0, %arg1 : i32
    %mul3A_1 = arith.constant 640 : i32
    %mul3A_2 = arith.muli %arg1, %mul3A_1 : i32
    "tpu.region"() ({
      %run_scoped3A = tpu.sem_alloc : memref<!tpu.dma_semaphore, #tpu.memory_space<semaphore_mem>>
      %dma_start3A_21 = arith.constant 0 : i32
      %dma_start3A_22 = tpu.memref_slice %arg7[%mul3A_2, %dma_start3A_21] : memref<10240x128xf32, #tpu.memory_space<vmem_shared>> -> memref<640x128xf32, #tpu.memory_space<vmem_shared>>
      tpu.enqueue_dma source(%arg5 : memref<640x128xf32, #tpu.memory_space<hbm>>) target(%dma_start3A_22 : memref<640x128xf32, #tpu.memory_space<vmem_shared>>) target_semaphore(%run_scoped3A : memref<!tpu.dma_semaphore, #tpu.memory_space<semaphore_mem>>)
      %dma_wait3A_23 = arith.constant 0 : i32
      %dma_wait3A_24 = tpu.memref_slice %arg7[%mul3A_2, %dma_wait3A_23] : memref<10240x128xf32, #tpu.memory_space<vmem_shared>> -> memref<640x128xf32, #tpu.memory_space<vmem_shared>>
      tpu.wait_dma2 semaphore(%run_scoped3A : memref<!tpu.dma_semaphore, #tpu.memory_space<semaphore_mem>>) src(%arg5 : memref<640x128xf32, #tpu.memory_space<hbm>>) dst(%dma_wait3A_24 : memref<640x128xf32, #tpu.memory_space<vmem_shared>>)
      tpu.yield
    }) : () -> ()
    %barrier3A = arith.constant 0 : index
    tpu.barrier barrier_id(%barrier3A)
    %mul3A_3 = arith.constant 10000 : i32
    %mul3A_4 = arith.muli %add3A, %mul3A_3 : i32
    %scan3A = arith.constant 0 : i32
    %scan3A_5 = arith.constant 0 : i32
    %scan3A_6 = arith.constant 78 : i32
    %scan3A_7 = arith.addi %scan3A_5, %scan3A_6 : i32
    %scan3A_8 = arith.constant 1 : i32
    scf.for %scan3A_21 = %scan3A_5 to %scan3A_7 step %scan3A_8  : i32 {
      %mul3A_22 = arith.constant 128 : i32
      %mul3A_23 = arith.muli %scan3A_21, %mul3A_22 : i32
      %add3A_24 = arith.addi %mul3A_4, %mul3A_23 : i32
      "tpu.region"() ({
        %run_scoped3A = tpu.sem_alloc : memref<!tpu.dma_semaphore, #tpu.memory_space<semaphore_mem>>
        %dma_start3A_31 = tpu.memref_slice %arg3[%add3A_24] : memref<320000xi32, #tpu.memory_space<hbm>> -> memref<128xi32, #tpu.memory_space<hbm>>
        %dma_start3A_32 = tpu.memref_slice %arg3[%add3A_24] : memref<320000xi32, #tpu.memory_space<hbm>> -> memref<128xi32, #tpu.memory_space<hbm>>
        tpu.enqueue_dma source(%dma_start3A_32 : memref<128xi32, #tpu.memory_space<hbm>>) target(%arg8 : memref<128xi32, #tpu.memory_space<vmem>>) target_semaphore(%run_scoped3A : memref<!tpu.dma_semaphore, #tpu.memory_space<semaphore_mem>>)
        %dma_wait3A_33 = tpu.memref_slice %arg3[%add3A_24] : memref<320000xi32, #tpu.memory_space<hbm>> -> memref<128xi32, #tpu.memory_space<hbm>>
        %dma_wait3A_34 = tpu.memref_slice %arg3[%add3A_24] : memref<320000xi32, #tpu.memory_space<hbm>> -> memref<128xi32, #tpu.memory_space<hbm>>
        tpu.wait_dma2 semaphore(%run_scoped3A : memref<!tpu.dma_semaphore, #tpu.memory_space<semaphore_mem>>) src(%dma_wait3A_34 : memref<128xi32, #tpu.memory_space<hbm>>) dst(%arg8 : memref<128xi32, #tpu.memory_space<vmem>>)
        tpu.yield
      }) : () -> ()
      "tpu.region"() ({
        %run_scoped3A = tpu.sem_alloc : memref<!tpu.dma_semaphore, #tpu.memory_space<semaphore_mem>>
        %dma_start3A_31 = tpu.memref_slice %arg4[%add3A_24] : memref<320000xi32, #tpu.memory_space<hbm>> -> memref<128xi32, #tpu.memory_space<hbm>>
        %dma_start3A_32 = tpu.memref_slice %arg4[%add3A_24] : memref<320000xi32, #tpu.memory_space<hbm>> -> memref<128xi32, #tpu.memory_space<hbm>>
        tpu.enqueue_dma source(%dma_start3A_32 : memref<128xi32, #tpu.memory_space<hbm>>) target(%arg9 : memref<128xi32, #tpu.memory_space<vmem>>) target_semaphore(%run_scoped3A : memref<!tpu.dma_semaphore, #tpu.memory_space<semaphore_mem>>)
        %dma_wait3A_33 = tpu.memref_slice %arg4[%add3A_24] : memref<320000xi32, #tpu.memory_space<hbm>> -> memref<128xi32, #tpu.memory_space<hbm>>
        %dma_wait3A_34 = tpu.memref_slice %arg4[%add3A_24] : memref<320000xi32, #tpu.memory_space<hbm>> -> memref<128xi32, #tpu.memory_space<hbm>>
        tpu.wait_dma2 semaphore(%run_scoped3A : memref<!tpu.dma_semaphore, #tpu.memory_space<semaphore_mem>>) src(%dma_wait3A_34 : memref<128xi32, #tpu.memory_space<hbm>>) dst(%arg9 : memref<128xi32, #tpu.memory_space<vmem>>)
        tpu.yield
      }) : () -> ()
      %dma_start3A_25 = arith.constant 0 : i32
      %dma_start3A_26 = arith.constant 0 : i32
      %dma_start3A_27 = tpu.memref_slice %arg2[%dma_start3A_25, %dma_start3A_26] : memref<10000x128xf32, #tpu.memory_space<hbm>> -> memref<10000x128xf32, #tpu.memory_space<hbm>>
      tpu.enqueue_indirect_dma source(%dma_start3A_27 : memref<10000x128xf32, #tpu.memory_space<hbm>>) target(%arg10 : memref<128x128xf32, #tpu.memory_space<vmem>>) offsets(%arg8 : memref<128xi32, #tpu.memory_space<vmem>>) semaphore(%arg14 : memref<!tpu.dma_semaphore, #tpu.memory_space<semaphore_mem>>)
      %dma_wait3A_28 = arith.constant 0 : i32
      %dma_wait3A_29 = arith.constant 0 : i32
      %dma_wait3A_30 = tpu.memref_slice %arg2[%dma_wait3A_28, %dma_wait3A_29] : memref<10000x128xf32, #tpu.memory_space<hbm>> -> memref<10000x128xf32, #tpu.memory_space<hbm>>
      tpu.wait_indirect_dma semaphore(%arg14 : memref<!tpu.dma_semaphore, #tpu.memory_space<semaphore_mem>>) src(%dma_wait3A_30 : memref<10000x128xf32, #tpu.memory_space<hbm>>) dst(%arg10 : memref<128x128xf32, #tpu.memory_space<vmem>>)
      "tpu.region"() ({
        %run_scoped3A = tpu.sem_alloc : memref<!tpu.dma_semaphore, #tpu.memory_space<semaphore_mem>>
        %dma_start3A_31 = arith.constant 0 : i32
        %dma_start3A_32 = arith.constant 0 : i32
        %dma_start3A_33 = tpu.memref_slice %arg7[%dma_start3A_31, %dma_start3A_32] : memref<10240x128xf32, #tpu.memory_space<vmem_shared>> -> memref<10240x128xf32, #tpu.memory_space<vmem_shared>>
        tpu.enqueue_indirect_dma source(%arg10 : memref<128x128xf32, #tpu.memory_space<vmem>>) target(%dma_start3A_33 : memref<10240x128xf32, #tpu.memory_space<vmem_shared>>) offsets(%arg9 : memref<128xi32, #tpu.memory_space<vmem>>) semaphore(%run_scoped3A : memref<!tpu.dma_semaphore, #tpu.memory_space<semaphore_mem>>) {add = true}
        %dma_wait3A_34 = arith.constant 0 : i32
        %dma_wait3A_35 = arith.constant 0 : i32
        %dma_wait3A_36 = tpu.memref_slice %arg7[%dma_wait3A_34, %dma_wait3A_35] : memref<10240x128xf32, #tpu.memory_space<vmem_shared>> -> memref<10240x128xf32, #tpu.memory_space<vmem_shared>>
        tpu.wait_indirect_dma semaphore(%run_scoped3A : memref<!tpu.dma_semaphore, #tpu.memory_space<semaphore_mem>>) src(%arg10 : memref<128x128xf32, #tpu.memory_space<vmem>>) dst(%dma_wait3A_36 : memref<10240x128xf32, #tpu.memory_space<vmem_shared>>)
        tpu.yield
      }) : () -> ()
    }
    %scan3A_9 = arith.constant 78 : i32
    %add3A_10 = arith.constant 9984 : i32
    %add3A_11 = arith.addi %mul3A_4, %add3A_10 : i32
    "tpu.region"() ({
      %run_scoped3A = tpu.sem_alloc : memref<!tpu.dma_semaphore, #tpu.memory_space<semaphore_mem>>
      %dma_start3A_21 = tpu.memref_slice %arg3[%add3A_11] : memref<320000xi32, #tpu.memory_space<hbm>> -> memref<16xi32, #tpu.memory_space<hbm>>
      %dma_start3A_22 = tpu.memref_slice %arg3[%add3A_11] : memref<320000xi32, #tpu.memory_space<hbm>> -> memref<16xi32, #tpu.memory_space<hbm>>
      tpu.enqueue_dma source(%dma_start3A_22 : memref<16xi32, #tpu.memory_space<hbm>>) target(%arg11 : memref<16xi32, #tpu.memory_space<vmem>>) target_semaphore(%run_scoped3A : memref<!tpu.dma_semaphore, #tpu.memory_space<semaphore_mem>>)
      %dma_wait3A_23 = tpu.memref_slice %arg3[%add3A_11] : memref<320000xi32, #tpu.memory_space<hbm>> -> memref<16xi32, #tpu.memory_space<hbm>>
      %dma_wait3A_24 = tpu.memref_slice %arg3[%add3A_11] : memref<320000xi32, #tpu.memory_space<hbm>> -> memref<16xi32, #tpu.memory_space<hbm>>
      tpu.wait_dma2 semaphore(%run_scoped3A : memref<!tpu.dma_semaphore, #tpu.memory_space<semaphore_mem>>) src(%dma_wait3A_24 : memref<16xi32, #tpu.memory_space<hbm>>) dst(%arg11 : memref<16xi32, #tpu.memory_space<vmem>>)
      tpu.yield
    }) : () -> ()
    "tpu.region"() ({
      %run_scoped3A = tpu.sem_alloc : memref<!tpu.dma_semaphore, #tpu.memory_space<semaphore_mem>>
      %dma_start3A_21 = tpu.memref_slice %arg4[%add3A_11] : memref<320000xi32, #tpu.memory_space<hbm>> -> memref<16xi32, #tpu.memory_space<hbm>>
      %dma_start3A_22 = tpu.memref_slice %arg4[%add3A_11] : memref<320000xi32, #tpu.memory_space<hbm>> -> memref<16xi32, #tpu.memory_space<hbm>>
      tpu.enqueue_dma source(%dma_start3A_22 : memref<16xi32, #tpu.memory_space<hbm>>) target(%arg12 : memref<16xi32, #tpu.memory_space<vmem>>) target_semaphore(%run_scoped3A : memref<!tpu.dma_semaphore, #tpu.memory_space<semaphore_mem>>)
      %dma_wait3A_23 = tpu.memref_slice %arg4[%add3A_11] : memref<320000xi32, #tpu.memory_space<hbm>> -> memref<16xi32, #tpu.memory_space<hbm>>
      %dma_wait3A_24 = tpu.memref_slice %arg4[%add3A_11] : memref<320000xi32, #tpu.memory_space<hbm>> -> memref<16xi32, #tpu.memory_space<hbm>>
      tpu.wait_dma2 semaphore(%run_scoped3A : memref<!tpu.dma_semaphore, #tpu.memory_space<semaphore_mem>>) src(%dma_wait3A_24 : memref<16xi32, #tpu.memory_space<hbm>>) dst(%arg12 : memref<16xi32, #tpu.memory_space<vmem>>)
      tpu.yield
    }) : () -> ()
    %dma_start3A = arith.constant 0 : i32
    %dma_start3A_12 = arith.constant 0 : i32
    %dma_start3A_13 = tpu.memref_slice %arg2[%dma_start3A, %dma_start3A_12] : memref<10000x128xf32, #tpu.memory_space<hbm>> -> memref<10000x128xf32, #tpu.memory_space<hbm>>
    tpu.enqueue_indirect_dma source(%dma_start3A_13 : memref<10000x128xf32, #tpu.memory_space<hbm>>) target(%arg13 : memref<16x128xf32, #tpu.memory_space<vmem>>) offsets(%arg11 : memref<16xi32, #tpu.memory_space<vmem>>) semaphore(%arg14 : memref<!tpu.dma_semaphore, #tpu.memory_space<semaphore_mem>>)
    %dma_wait3A = arith.constant 0 : i32
    %dma_wait3A_14 = arith.constant 0 : i32
    %dma_wait3A_15 = tpu.memref_slice %arg2[%dma_wait3A, %dma_wait3A_14] : memref<10000x128xf32, #tpu.memory_space<hbm>> -> memref<10000x128xf32, #tpu.memory_space<hbm>>
    tpu.wait_indirect_dma semaphore(%arg14 : memref<!tpu.dma_semaphore, #tpu.memory_space<semaphore_mem>>) src(%dma_wait3A_15 : memref<10000x128xf32, #tpu.memory_space<hbm>>) dst(%arg13 : memref<16x128xf32, #tpu.memory_space<vmem>>)
    "tpu.region"() ({
      %run_scoped3A = tpu.sem_alloc : memref<!tpu.dma_semaphore, #tpu.memory_space<semaphore_mem>>
      %dma_start3A_21 = arith.constant 0 : i32
      %dma_start3A_22 = arith.constant 0 : i32
      %dma_start3A_23 = tpu.memref_slice %arg7[%dma_start3A_21, %dma_start3A_22] : memref<10240x128xf32, #tpu.memory_space<vmem_shared>> -> memref<10240x128xf32, #tpu.memory_space<vmem_shared>>
      tpu.enqueue_indirect_dma source(%arg13 : memref<16x128xf32, #tpu.memory_space<vmem>>) target(%dma_start3A_23 : memref<10240x128xf32, #tpu.memory_space<vmem_shared>>) offsets(%arg12 : memref<16xi32, #tpu.memory_space<vmem>>) semaphore(%run_scoped3A : memref<!tpu.dma_semaphore, #tpu.memory_space<semaphore_mem>>) {add = true}
      %dma_wait3A_24 = arith.constant 0 : i32
      %dma_wait3A_25 = arith.constant 0 : i32
      %dma_wait3A_26 = tpu.memref_slice %arg7[%dma_wait3A_24, %dma_wait3A_25] : memref<10240x128xf32, #tpu.memory_space<vmem_shared>> -> memref<10240x128xf32, #tpu.memory_space<vmem_shared>>
      tpu.wait_indirect_dma semaphore(%run_scoped3A : memref<!tpu.dma_semaphore, #tpu.memory_space<semaphore_mem>>) src(%arg13 : memref<16x128xf32, #tpu.memory_space<vmem>>) dst(%dma_wait3A_26 : memref<10240x128xf32, #tpu.memory_space<vmem_shared>>)
      tpu.yield
    }) : () -> ()
    %barrier3A_16 = arith.constant 0 : index
    tpu.barrier barrier_id(%barrier3A_16)
    %mul3A_17 = arith.constant 640 : i32
    %mul3A_18 = arith.muli %arg1, %mul3A_17 : i32
    %mul3A_19 = arith.constant 640 : i32
    %mul3A_20 = arith.muli %arg1, %mul3A_19 : i32
    "tpu.region"() ({
      %run_scoped3A = tpu.sem_alloc : memref<!tpu.dma_semaphore, #tpu.memory_space<semaphore_mem>>
      %dma_start3A_21 = arith.constant 0 : i32
      %dma_start3A_22 = tpu.memref_slice %arg6[%arg0, %mul3A_20, %dma_start3A_21] : memref<2x10240x128xf32, #tpu.memory_space<hbm>> -> memref<1x640x128xf32, #tpu.memory_space<hbm>>
      %dma_start3A_23 = tpu.memref_squeeze %dma_start3A_22 : memref<1x640x128xf32, #tpu.memory_space<hbm>> -> memref<640x128xf32, #tpu.memory_space<hbm>>
      %dma_start3A_24 = arith.constant 0 : i32
      %dma_start3A_25 = tpu.memref_slice %arg7[%mul3A_18, %dma_start3A_24] : memref<10240x128xf32, #tpu.memory_space<vmem_shared>> -> memref<640x128xf32, #tpu.memory_space<vmem_shared>>
      tpu.enqueue_dma source(%dma_start3A_25 : memref<640x128xf32, #tpu.memory_space<vmem_shared>>) target(%dma_start3A_23 : memref<640x128xf32, #tpu.memory_space<hbm>>) target_semaphore(%run_scoped3A : memref<!tpu.dma_semaphore, #tpu.memory_space<semaphore_mem>>)
      %dma_wait3A_26 = arith.constant 0 : i32
      %dma_wait3A_27 = tpu.memref_slice %arg6[%arg0, %mul3A_20, %dma_wait3A_26] : memref<2x10240x128xf32, #tpu.memory_space<hbm>> -> memref<1x640x128xf32, #tpu.memory_space<hbm>>
      %dma_wait3A_28 = tpu.memref_squeeze %dma_wait3A_27 : memref<1x640x128xf32, #tpu.memory_space<hbm>> -> memref<640x128xf32, #tpu.memory_space<hbm>>
      %dma_wait3A_29 = arith.constant 0 : i32
      %dma_wait3A_30 = tpu.memref_slice %arg7[%mul3A_18, %dma_wait3A_29] : memref<10240x128xf32, #tpu.memory_space<vmem_shared>> -> memref<640x128xf32, #tpu.memory_space<vmem_shared>>
      tpu.wait_dma2 semaphore(%run_scoped3A : memref<!tpu.dma_semaphore, #tpu.memory_space<semaphore_mem>>) src(%dma_wait3A_30 : memref<640x128xf32, #tpu.memory_space<vmem_shared>>) dst(%dma_wait3A_28 : memref<640x128xf32, #tpu.memory_space<hbm>>)
      tpu.yield
    }) : () -> ()
    return
  }
}

module attributes {stable_mosaic.version = 14 : i64} {
  func.func @_tc1_body(%arg0: i32, %arg1: memref<2x1000x16xf32, #tpu.memory_space<vmem>>, %arg2: memref<1000x128xf32, #tpu.memory_space<vmem>>, %arg3: memref<128x128xf32, #tpu.memory_space<vmem>>, %arg4: memref<1000x128xf32, #tpu.memory_space<vmem>>) attributes {dimension_semantics = [#tpu.dimension_semantics<arbitrary>], iteration_bounds = array<i64: 10>, scalar_prefetch = 0 : i64, scratch_operands = 0 : i64, tpu.core_type = #tpu.core_type<tc>, window_params = [{transform_indices = @transform_0, window_bounds = array<i64: 2, 1000, 16>}, {transform_indices = @transform_1, window_bounds = array<i64: 1000, 128>}, {pipeline_mode = #tpu.pipeline_mode<synchronous>, transform_indices = @transform_2, window_bounds = array<i64: 128, 128>}, {transform_indices = @transform_3, window_bounds = array<i64: 1000, 128>}]} {
    %get3A = arith.constant 0 : index
    %get3A_0 = arith.constant 0 : index
    %get3A_1 = arith.constant 0 : index
    %get3A_2 = vector.load %arg1[%get3A, %get3A_0, %get3A_1] : memref<2x1000x16xf32, #tpu.memory_space<vmem>>, vector<2x1000x16xf32>
    %slice3A = vector.extract_strided_slice %get3A_2 {offsets = [0, 0, 0], sizes = [1, 1000, 1], strides = [1, 1, 1]} : vector<2x1000x16xf32> to vector<1x1000x1xf32>
    %squeeze3A = vector.shape_cast %slice3A : vector<1x1000x1xf32> to vector<1000x1xf32>
    %slice3A_3 = vector.extract_strided_slice %get3A_2 {offsets = [1, 0, 0], sizes = [1, 1000, 1], strides = [1, 1, 1]} : vector<2x1000x16xf32> to vector<1x1000x1xf32>
    %squeeze3A_4 = vector.shape_cast %slice3A_3 : vector<1x1000x1xf32> to vector<1000x1xf32>
    %add3A = arith.addf %squeeze3A, %squeeze3A_4 : vector<1000x1xf32>
    %add3A_5 = arith.constant 1.000000e+00 : f32
    %add3A_6 = vector.broadcast %add3A_5 : f32 to vector<1000x1xf32>
    %add3A_7 = arith.addf %add3A, %add3A_6 : vector<1000x1xf32>
    %rsqrt3A = math.rsqrt %add3A_7 : vector<1000x1xf32>
    %get3A_8 = arith.constant 0 : index
    %get3A_9 = arith.constant 0 : index
    %get3A_10 = vector.load %arg2[%get3A_8, %get3A_9] : memref<1000x128xf32, #tpu.memory_space<vmem>>, vector<1000x128xf32>
    %get3A_11 = arith.constant 0 : index
    %get3A_12 = arith.constant 0 : index
    %get3A_13 = vector.load %arg3[%get3A_11, %get3A_12] : memref<128x128xf32, #tpu.memory_space<vmem>>, vector<128x128xf32>
    %dot_general3A = arith.constant dense<0.000000e+00> : vector<1000x128xf32>
    %dot_general3A_14 = tpu.matmul %get3A_10, %get3A_13, %dot_general3A {dimension_numbers = #tpu.dot_dimension_numbers<[1], [0], [0], [1], [0, 0, 1, 1], [], []>, transpose_lhs_hint = false} : vector<1000x128xf32>, vector<128x128xf32>, vector<1000x128xf32> -> vector<1000x128xf32>
    %mul3A = vector.broadcast %rsqrt3A : vector<1000x1xf32> to vector<1000x128xf32>
    %mul3A_15 = arith.mulf %dot_general3A_14, %mul3A : vector<1000x128xf32>
    %swap3A = arith.constant 0 : index
    %swap3A_16 = arith.constant 0 : index
    %swap3A_17 = vector.load %arg4[%swap3A, %swap3A_16] : memref<1000x128xf32, #tpu.memory_space<vmem>>, vector<1000x128xf32>
    tpu.vector_store %arg4[%swap3A, %swap3A_16], %mul3A_15 {strides = array<i32>} : memref<1000x128xf32, #tpu.memory_space<vmem>>, vector<1000x128xf32>,
    return
  }
  func.func @transform_0(%arg0: i32) -> (i32, i32, i32) {
    %c0_i32 = arith.constant 0 : i32
    %c0_i32_0 = arith.constant 0 : i32
    %c0_i32_1 = arith.constant 0 : i32
    return %c0_i32, %arg0, %c0_i32_0 : i32, i32, i32
  }
  func.func @transform_1(%arg0: i32) -> (i32, i32) {
    %c0_i32 = arith.constant 0 : i32
    %c0_i32_0 = arith.constant 0 : i32
    return %arg0, %c0_i32 : i32, i32
  }
  func.func @transform_2(%arg0: i32) -> (i32, i32) {
    %c0_i32 = arith.constant 0 : i32
    %c0_i32_0 = arith.constant 0 : i32
    %c0_i32_1 = arith.constant 0 : i32
    return %c0_i32, %c0_i32_0 : i32, i32
  }
  func.func @transform_3(%arg0: i32) -> (i32, i32) {
    %c0_i32 = arith.constant 0 : i32
    %c0_i32_0 = arith.constant 0 : i32
    return %arg0, %c0_i32 : i32, i32
  }
}

module attributes {stable_mosaic.version = 14 : i64} {
  func.func @_tc2_body(%arg0: i32, %arg1: memref<2x1000x16xf32, #tpu.memory_space<vmem>>, %arg2: memref<2x1000x128xf32, #tpu.memory_space<vmem>>, %arg3: memref<1000x128xf32, #tpu.memory_space<vmem>>, %arg4: memref<1x128xf32, #tpu.memory_space<vmem>>, %arg5: memref<128x128xf32, #tpu.memory_space<vmem>>, %arg6: memref<1000x128xf32, #tpu.memory_space<vmem>>) attributes {dimension_semantics = [#tpu.dimension_semantics<arbitrary>], iteration_bounds = array<i64: 10>, scalar_prefetch = 0 : i64, scratch_operands = 0 : i64, tpu.core_type = #tpu.core_type<tc>, window_params = [{transform_indices = @transform_0, window_bounds = array<i64: 2, 1000, 16>}, {transform_indices = @transform_1, window_bounds = array<i64: 2, 1000, 128>}, {transform_indices = @transform_2, window_bounds = array<i64: 1000, 128>}, {pipeline_mode = #tpu.pipeline_mode<synchronous>, transform_indices = @transform_3, window_bounds = array<i64: 1, 128>}, {pipeline_mode = #tpu.pipeline_mode<synchronous>, transform_indices = @transform_4, window_bounds = array<i64: 128, 128>}, {transform_indices = @transform_5, window_bounds = array<i64: 1000, 128>}]} {
    %get3A = arith.constant 0 : index
    %get3A_0 = arith.constant 0 : index
    %get3A_1 = arith.constant 0 : index
    %get3A_2 = vector.load %arg1[%get3A, %get3A_0, %get3A_1] : memref<2x1000x16xf32, #tpu.memory_space<vmem>>, vector<2x1000x16xf32>
    %slice3A = vector.extract_strided_slice %get3A_2 {offsets = [0, 0, 0], sizes = [1, 1000, 1], strides = [1, 1, 1]} : vector<2x1000x16xf32> to vector<1x1000x1xf32>
    %squeeze3A = vector.shape_cast %slice3A : vector<1x1000x1xf32> to vector<1000x1xf32>
    %slice3A_3 = vector.extract_strided_slice %get3A_2 {offsets = [1, 0, 0], sizes = [1, 1000, 1], strides = [1, 1, 1]} : vector<2x1000x16xf32> to vector<1x1000x1xf32>
    %squeeze3A_4 = vector.shape_cast %slice3A_3 : vector<1x1000x1xf32> to vector<1000x1xf32>
    %add3A = arith.addf %squeeze3A, %squeeze3A_4 : vector<1000x1xf32>
    %add3A_5 = arith.constant 1.000000e+00 : f32
    %add3A_6 = vector.broadcast %add3A_5 : f32 to vector<1000x1xf32>
    %add3A_7 = arith.addf %add3A, %add3A_6 : vector<1000x1xf32>
    %rsqrt3A = math.rsqrt %add3A_7 : vector<1000x1xf32>
    %get3A_8 = arith.constant 0 : index
    %get3A_9 = arith.constant 0 : index
    %get3A_10 = arith.constant 0 : index
    %get3A_11 = vector.load %arg2[%get3A_8, %get3A_9, %get3A_10] : memref<2x1000x128xf32, #tpu.memory_space<vmem>>, vector<2x1000x128xf32>
    %slice3A_12 = vector.extract_strided_slice %get3A_11 {offsets = [0, 0, 0], sizes = [1, 1000, 128], strides = [1, 1, 1]} : vector<2x1000x128xf32> to vector<1x1000x128xf32>
    %squeeze3A_13 = vector.shape_cast %slice3A_12 : vector<1x1000x128xf32> to vector<1000x128xf32>
    %slice3A_14 = vector.extract_strided_slice %get3A_11 {offsets = [1, 0, 0], sizes = [1, 1000, 128], strides = [1, 1, 1]} : vector<2x1000x128xf32> to vector<1x1000x128xf32>
    %squeeze3A_15 = vector.shape_cast %slice3A_14 : vector<1x1000x128xf32> to vector<1000x128xf32>
    %add3A_16 = arith.addf %squeeze3A_13, %squeeze3A_15 : vector<1000x128xf32>
    %get3A_17 = arith.constant 0 : index
    %get3A_18 = arith.constant 0 : index
    %get3A_19 = vector.load %arg3[%get3A_17, %get3A_18] : memref<1000x128xf32, #tpu.memory_space<vmem>>, vector<1000x128xf32>
    %add3A_20 = arith.addf %add3A_16, %get3A_19 : vector<1000x128xf32>
    %mul3A = vector.broadcast %rsqrt3A : vector<1000x1xf32> to vector<1000x128xf32>
    %mul3A_21 = arith.mulf %add3A_20, %mul3A : vector<1000x128xf32>
    %get3A_22 = arith.constant 0 : index
    %get3A_23 = arith.constant 0 : index
    %get3A_24 = vector.load %arg4[%get3A_22, %get3A_23] : memref<1x128xf32, #tpu.memory_space<vmem>>, vector<1x128xf32>
    %add3A_25 = vector.broadcast %get3A_24 : vector<1x128xf32> to vector<1000x128xf32>
    %add3A_26 = arith.addf %mul3A_21, %add3A_25 : vector<1000x128xf32>
    %max3A = arith.constant 0.000000e+00 : f32
    %max3A_27 = vector.broadcast %max3A : f32 to vector<1000x128xf32>
    %max3A_28 = arith.maximumf %add3A_26, %max3A_27 : vector<1000x128xf32>
    %get3A_29 = arith.constant 0 : index
    %get3A_30 = arith.constant 0 : index
    %get3A_31 = vector.load %arg5[%get3A_29, %get3A_30] : memref<128x128xf32, #tpu.memory_space<vmem>>, vector<128x128xf32>
    %dot_general3A = arith.constant dense<0.000000e+00> : vector<1000x128xf32>
    %dot_general3A_32 = tpu.matmul %max3A_28, %get3A_31, %dot_general3A {dimension_numbers = #tpu.dot_dimension_numbers<[1], [0], [0], [1], [0, 0, 1, 1], [], []>, transpose_lhs_hint = false} : vector<1000x128xf32>, vector<128x128xf32>, vector<1000x128xf32> -> vector<1000x128xf32>
    %mul3A_33 = vector.broadcast %rsqrt3A : vector<1000x1xf32> to vector<1000x128xf32>
    %mul3A_34 = arith.mulf %dot_general3A_32, %mul3A_33 : vector<1000x128xf32>
    %swap3A = arith.constant 0 : index
    %swap3A_35 = arith.constant 0 : index
    %swap3A_36 = vector.load %arg6[%swap3A, %swap3A_35] : memref<1000x128xf32, #tpu.memory_space<vmem>>, vector<1000x128xf32>
    tpu.vector_store %arg6[%swap3A, %swap3A_35], %mul3A_34 {strides = array<i32>} : memref<1000x128xf32, #tpu.memory_space<vmem>>, vector<1000x128xf32>,
    return
  }
  func.func @transform_0(%arg0: i32) -> (i32, i32, i32) {
    %c0_i32 = arith.constant 0 : i32
    %c0_i32_0 = arith.constant 0 : i32
    %c0_i32_1 = arith.constant 0 : i32
    return %c0_i32, %arg0, %c0_i32_0 : i32, i32, i32
  }
  func.func @transform_1(%arg0: i32) -> (i32, i32, i32) {
    %c0_i32 = arith.constant 0 : i32
    %c0_i32_0 = arith.constant 0 : i32
    %c0_i32_1 = arith.constant 0 : i32
    return %c0_i32, %arg0, %c0_i32_0 : i32, i32, i32
  }
  func.func @transform_2(%arg0: i32) -> (i32, i32) {
    %c0_i32 = arith.constant 0 : i32
    %c0_i32_0 = arith.constant 0 : i32
    return %arg0, %c0_i32 : i32, i32
  }
  func.func @transform_3(%arg0: i32) -> (i32, i32) {
    %c0_i32 = arith.constant 0 : i32
    %c0_i32_0 = arith.constant 0 : i32
    %c0_i32_1 = arith.constant 0 : i32
    return %c0_i32, %c0_i32_0 : i32, i32
  }
  func.func @transform_4(%arg0: i32) -> (i32, i32) {
    %c0_i32 = arith.constant 0 : i32
    %c0_i32_0 = arith.constant 0 : i32
    %c0_i32_1 = arith.constant 0 : i32
    return %c0_i32, %c0_i32_0 : i32, i32
  }
  func.func @transform_5(%arg0: i32) -> (i32, i32) {
    %c0_i32 = arith.constant 0 : i32
    %c0_i32_0 = arith.constant 0 : i32
    return %arg0, %c0_i32 : i32, i32
  }
}

module attributes {stable_mosaic.version = 14 : i64} {
  func.func @_tc3_body(%arg0: i32, %arg1: memref<2x1000x16xf32, #tpu.memory_space<vmem>>, %arg2: memref<2x1000x128xf32, #tpu.memory_space<vmem>>, %arg3: memref<1000x128xf32, #tpu.memory_space<vmem>>, %arg4: memref<1x128xf32, #tpu.memory_space<vmem>>, %arg5: memref<1x1x1000xf32, #tpu.memory_space<vmem>>, %arg6: memref<128x128xf32, #tpu.memory_space<vmem>>, %arg7: memref<1x128xf32, #tpu.memory_space<vmem>>, %arg8: memref<128x128xf32, #tpu.memory_space<vmem>>, %arg9: memref<128x128xf32, #tpu.memory_space<vmem>>, %arg10: memref<128x128xf32, #tpu.memory_space<vmem>>) attributes {dimension_semantics = [#tpu.dimension_semantics<arbitrary>], iteration_bounds = array<i64: 10>, scalar_prefetch = 0 : i64, scratch_operands = 2 : i64, tpu.core_type = #tpu.core_type<tc>, window_params = [{transform_indices = @transform_0, window_bounds = array<i64: 2, 1000, 16>}, {transform_indices = @transform_1, window_bounds = array<i64: 2, 1000, 128>}, {transform_indices = @transform_2, window_bounds = array<i64: 1000, 128>}, {pipeline_mode = #tpu.pipeline_mode<synchronous>, transform_indices = @transform_3, window_bounds = array<i64: 1, 128>}, {transform_indices = @transform_4, window_bounds = array<i64: 1, 1, 1000>}, {pipeline_mode = #tpu.pipeline_mode<synchronous>, transform_indices = @transform_5, window_bounds = array<i64: 128, 128>}, {pipeline_mode = #tpu.pipeline_mode<synchronous>, transform_indices = @transform_6, window_bounds = array<i64: 1, 128>}, {pipeline_mode = #tpu.pipeline_mode<synchronous>, transform_indices = @transform_7, window_bounds = array<i64: 128, 128>}]} {
    %eq3A = arith.constant 0 : i32
    %eq3A_0 = arith.cmpi eq, %arg0, %eq3A : i32
    %convert_element_type3A = arith.extui %eq3A_0 : i1 to i32
    %cond3A = arith.constant 0 : i32
    %cond3A_1 = arith.cmpi ne, %convert_element_type3A, %cond3A : i32
    scf.if %cond3A_1 {
      %broadcast_in_dim3A_60 = arith.constant 0.000000e+00 : f32
      %broadcast_in_dim3A_61 = vector.broadcast %broadcast_in_dim3A_60 : f32 to vector<128x128xf32>
      %swap3A_62 = arith.constant 0 : index
      %swap3A_63 = arith.constant 0 : index
      %swap3A_64 = vector.load %arg9[%swap3A_62, %swap3A_63] : memref<128x128xf32, #tpu.memory_space<vmem>>, vector<128x128xf32>
      tpu.vector_store %arg9[%swap3A_62, %swap3A_63], %broadcast_in_dim3A_61 {strides = array<i32>} : memref<128x128xf32, #tpu.memory_space<vmem>>, vector<128x128xf32>,
      %broadcast_in_dim3A_65 = arith.constant 0.000000e+00 : f32
      %broadcast_in_dim3A_66 = vector.broadcast %broadcast_in_dim3A_65 : f32 to vector<128x128xf32>
      %swap3A_67 = arith.constant 0 : index
      %swap3A_68 = arith.constant 0 : index
      %swap3A_69 = vector.load %arg10[%swap3A_67, %swap3A_68] : memref<128x128xf32, #tpu.memory_space<vmem>>, vector<128x128xf32>
      tpu.vector_store %arg10[%swap3A_67, %swap3A_68], %broadcast_in_dim3A_66 {strides = array<i32>} : memref<128x128xf32, #tpu.memory_space<vmem>>, vector<128x128xf32>,
    } else {
    }
    %get3A = arith.constant 0 : index
    %get3A_2 = arith.constant 0 : index
    %get3A_3 = arith.constant 0 : index
    %get3A_4 = vector.load %arg1[%get3A, %get3A_2, %get3A_3] : memref<2x1000x16xf32, #tpu.memory_space<vmem>>, vector<2x1000x16xf32>
    %slice3A = vector.extract_strided_slice %get3A_4 {offsets = [0, 0, 0], sizes = [1, 1000, 1], strides = [1, 1, 1]} : vector<2x1000x16xf32> to vector<1x1000x1xf32>
    %squeeze3A = vector.shape_cast %slice3A : vector<1x1000x1xf32> to vector<1000x1xf32>
    %slice3A_5 = vector.extract_strided_slice %get3A_4 {offsets = [1, 0, 0], sizes = [1, 1000, 1], strides = [1, 1, 1]} : vector<2x1000x16xf32> to vector<1x1000x1xf32>
    %squeeze3A_6 = vector.shape_cast %slice3A_5 : vector<1x1000x1xf32> to vector<1000x1xf32>
    %add3A = arith.addf %squeeze3A, %squeeze3A_6 : vector<1000x1xf32>
    %add3A_7 = arith.constant 1.000000e+00 : f32
    %add3A_8 = vector.broadcast %add3A_7 : f32 to vector<1000x1xf32>
    %add3A_9 = arith.addf %add3A, %add3A_8 : vector<1000x1xf32>
    %rsqrt3A = math.rsqrt %add3A_9 : vector<1000x1xf32>
    %get3A_10 = arith.constant 0 : index
    %get3A_11 = arith.constant 0 : index
    %get3A_12 = arith.constant 0 : index
    %get3A_13 = vector.load %arg2[%get3A_10, %get3A_11, %get3A_12] : memref<2x1000x128xf32, #tpu.memory_space<vmem>>, vector<2x1000x128xf32>
    %slice3A_14 = vector.extract_strided_slice %get3A_13 {offsets = [0, 0, 0], sizes = [1, 1000, 128], strides = [1, 1, 1]} : vector<2x1000x128xf32> to vector<1x1000x128xf32>
    %squeeze3A_15 = vector.shape_cast %slice3A_14 : vector<1x1000x128xf32> to vector<1000x128xf32>
    %slice3A_16 = vector.extract_strided_slice %get3A_13 {offsets = [1, 0, 0], sizes = [1, 1000, 128], strides = [1, 1, 1]} : vector<2x1000x128xf32> to vector<1x1000x128xf32>
    %squeeze3A_17 = vector.shape_cast %slice3A_16 : vector<1x1000x128xf32> to vector<1000x128xf32>
    %add3A_18 = arith.addf %squeeze3A_15, %squeeze3A_17 : vector<1000x128xf32>
    %get3A_19 = arith.constant 0 : index
    %get3A_20 = arith.constant 0 : index
    %get3A_21 = vector.load %arg3[%get3A_19, %get3A_20] : memref<1000x128xf32, #tpu.memory_space<vmem>>, vector<1000x128xf32>
    %add3A_22 = arith.addf %add3A_18, %get3A_21 : vector<1000x128xf32>
    %mul3A = vector.broadcast %rsqrt3A : vector<1000x1xf32> to vector<1000x128xf32>
    %mul3A_23 = arith.mulf %add3A_22, %mul3A : vector<1000x128xf32>
    %get3A_24 = arith.constant 0 : index
    %get3A_25 = arith.constant 0 : index
    %get3A_26 = vector.load %arg4[%get3A_24, %get3A_25] : memref<1x128xf32, #tpu.memory_space<vmem>>, vector<1x128xf32>
    %add3A_27 = vector.broadcast %get3A_26 : vector<1x128xf32> to vector<1000x128xf32>
    %add3A_28 = arith.addf %mul3A_23, %add3A_27 : vector<1000x128xf32>
    %get3A_29 = arith.constant 0 : index
    %get3A_30 = arith.constant 0 : index
    %get3A_31 = arith.constant 0 : index
    %get3A_32 = vector.load %arg5[%get3A_29, %get3A_30, %get3A_31] : memref<1x1x1000xf32, #tpu.memory_space<vmem>>, vector<1x1x1000xf32>
    %reshape3A = vector.shape_cast %get3A_32 : vector<1x1x1000xf32> to vector<1000x1xf32>
    %iota3A = tpu.iota {dimensions = array<i32: 1>} : vector<1000x128xi32>
    %convert_element_type3A_33 = arith.sitofp %iota3A : vector<1000x128xi32> to vector<1000x128xf32>
    %eq3A_34 = vector.broadcast %reshape3A : vector<1000x1xf32> to vector<1000x128xf32>
    %eq3A_35 = arith.cmpf oeq, %eq3A_34, %convert_element_type3A_33 : vector<1000x128xf32>
    %convert_element_type3A_36 = arith.extui %eq3A_35 : vector<1000x128xi1> to vector<1000x128xi32>
    %convert_element_type3A_37 = arith.sitofp %convert_element_type3A_36 : vector<1000x128xi32> to vector<1000x128xf32>
    %get3A_38 = arith.constant 0 : index
    %get3A_39 = arith.constant 0 : index
    %get3A_40 = vector.load %arg9[%get3A_38, %get3A_39] : memref<128x128xf32, #tpu.memory_space<vmem>>, vector<128x128xf32>
    %dot_general3A = arith.constant dense<0.000000e+00> : vector<128x128xf32>
    %dot_general3A_41 = tpu.matmul %convert_element_type3A_37, %add3A_28, %dot_general3A {dimension_numbers = #tpu.dot_dimension_numbers<[0], [0], [1], [1], [0, 1, 1, 1], [], []>, transpose_lhs_hint = false} : vector<1000x128xf32>, vector<1000x128xf32>, vector<128x128xf32> -> vector<128x128xf32>
    %add3A_42 = arith.addf %get3A_40, %dot_general3A_41 : vector<128x128xf32>
    %swap3A = arith.constant 0 : index
    %swap3A_43 = arith.constant 0 : index
    %swap3A_44 = vector.load %arg9[%swap3A, %swap3A_43] : memref<128x128xf32, #tpu.memory_space<vmem>>, vector<128x128xf32>
    tpu.vector_store %arg9[%swap3A, %swap3A_43], %add3A_42 {strides = array<i32>} : memref<128x128xf32, #tpu.memory_space<vmem>>, vector<128x128xf32>,
    %get3A_45 = arith.constant 0 : index
    %get3A_46 = arith.constant 0 : index
    %get3A_47 = vector.load %arg10[%get3A_45, %get3A_46] : memref<128x128xf32, #tpu.memory_space<vmem>>, vector<128x128xf32>
    %broadcast_in_dim3A = arith.constant 1.000000e+00 : f32
    %broadcast_in_dim3A_48 = vector.broadcast %broadcast_in_dim3A : f32 to vector<1000x128xf32>
    %dot_general3A_49 = arith.constant dense<0.000000e+00> : vector<128x128xf32>
    %dot_general3A_50 = tpu.matmul %convert_element_type3A_37, %broadcast_in_dim3A_48, %dot_general3A_49 {dimension_numbers = #tpu.dot_dimension_numbers<[0], [0], [1], [1], [0, 1, 1, 1], [], []>, transpose_lhs_hint = false} : vector<1000x128xf32>, vector<1000x128xf32>, vector<128x128xf32> -> vector<128x128xf32>
    %add3A_51 = arith.addf %get3A_47, %dot_general3A_50 : vector<128x128xf32>
    %swap3A_52 = arith.constant 0 : index
    %swap3A_53 = arith.constant 0 : index
    %swap3A_54 = vector.load %arg10[%swap3A_52, %swap3A_53] : memref<128x128xf32, #tpu.memory_space<vmem>>, vector<128x128xf32>
    tpu.vector_store %arg10[%swap3A_52, %swap3A_53], %add3A_51 {strides = array<i32>} : memref<128x128xf32, #tpu.memory_space<vmem>>, vector<128x128xf32>,
    %eq3A_55 = arith.constant 9 : i32
    %eq3A_56 = arith.cmpi eq, %arg0, %eq3A_55 : i32
    %convert_element_type3A_57 = arith.extui %eq3A_56 : i1 to i32
    %cond3A_58 = arith.constant 0 : i32
    %cond3A_59 = arith.cmpi ne, %convert_element_type3A_57, %cond3A_58 : i32
    scf.if %cond3A_59 {
      %get3A_60 = arith.constant 0 : index
      %get3A_61 = arith.constant 0 : index
      %get3A_62 = vector.load %arg9[%get3A_60, %get3A_61] : memref<128x128xf32, #tpu.memory_space<vmem>>, vector<128x128xf32>
      %get3A_63 = arith.constant 0 : index
      %get3A_64 = arith.constant 0 : index
      %get3A_65 = vector.load %arg10[%get3A_63, %get3A_64] : memref<128x128xf32, #tpu.memory_space<vmem>>, vector<128x128xf32>
      %max3A = arith.constant 1.000000e+00 : f32
      %max3A_66 = vector.broadcast %max3A : f32 to vector<128x128xf32>
      %max3A_67 = arith.maximumf %get3A_65, %max3A_66 : vector<128x128xf32>
      %div3A = arith.divf %get3A_62, %max3A_67 : vector<128x128xf32>
      %get3A_68 = arith.constant 0 : index
      %get3A_69 = arith.constant 0 : index
      %get3A_70 = vector.load %arg6[%get3A_68, %get3A_69] : memref<128x128xf32, #tpu.memory_space<vmem>>, vector<128x128xf32>
      %dot_general3A_71 = arith.constant dense<0.000000e+00> : vector<128x128xf32>
      %dot_general3A_72 = tpu.matmul %div3A, %get3A_70, %dot_general3A_71 {dimension_numbers = #tpu.dot_dimension_numbers<[1], [0], [0], [1], [0, 0, 1, 1], [], []>, transpose_lhs_hint = false} : vector<128x128xf32>, vector<128x128xf32>, vector<128x128xf32> -> vector<128x128xf32>
      %get3A_73 = arith.constant 0 : index
      %get3A_74 = arith.constant 0 : index
      %get3A_75 = vector.load %arg7[%get3A_73, %get3A_74] : memref<1x128xf32, #tpu.memory_space<vmem>>, vector<1x128xf32>
      %add3A_76 = vector.broadcast %get3A_75 : vector<1x128xf32> to vector<128x128xf32>
      %add3A_77 = arith.addf %dot_general3A_72, %add3A_76 : vector<128x128xf32>
      %swap3A_78 = arith.constant 0 : index
      %swap3A_79 = arith.constant 0 : index
      %swap3A_80 = vector.load %arg8[%swap3A_78, %swap3A_79] : memref<128x128xf32, #tpu.memory_space<vmem>>, vector<128x128xf32>
      tpu.vector_store %arg8[%swap3A_78, %swap3A_79], %add3A_77 {strides = array<i32>} : memref<128x128xf32, #tpu.memory_space<vmem>>, vector<128x128xf32>,
    } else {
    }
    return
  }
  func.func @transform_0(%arg0: i32) -> (i32, i32, i32) {
    %c0_i32 = arith.constant 0 : i32
    %c0_i32_0 = arith.constant 0 : i32
    %c0_i32_1 = arith.constant 0 : i32
    return %c0_i32, %arg0, %c0_i32_0 : i32, i32, i32
  }
  func.func @transform_1(%arg0: i32) -> (i32, i32, i32) {
    %c0_i32 = arith.constant 0 : i32
    %c0_i32_0 = arith.constant 0 : i32
    %c0_i32_1 = arith.constant 0 : i32
    return %c0_i32, %arg0, %c0_i32_0 : i32, i32, i32
  }
  func.func @transform_2(%arg0: i32) -> (i32, i32) {
    %c0_i32 = arith.constant 0 : i32
    %c0_i32_0 = arith.constant 0 : i32
    return %arg0, %c0_i32 : i32, i32
  }
  func.func @transform_3(%arg0: i32) -> (i32, i32) {
    %c0_i32 = arith.constant 0 : i32
    %c0_i32_0 = arith.constant 0 : i32
    %c0_i32_1 = arith.constant 0 : i32
    return %c0_i32, %c0_i32_0 : i32, i32
  }
  func.func @transform_4(%arg0: i32) -> (i32, i32, i32) {
    %c0_i32 = arith.constant 0 : i32
    %c0_i32_0 = arith.constant 0 : i32
    %c0_i32_1 = arith.constant 0 : i32
    return %arg0, %c0_i32, %c0_i32_0 : i32, i32, i32
  }
  func.func @transform_5(%arg0: i32) -> (i32, i32) {
    %c0_i32 = arith.constant 0 : i32
    %c0_i32_0 = arith.constant 0 : i32
    %c0_i32_1 = arith.constant 0 : i32
    return %c0_i32, %c0_i32_0 : i32, i32
  }
  func.func @transform_6(%arg0: i32) -> (i32, i32) {
    %c0_i32 = arith.constant 0 : i32
    %c0_i32_0 = arith.constant 0 : i32
    %c0_i32_1 = arith.constant 0 : i32
    return %c0_i32, %c0_i32_0 : i32, i32
  }
  func.func @transform_7(%arg0: i32) -> (i32, i32) {
    %c0_i32 = arith.constant 0 : i32
    %c0_i32_0 = arith.constant 0 : i32
    %c0_i32_1 = arith.constant 0 : i32
    return %c0_i32, %c0_i32_0 : i32, i32
  }
}

</mosaic_0001>

<sc_bundles>
// kernel: kernel.11.cloned.1.call-start
scs
__scs_entry_jumppad:
0x0: {  	(pc) =	sbr.rel $0x88, $3  }
0x1: {  	(tag) =	ssettag $0x0;
	lr =	simm.s32 $0x1  }
0x2: {  	[smem:$0x3F98] =	sst lr;
	_ =	strace $0xD0000000  }
0x3: {  	_ = 	snop  }
0x4: {  	_ = 	snop  }
0x5: {  	_ = 	snop  }
0x6: {  	_ = 	snop  }
0x7: {  	_ = 	snop  }
__scs_overlays_trampoline_lowered:
0x8: {  	[smem:$0x3FA7] =	sst s0  }
0x9: {  	[smem:$0x3FA8] =	sst s1  }
0xa: {  	[smem:$0x3FA9] =	sst s2  }
0xb: {  	[smem:$0x3FAA] =	sst s3  }
0xc: {  	[smem:$0x3FAB] =	sst s4  }
0xd: {  	[smem:$0x3FAC] =	sst s5  }
0xe: {  	[smem:$0x3FAD] =	sst s6  }
0xf: {  	[smem:$0x3FAE] =	sst s7  }
0x10: {  	[smem:$0x3FAF] =	sst s8  }
0x11: {  	[smem:$0x3FB0] =	sst s9;
	s0 =	simm.s32 @!p0 $0x0  }
0x12: {  	s1 =	sld [smem:$0x3F96];
	s0 =	simm.s32 @p0 $0x1  }
0x13: {  	[smem:$0x3FB1] =	sst s0;
	s0 =	simm.s32 @!p1 $0x0  }
0x14: {  	s2 =	sld [smem:$0x3F95];
	s0 =	simm.s32 @p1 $0x1  }
0x15: {  	[smem:$0x3FB2] =	sst s0;
	s0 =	simm.s32 @!p2 $0x0  }
0x16: {  	s3 =	sld [smem:$0x3FDB];
	s0 =	simm.s32 @p2 $0x1  }
0x17: {  	s4 =	simm.s32 $0x1BF5;
	[smem:$0x3FB4] =	sst s0  }
0x18: {  	s0 =	sld [smem:$0x3F97];
	_ =	swait.ge [sflag:s4], $0x0  }
0x19: {  	s7 =	sld [smem:$0x3F98]  }
0x1a: {  	s8 =	sadd.s32 $0xFFFFE003, lr  }
0x1b: {  	s9 =	sadd.s32 $0xFFFFFEF7, lr;
	s5 =	simm.s32 $0xFFFFFFFF;
	p2 =	slt.u32 s8, $0xFFFFF086  }
0x1c: {  	p1 =	slt.u32 s9, $0xF7A;
	s5 =	simm.s32 @!p2 $0x0  }
0x1d: {  	s5 =	simm.s32 @p1 $0x1;
	p0 =	seq.s32 s7, s2  }
0x1e: {  	s7 =	smul.u32 @!p0 $0xF7A, s2;
	p2 =	seq.s32 @!p0 s5, $0x0  }
0x1f: {  	s9 =	smul.u32 $0xF7A, s1;
	s8 =	simm.s32 @!p0 $0x1BF5;
	p2 =	por !p2, p0  }
0x20: {  	[sflag:s8] =	ssyncset.s32 @!p0 $0xFFFFF086;
	s6 =	sadd.s32 @!p0 s3, s7;
	s7 =	simm.s32 @!p0 $0x108  }
0x21: {  	s3 =	sadd.s32 s3, s9;
	s6 =	sadd.s32 @!p0 $0x88, s6;
	s7 =	simm.s32 @p2 $0x1082  }
0x22: {  	[simem:s7], [sflag:s8] =	dma.local @!p0 [hbm:s6], $0xF7A  }
0x23: {  	s9 =	sor.u32 $0xD0000000, s2;
	s6 =	simm.s32 $0x108;
	_ =	swait.ge @!p0 [sflag:s8], $0x0  }
0x24: {  	s3 =	sadd.s32 $0x88, s3;
	s6 =	simm.s32 @!p1 $0x1082;
	[sflag:s4] =	ssyncset.s32 $0xFFFFF086  }
0x25: {  	[simem:s6], [sflag:s4] =	dma.local [hbm:s3], $0xF7A  }
0x26: {  	[smem:$0x3F98] =	sst s1;
	(tag) =	ssettag s2;
	_ =	strace s9  }
0x27: {  	s1 =	sld [smem:$0x3FA8]  }
0x28: {  	s2 =	sld [smem:$0x3FA9]  }
0x29: {  	s4 =	sld [smem:$0x3FAB]  }
0x2a: {  	p0 =	seq.s32 s5, $0x0;
	s5 =	sld [smem:$0x3FAC]  }
0x2b: {  	s6 =	sld [smem:$0x3FAD]  }
0x2c: {  	s7 =	sld [smem:$0x3FAE]  }
0x2d: {  	s3 =	simm.s32 $0x108;
	s8 =	sld [smem:$0x3FAF]  }
0x2e: {  	s3 =	simm.s32 @!p0 $0x1082;
	s9 =	sld [smem:$0x3FB0]  }
0x2f: {  	lr =	sadd.s32 s0, s3;
	s0 =	sld [smem:$0x3FA7]  }
0x30: {  	s3 =	sld [smem:$0x3FAA]  }
0x31: {  	[smem:$0x3FB3] =	sst s10  }
0x32: {  	s10 =	sld [smem:$0x3FB1];
	_ =	sdelay $0x3  }
0x33: {  	p0 =	seq.s32 s10, $0x1;
	s10 =	sld [smem:$0x3FB3];
	_ =	sdelay $0x3  }
0x34: {  	[smem:$0x3FB3] =	sst s10  }
0x35: {  	s10 =	sld [smem:$0x3FB2];
	_ =	sdelay $0x3  }
0x36: {  	p1 =	seq.s32 s10, $0x1;
	s10 =	sld [smem:$0x3FB3];
	_ =	sdelay $0x3  }
0x37: {  	[smem:$0x3FB3] =	sst s10  }
0x38: {  	s10 =	sld [smem:$0x3FB4]  }
0x39: {  	_ = 	snop;
	(pc) =	sbr.ind lr, $3  }
0x3a: {  	_ = 	snop  }
0x3b: {  	_ = 	snop  }
0x3c: {  	p2 =	seq.s32 s10, $0x1;
	s10 =	sld [smem:$0x3FB3]  }
0x3d: {  	_ =	shalt  }
0x3e: {  	_ =	shalt  }
0x3f: {  	_ =	shalt  }
0x40: {  	_ =	shalt  }
0x41: {  	_ =	shalt  }
0x42: {  	_ =	shalt  }
0x43: {  	_ =	shalt  }
0x44: {  	_ =	shalt  }
0x45: {  	_ =	shalt  }
0x46: {  	_ =	shalt  }
0x47: {  	_ =	shalt  }
0x48: {  	_ =	shalt  }
0x49: {  	_ =	shalt  }
0x4a: {  	_ =	shalt  }
0x4b: {  	_ =	shalt  }
0x4c: {  	_ =	shalt  }
0x4d: {  	_ =	shalt  }
0x4e: {  	_ =	shalt  }
0x4f: {  	_ =	shalt  }
0x50: {  	_ =	shalt  }
0x51: {  	_ =	shalt  }
0x52: {  	_ =	shalt  }
0x53: {  	_ =	shalt  }
0x54: {  	_ =	shalt  }
0x55: {  	_ =	shalt  }
0x56: {  	_ =	shalt  }
0x57: {  	_ =	shalt  }
0x58: {  	_ =	shalt  }
0x59: {  	_ =	shalt  }
0x5a: {  	_ =	shalt  }
0x5b: {  	_ =	shalt  }
0x5c: {  	_ =	shalt  }
0x5d: {  	_ =	shalt  }
0x5e: {  	_ =	shalt  }
0x5f: {  	_ =	shalt  }
0x60: {  	_ =	shalt  }
0x61: {  	_ =	shalt  }
0x62: {  	_ =	shalt  }
0x63: {  	_ =	shalt  }
0x64: {  	_ =	shalt  }
0x65: {  	_ =	shalt  }
0x66: {  	_ =	shalt  }
0x67: {  	_ =	shalt  }
0x68: {  	_ =	shalt  }
0x69: {  	_ =	shalt  }
0x6a: {  	_ =	shalt  }
0x6b: {  	_ =	shalt  }
0x6c: {  	_ =	shalt  }
0x6d: {  	_ =	shalt  }
0x6e: {  	_ =	shalt  }
0x6f: {  	_ =	shalt  }
0x70: {  	_ =	shalt  }
0x71: {  	_ =	shalt  }
0x72: {  	_ =	shalt  }
0x73: {  	_ =	shalt  }
0x74: {  	_ =	shalt  }
0x75: {  	_ =	shalt  }
0x76: {  	_ =	shalt  }
0x77: {  	_ =	shalt  }
0x78: {  	_ =	shalt  }
0x79: {  	_ =	shalt  }
0x7a: {  	_ =	shalt  }
0x7b: {  	_ =	shalt  }
0x7c: {  	_ =	shalt  }
0x7d: {  	_ =	shalt  }
0x7e: {  	_ =	shalt  }
0x7f: {  	_ =	shalt  }
0x80: {  	_ =	shalt  }
0x81: {  	_ =	shalt  }
0x82: {  	_ =	shalt  }
0x83: {  	_ =	shalt  }
0x84: {  	_ =	shalt  }
0x85: {  	_ =	shalt  }
0x86: {  	_ =	shalt  }
0x87: {  	_ =	shalt  }
.Lfunc_end0:
.L_simem_size_0:
called_computation.1_lowered:
.L_overlay_start_0:
0x88: {  	s2 =	sld [smem:$0x3FD9]  }
0x89: {  	s3 =	sld [smem:$0x3FFE];
	_ =	sdelay $0x1  }
0x8a: {  	s1 =	srdreg.scid  }
0x8b: {  	s0 =	sand.u32 $0x1, s1  }
0x8c: {  	s16 =	sshll.u32 s0, $0xA;
	s2 =	sadd.s32 s3, s2  }
0x8d: {  	s2 =	sadd.s32 s2, s16  }
0x8e: {  	[smem:$0x3FBF] =	sst s2  }
0x8f: {  	_ = 	snop  }
0x90: {  	(tm) =	ssettm $0x1  }
0x91: {  	s17 =	sld [smem:$0x3FFB];
	_ =	sdelay $0x3  }
0x92: {  	_ =	strace s17  }
0x93: {  	s2 =	sld [smem:$0x3FFC];
	_ =	sdelay $0x3  }
0x94: {  	_ =	strace s2  }
0x95: {  	s2 =	sld [smem:$0x3FFD];
	_ =	sdelay $0x3  }
0x96: {  	_ =	strace s2  }
0x97: {  	_ =	strace $0x8FFFFFFF  }
0x98: {  	s18 =	sld [smem:$0x3FDB];
	_ =	sdelay $0x1  }
0x99: {  	s19 =	simm.s32 $_scs_section_size  }
0x9a: {  	s4 =	simm.s32 $_size__tile_overlayer_lowered;
	s5 =	simm.s32 $_tile_overlayer_lowered  }
0x9b: {  	s22 =	simm.s32 $0x1BFF;
	s21 =	sshll.u32 s5, $0x1;
	s2 =	sadd.s32 s19, s18  }
0x9c: {  	s6 =	simm.s32 $0x0;
	s20 =	sshll.u32 s4, $0x1;
	s4 =	sadd.s32 s21, s2  }
0x9d: {  	[timem:s6], [sflag:s22] =	dma.local [hbm:s4], s20  }
0x9e: {  	_ =	swait.ge [sflag:s22], s20  }
0x9f: {  	s3 =	ssub.s32 $0x0, s20;
	[sflag:s22] =	ssyncset.done $0x0  }
0xa0: {  	[sflag:s22] =	ssyncadd.s32 s3;
	_ =	sdelay $0x1  }
0xa1: {  	s23 =	simm.s32 $0x1B8B  }
0xa2: {  	_ =	swait.ge [sflag:s23], $0x1  }
0xa3: {  	[sflag:s23] =	ssyncset.done $0x0  }
0xa4: {  	s25 =	simm.s32 $0x1B8E;
	s24 =	sld [smem:$0x3FFE];
	[sflag:s23] =	ssyncadd.s32 $0xFFFFFFFF  }
0xa5: {  	s26 =	simm.s32 $execute0_lowered;
	[smem:$0x3FD2] =	sst s25  }
0xa6: {  	s4 =	sshll.u32 s26, $0x1;
	_ =	strace $0x80000049;
	[dreg:$0x1] =	wrdreg $0xFFFFFFFF  }
0xa7: {  	s28 =	simm.s32 $_size_execute0_lowered;
	s2 =	sadd.s32 s2, s4;
	[dreg:$0x0] =	wrdreg $0x0  }
0xa8: {  	s4 =	sshll.u32 s28, $0x1;
	[dreg:$0x2] =	wrdreg s2  }
0xa9: {  	[dreg:$0x3] =	wrdreg s4  }
0xaa: {  	[dreg:$0x4] =	wrdreg $0xC0  }
0xab: {  	_ =	task [dreg:s6], $0x5FFFF  }
0xac: {  	[dreg:$0x1] =	wrdreg $0xFFFFFFFF  }
0xad: {  	[dreg:$0x0] =	wrdreg $0x60  }
0xae: {  	[dreg:$0x2] =	wrdreg s24  }
0xaf: {  	[dreg:$0x3] =	wrdreg $0x0  }
0xb0: {  	[dreg:$0x4] =	wrdreg $0x9  }
0xb1: {  	_ =	task.clear_ibuf [dreg:s6], $0x5FFFF;
	_ =	strace $0x90000049  }
0xb2: {  	s29 =	simm.s32 $0x9;
	_ =	strace $0x8000004B  }
0xb3: {  	_ =	swait.ge [sflag:s29], $0x1  }
0xb4: {  	[sflag:s29] =	ssyncadd.s32 $0xFFFFFFFF  }
0xb5: {  	_ =	strace $0x9000004B  }
0xb6: {  	_ =	sfence  }
0xb7: {  	s30 =	sld [smem:$0x0];
	_ =	sdelay $0x2  }
0xb8: {  	s31 =	sshll.u32 s1, $0xD;
	s1 =	sshrl.u32 s1, $0x2  }
0xb9: {  	s3 =	sand.u32 $0x4000, s31;
	s1 =	sadd.s32 s1, s30  }
0xba: {  	s0 =	sor.u32 s3, s0;
	s1 =	sshll.u32 s1, $0x11  }
0xbb: {  	s0 =	sor.u32 s1, s0  }
0xbc: {  	s0 =	sadd.s32 $0x8F2B, s0  }
0xbd: {  	[sflag:s0] =	ssyncadd.remote.s32 $0x1  }
0xbe: {  	_ =	sfence.sel $0xFFFF  }
0xbf: {  	[dreg:$0x0] =	wrdreg $0xFFFFFFFF;
	(pc) =	sbr.abs _section_cstart, $3  }
0xc0: {  	[dreg:$0x1] =	wrdreg $0xFFFFFFFF  }
0xc1: {  	_ =	task.clear_ibuf [dreg:s6], $0x2FFFF;
	_ =	strace $0x9FFFFFFF  }
0xc2: {  	(tm) =	ssettm $0x7FFFFFFF  }
0xc3: {  	_ =	shalt  }
tec
execute0_lowered:
.L_overlay_start_1:
0x0: {  	(tag) =	ssettag $0x1  }
0x1: {  	s6 =	rddreg [dreg:$0x0]  }
0x2: {  	s1 =	rddreg [dreg:$0x1]  }
0x3: {  	s0 =	rddreg [dreg:$0x2];
	s3 =	simm.s32 $0x0;
	s2 =	srdreg.scid  }
0x4: {  	s17 =	simm.s32 $0x80;
	s18 =	simm.s32 $0x14100;
	s19 =	simm.s32 $0x1  }
0x5: {  	s20 =	simm.s32 $0x18100;
	s21 =	simm.s32 $0x18180;
	s7 =	sand.u32 $0x1, s2  }
0x6: {  	s22 =	simm.s32 $0x10;
	s2 =	stileid.u32;
	s8 =	smul.u32 $0x140000, s7  }
0x7: {  	[smem:$0x7FF] =	sst s3;
	s4 =	sadd.s32 $0x16000, s6;
	s9 =	smul.u32 $0x14000, s2  }
0x8: {  	s12 =	sadd.s32 $0x2400, s6;
	s11 =	sadd.s32 $0xC200, s6;
	s13 =	smul.u32 $0x50000, s2  }
0x9: {  	s5 =	sadd.s32 $0x3D200, s6;
	_ =	strace $0x8000004A;
	s24 =	smul.u32 $0x27100, s7  }
0xa: {  	s23 =	sshll.u32 s7, $0x4;
	s10 =	ssub.s32 $0x2, s7;
	s28 =	smul.u32 $0x2710, s2  }
0xb: {  	s29 =	sshll.u32 s2, $0x6;
	s14 =	sshrl.u32 s10, $0x1;
	s8 =	sadd.s32 s9, s8  }
0xc: {  	s9 =	sor.u32 s2, s23;
	s10 =	ssub.s32 s10, s14;
	s25 =	sshrl.u32 s13, $0x2  }
0xd: {  	s16 =	sadd.s32 s28, s24;
	s14 =	simm.s32 $0x2;
	s23 =	simm.s32 $0x18200  }
0xe: {  	s24 =	simm.s32 $0x0;
	s8 =	sshrl.u32 s8, $0x3;
	s9 =	smul.u32 $0x2710, s9  }
0xf: {  	s13 =	sadd.s32 s25, s1;
	s31 =	sshrl.u32 s16, $0x3;
	s10 =	smax.u32 s10, $0x1  }
0x10: {  	s16 =	simm.s32 $0x14080;
	s15 =	sadd.s32 s8, s6;
	s26 =	sshrl.u32 s9, $0x3  }
0x11: {  	s6 =	sor.u32 $0x1C02, s29;
	s13 =	sshrl.u32 s13, $0x3;
	s30 =	sadd.s32 $0x4E0, s26  }
0x12: {  	s9 =	sadd.s32 $0x3FA00, s15;
	s15 =	simm.s32 $0x14000;
	s7 =	sadd.s32 s12, s30  }
0x13: {  	s8 =	sadd.s32 s11, s30;
	s11 =	sadd.s32 s31, s11;
	s12 =	sadd.s32 s31, s12  }
.LBB2_1:
0x14: {  	[spmem:s13], [sflag:s6] =	dma.local [hbm:s5], $0x2800  }
0x15: {  	_ =	swait.ge [sflag:s14], $0x2800  }
0x16: {  	[sflag:s14] =	ssyncset.done $0x0  }
0x17: {  	[sflag:s14] =	ssyncadd.s32 $0xFFFFD800  }
0x18: {  	s25 =	sadd.s32 $0x0, s12;
	[bflag:$0x0] =	sbarrier.arrive $0xFFFF  }
0x19: {  	[tilespmem:s15], [sflag:$0x2] =	stream.linear.gather [hbm4b:s25+s3], $0x80, $0x38;
	[tilespmem:$0x18A00] =	vst v63  }
0x1a: {  	_ =	swait.ge [sflag:s14], $0x80  }
0x1b: {  	[sflag:s14] =	ssyncset.done $0x0  }
0x1c: {  	s31 =	sadd.s32 $0x0, s11;
	[sflag:s14] =	ssyncadd.s32 $0xFFFFFF80  }
0x1d: {  	[tilespmem:s16], [sflag:$0x2] =	stream.linear.gather [hbm4b:s31+s3], $0x80, $0x38;
	[tilespmem:$0x18A00] =	vst v63  }
0x1e: {  	_ =	swait.ge [sflag:s14], $0x80  }
0x1f: {  	[sflag:s14] =	ssyncset.done $0x0  }
0x20: {  	[sflag:s14] =	ssyncadd.s32 $0xFFFFFF80  }
0x21: {  	[tilespmem:s18], [sflag:$0x1] =	stream.indirect.gather [hbm4b:s4+s17], $0x80, s15, s17, $0xb8;
	[tilespmem:$0x18A00] =	vst v63  }
0x22: {  	_ =	swait.ge [sflag:s19], $0x4000  }
0x23: {  	[sflag:s19] =	ssyncset.done $0x0  }
0x24: {  	[sflag:s19] =	ssyncadd.s32 $0xFFFFC000  }
0x25: {  	[spmem:s1] =	stream.indirect.scatter.add.f32 [tilespmem:s18], [sflag:$0x2], $0x80, s16, s17, $0xb8;
	[tilespmem:$0x18A00] =	vst v63  }
0x26: {  	_ =	swait.ge [sflag:s14], $0x4000  }
0x27: {  	s26 =	simm.s32 $0x20;
	s25 =	simm.s32 $0x10;
	[sflag:s14] =	ssyncset.done $0x0  }
.LBB2_2:
0x28: {  	s28 =	sadd.s32 s25, s12  }
0x29: {  	[sflag:s14] =	ssyncadd.s32 $0xFFFFC000;
	s29 =	smov.u32 s26;
	s30 =	sadd.s32 $0x10, s26  }
0x2a: {  	[tilespmem:s15], [sflag:$0x2] =	stream.linear.gather [hbm4b:s28+s3], $0x80, $0x38;
	[tilespmem:$0x18A00] =	vst v63  }
0x2b: {  	p0 =	sne.s32 s26, $0x4D0;
	_ =	swait.ge [sflag:s14], $0x80  }
0x2c: {  	[sflag:s14] =	ssyncset.done $0x0  }
0x2d: {  	s26 =	sadd.s32 s25, s11;
	s25 =	smov.u32 s29;
	[sflag:s14] =	ssyncadd.s32 $0xFFFFFF80  }
0x2e: {  	[tilespmem:s16], [sflag:$0x2] =	stream.linear.gather [hbm4b:s26+s3], $0x80, $0x38;
	[tilespmem:$0x18A00] =	vst v63  }
0x2f: {  	_ =	swait.ge [sflag:s14], $0x80  }
0x30: {  	[sflag:s14] =	ssyncset.done $0x0  }
0x31: {  	[sflag:s14] =	ssyncadd.s32 $0xFFFFFF80  }
0x32: {  	[tilespmem:s18], [sflag:$0x1] =	stream.indirect.gather [hbm4b:s4+s17], $0x80, s15, s17, $0xb8;
	[tilespmem:$0x18A00] =	vst v63  }
0x33: {  	_ =	swait.ge [sflag:s19], $0x4000  }
.Ltmp0:
0x34: {  	[sflag:s19] =	ssyncset.done $0x0;
	(pc) =	sbr.rel @p0 .LBB2_2-.Ltmp0, $4  }
0x35: {  	[sflag:s19] =	ssyncadd.s32 $0xFFFFC000  }
0x36: {  	[spmem:s1] =	stream.indirect.scatter.add.f32 [tilespmem:s18], [sflag:$0x2], $0x80, s16, s17, $0xb8;
	[tilespmem:$0x18A00] =	vst v63  }
0x37: {  	_ =	swait.ge [sflag:s14], $0x4000  }
0x38: {  	s26 =	smov.u32 s30;
	[sflag:s14] =	ssyncset.done $0x0  }
0x39: {  	s26 =	sadd.s32 s25, s12;
	[sflag:s14] =	ssyncadd.s32 $0xFFFFC000  }
0x3a: {  	[tilespmem:s15], [sflag:$0x2] =	stream.linear.gather [hbm4b:s26+s3], $0x80, $0x38;
	[tilespmem:$0x18A00] =	vst v63  }
0x3b: {  	_ =	swait.ge [sflag:s14], $0x80  }
0x3c: {  	[sflag:s14] =	ssyncset.done $0x0  }
0x3d: {  	s31 =	sadd.s32 s25, s11;
	[sflag:s14] =	ssyncadd.s32 $0xFFFFFF80  }
0x3e: {  	[tilespmem:s16], [sflag:$0x2] =	stream.linear.gather [hbm4b:s31+s3], $0x80, $0x38;
	[tilespmem:$0x18A00] =	vst v63  }
0x3f: {  	_ =	swait.ge [sflag:s14], $0x80  }
0x40: {  	[sflag:s14] =	ssyncset.done $0x0  }
0x41: {  	[sflag:s14] =	ssyncadd.s32 $0xFFFFFF80  }
0x42: {  	[tilespmem:s18], [sflag:$0x1] =	stream.indirect.gather [hbm4b:s4+s17], $0x80, s15, s17, $0xb8;
	[tilespmem:$0x18A00] =	vst v63  }
0x43: {  	_ =	swait.ge [sflag:s19], $0x4000  }
0x44: {  	[sflag:s19] =	ssyncset.done $0x0  }
0x45: {  	[sflag:s19] =	ssyncadd.s32 $0xFFFFC000  }
0x46: {  	[spmem:s1] =	stream.indirect.scatter.add.f32 [tilespmem:s18], [sflag:$0x2], $0x80, s16, s17, $0xb8;
	[tilespmem:$0x18A00] =	vst v63  }
0x47: {  	_ =	swait.ge [sflag:s14], $0x4000  }
0x48: {  	[sflag:s14] =	ssyncset.done $0x0  }
0x49: {  	[sflag:s14] =	ssyncadd.s32 $0xFFFFC000  }
0x4a: {  	[tilespmem:s20], [sflag:$0x2] =	stream.linear.gather [hbm4b:s7+s3], $0x10, $0x38;
	[tilespmem:$0x18A00] =	vst v63  }
0x4b: {  	_ =	swait.ge [sflag:s14], $0x10  }
0x4c: {  	[sflag:s14] =	ssyncset.done $0x0  }
0x4d: {  	[sflag:s14] =	ssyncadd.s32 $0xFFFFFFF0  }
0x4e: {  	[tilespmem:s21], [sflag:$0x2] =	stream.linear.gather [hbm4b:s8+s3], $0x10, $0x38;
	[tilespmem:$0x18A00] =	vst v63  }
0x4f: {  	_ =	swait.ge [sflag:s14], $0x10  }
0x50: {  	[sflag:s14] =	ssyncset.done $0x0  }
0x51: {  	[sflag:s14] =	ssyncadd.s32 $0xFFFFFFF0  }
0x52: {  	[tilespmem:s23], [sflag:$0x1] =	stream.indirect.gather [hbm4b:s4+s22], $0x80, s20, s22, $0xb8;
	[tilespmem:$0x18A00] =	vst v63  }
0x53: {  	_ =	swait.ge [sflag:s19], $0x800  }
0x54: {  	[sflag:s19] =	ssyncset.done $0x0  }
0x55: {  	[sflag:s19] =	ssyncadd.s32 $0xFFFFF800  }
0x56: {  	[spmem:s1] =	stream.indirect.scatter.add.f32 [tilespmem:s23], [sflag:$0x2], $0x80, s21, s22, $0xb8;
	[tilespmem:$0x18A00] =	vst v63  }
0x57: {  	_ =	swait.ge [sflag:s14], $0x800  }
0x58: {  	s24 =	sadd.s32 $0x1, s24;
	[sflag:s14] =	ssyncset.done $0x0  }
0x59: {  	p0 =	sne.s32 s24, s10;
	[sflag:s14] =	ssyncadd.s32 $0xFFFFF800  }
.Ltmp1:
0x5a: {  	[bflag:$0x0] =	sbarrier.arrive $0xFFFF;
	(pc) =	sbr.rel @p0 .LBB2_1-.Ltmp1, $4  }
0x5b: {  	[hbm:s9], [sflag:s6] =	dma.local [spmem:s13], $0x2800  }
0x5c: {  	_ =	swait.ge [sflag:s14], $0x2800  }
0x5d: {  	[sflag:s14] =	ssyncset.done $0x0  }
0x5e: {  	[sflag:s14] =	ssyncadd.s32 $0xFFFFD800  }
0x5f: {  	_ =	sfence.sel $0x180000  }
0x60: {  	[bflag:$0x0] =	sbarrier.arrive $0xFFFF  }
0x61: {  	p0 =	sne.s32 s2, $0x0;
	_ =	strace $0x9000004A  }
0x62: {  	s0 =	sadd.s32 @!p0 $0x100000, s0;
	[bflag:$0x2] =	sbarrier.arrive $0xFFFF  }
0x63: {  	[sflag:s0] =	ssyncadd.tile.s32 @!p0 $0x1;
	_ =	shalt  }
.Lfunc_end2:
_tile_overlayer_lowered:
.L_overlay_start_2:
0x64: {  	(tag) =	ssettag $0x2  }
0x65: {  	s0 =	rddreg [dreg:$0x0];
	s2 =	stileid.u32  }
0x66: {  	s1 =	rddreg [dreg:$0x1];
	p0 =	sne.s32 s2, $0x0  }
0x67: {  	s3 =	rddreg [dreg:$0x2];
	[bflag:$0x3] =	sbarrier.arrive $0xFFFF;
	s2 =	simm.s32 @!p0 $0x1C02  }
0x68: {  	[timem:s3], [sflag:s2] =	dma.local @!p0 [hbm:s0], s1  }
0x69: {  	s0 =	simm.s32 @!p0 $0x2  }
0x6a: {  	_ =	swait.ge @!p0 [sflag:s0], s1  }
0x6b: {  	s1 =	ssub.s32 @!p0 $0x0, s1;
	[sflag:s0] =	ssyncset.done @!p0 $0x0  }
0x6c: {  	[sflag:s0] =	ssyncadd.s32 @!p0 s1  }
0x6d: {  	[bflag:$0x3] =	sbarrier.arrive $0xFFFF  }
0x6e: {  	_ =	shalt  }

// kernel: kernel.14.cloned.1.call-start
scs
__scs_entry_jumppad:
0x0: {  	(pc) =	sbr.rel $0x88, $3  }
0x1: {  	(tag) =	ssettag $0x0;
	lr =	simm.s32 $0x1  }
0x2: {  	[smem:$0x3F98] =	sst lr;
	_ =	strace $0xD0000000  }
0x3: {  	_ = 	snop  }
0x4: {  	_ = 	snop  }
0x5: {  	_ = 	snop  }
0x6: {  	_ = 	snop  }
0x7: {  	_ = 	snop  }
__scs_overlays_trampoline_lowered:
0x8: {  	[smem:$0x3FA7] =	sst s0  }
0x9: {  	[smem:$0x3FA8] =	sst s1  }
0xa: {  	[smem:$0x3FA9] =	sst s2  }
0xb: {  	[smem:$0x3FAA] =	sst s3  }
0xc: {  	[smem:$0x3FAB] =	sst s4  }
0xd: {  	[smem:$0x3FAC] =	sst s5  }
0xe: {  	[smem:$0x3FAD] =	sst s6  }
0xf: {  	[smem:$0x3FAE] =	sst s7  }
0x10: {  	[smem:$0x3FAF] =	sst s8  }
0x11: {  	[smem:$0x3FB0] =	sst s9;
	s0 =	simm.s32 @!p0 $0x0  }
0x12: {  	s1 =	sld [smem:$0x3F96];
	s0 =	simm.s32 @p0 $0x1  }
0x13: {  	[smem:$0x3FB1] =	sst s0;
	s0 =	simm.s32 @!p1 $0x0  }
0x14: {  	s2 =	sld [smem:$0x3F95];
	s0 =	simm.s32 @p1 $0x1  }
0x15: {  	[smem:$0x3FB2] =	sst s0;
	s0 =	simm.s32 @!p2 $0x0  }
0x16: {  	s3 =	sld [smem:$0x3FDB];
	s0 =	simm.s32 @p2 $0x1  }
0x17: {  	s4 =	simm.s32 $0x1BF5;
	[smem:$0x3FB4] =	sst s0  }
0x18: {  	s0 =	sld [smem:$0x3F97];
	_ =	swait.ge [sflag:s4], $0x0  }
0x19: {  	s7 =	sld [smem:$0x3F98]  }
0x1a: {  	s8 =	sadd.s32 $0xFFFFE003, lr  }
0x1b: {  	s9 =	sadd.s32 $0xFFFFFEF7, lr;
	s5 =	simm.s32 $0xFFFFFFFF;
	p2 =	slt.u32 s8, $0xFFFFF086  }
0x1c: {  	p1 =	slt.u32 s9, $0xF7A;
	s5 =	simm.s32 @!p2 $0x0  }
0x1d: {  	s5 =	simm.s32 @p1 $0x1;
	p0 =	seq.s32 s7, s2  }
0x1e: {  	s7 =	smul.u32 @!p0 $0xF7A, s2;
	p2 =	seq.s32 @!p0 s5, $0x0  }
0x1f: {  	s9 =	smul.u32 $0xF7A, s1;
	s8 =	simm.s32 @!p0 $0x1BF5;
	p2 =	por !p2, p0  }
0x20: {  	[sflag:s8] =	ssyncset.s32 @!p0 $0xFFFFF086;
	s6 =	sadd.s32 @!p0 s3, s7;
	s7 =	simm.s32 @!p0 $0x108  }
0x21: {  	s3 =	sadd.s32 s3, s9;
	s6 =	sadd.s32 @!p0 $0x88, s6;
	s7 =	simm.s32 @p2 $0x1082  }
0x22: {  	[simem:s7], [sflag:s8] =	dma.local @!p0 [hbm:s6], $0xF7A  }
0x23: {  	s9 =	sor.u32 $0xD0000000, s2;
	s6 =	simm.s32 $0x108;
	_ =	swait.ge @!p0 [sflag:s8], $0x0  }
0x24: {  	s3 =	sadd.s32 $0x88, s3;
	s6 =	simm.s32 @!p1 $0x1082;
	[sflag:s4] =	ssyncset.s32 $0xFFFFF086  }
0x25: {  	[simem:s6], [sflag:s4] =	dma.local [hbm:s3], $0xF7A  }
0x26: {  	[smem:$0x3F98] =	sst s1;
	(tag) =	ssettag s2;
	_ =	strace s9  }
0x27: {  	s1 =	sld [smem:$0x3FA8]  }
0x28: {  	s2 =	sld [smem:$0x3FA9]  }
0x29: {  	s4 =	sld [smem:$0x3FAB]  }
0x2a: {  	p0 =	seq.s32 s5, $0x0;
	s5 =	sld [smem:$0x3FAC]  }
0x2b: {  	s6 =	sld [smem:$0x3FAD]  }
0x2c: {  	s7 =	sld [smem:$0x3FAE]  }
0x2d: {  	s3 =	simm.s32 $0x108;
	s8 =	sld [smem:$0x3FAF]  }
0x2e: {  	s3 =	simm.s32 @!p0 $0x1082;
	s9 =	sld [smem:$0x3FB0]  }
0x2f: {  	lr =	sadd.s32 s0, s3;
	s0 =	sld [smem:$0x3FA7]  }
0x30: {  	s3 =	sld [smem:$0x3FAA]  }
0x31: {  	[smem:$0x3FB3] =	sst s10  }
0x32: {  	s10 =	sld [smem:$0x3FB1];
	_ =	sdelay $0x3  }
0x33: {  	p0 =	seq.s32 s10, $0x1;
	s10 =	sld [smem:$0x3FB3];
	_ =	sdelay $0x3  }
0x34: {  	[smem:$0x3FB3] =	sst s10  }
0x35: {  	s10 =	sld [smem:$0x3FB2];
	_ =	sdelay $0x3  }
0x36: {  	p1 =	seq.s32 s10, $0x1;
	s10 =	sld [smem:$0x3FB3];
	_ =	sdelay $0x3  }
0x37: {  	[smem:$0x3FB3] =	sst s10  }
0x38: {  	s10 =	sld [smem:$0x3FB4]  }
0x39: {  	_ = 	snop;
	(pc) =	sbr.ind lr, $3  }
0x3a: {  	_ = 	snop  }
0x3b: {  	_ = 	snop  }
0x3c: {  	p2 =	seq.s32 s10, $0x1;
	s10 =	sld [smem:$0x3FB3]  }
0x3d: {  	_ =	shalt  }
0x3e: {  	_ =	shalt  }
0x3f: {  	_ =	shalt  }
0x40: {  	_ =	shalt  }
0x41: {  	_ =	shalt  }
0x42: {  	_ =	shalt  }
0x43: {  	_ =	shalt  }
0x44: {  	_ =	shalt  }
0x45: {  	_ =	shalt  }
0x46: {  	_ =	shalt  }
0x47: {  	_ =	shalt  }
0x48: {  	_ =	shalt  }
0x49: {  	_ =	shalt  }
0x4a: {  	_ =	shalt  }
0x4b: {  	_ =	shalt  }
0x4c: {  	_ =	shalt  }
0x4d: {  	_ =	shalt  }
0x4e: {  	_ =	shalt  }
0x4f: {  	_ =	shalt  }
0x50: {  	_ =	shalt  }
0x51: {  	_ =	shalt  }
0x52: {  	_ =	shalt  }
0x53: {  	_ =	shalt  }
0x54: {  	_ =	shalt  }
0x55: {  	_ =	shalt  }
0x56: {  	_ =	shalt  }
0x57: {  	_ =	shalt  }
0x58: {  	_ =	shalt  }
0x59: {  	_ =	shalt  }
0x5a: {  	_ =	shalt  }
0x5b: {  	_ =	shalt  }
0x5c: {  	_ =	shalt  }
0x5d: {  	_ =	shalt  }
0x5e: {  	_ =	shalt  }
0x5f: {  	_ =	shalt  }
0x60: {  	_ =	shalt  }
0x61: {  	_ =	shalt  }
0x62: {  	_ =	shalt  }
0x63: {  	_ =	shalt  }
0x64: {  	_ =	shalt  }
0x65: {  	_ =	shalt  }
0x66: {  	_ =	shalt  }
0x67: {  	_ =	shalt  }
0x68: {  	_ =	shalt  }
0x69: {  	_ =	shalt  }
0x6a: {  	_ =	shalt  }
0x6b: {  	_ =	shalt  }
0x6c: {  	_ =	shalt  }
0x6d: {  	_ =	shalt  }
0x6e: {  	_ =	shalt  }
0x6f: {  	_ =	shalt  }
0x70: {  	_ =	shalt  }
0x71: {  	_ =	shalt  }
0x72: {  	_ =	shalt  }
0x73: {  	_ =	shalt  }
0x74: {  	_ =	shalt  }
0x75: {  	_ =	shalt  }
0x76: {  	_ =	shalt  }
0x77: {  	_ =	shalt  }
0x78: {  	_ =	shalt  }
0x79: {  	_ =	shalt  }
0x7a: {  	_ =	shalt  }
0x7b: {  	_ =	shalt  }
0x7c: {  	_ =	shalt  }
0x7d: {  	_ =	shalt  }
0x7e: {  	_ =	shalt  }
0x7f: {  	_ =	shalt  }
0x80: {  	_ =	shalt  }
0x81: {  	_ =	shalt  }
0x82: {  	_ =	shalt  }
0x83: {  	_ =	shalt  }
0x84: {  	_ =	shalt  }
0x85: {  	_ =	shalt  }
0x86: {  	_ =	shalt  }
0x87: {  	_ =	shalt  }
.Lfunc_end0:
.L_simem_size_0:
called_computation.2_lowered:
.L_overlay_start_0:
0x88: {  	s2 =	sld [smem:$0x3FD9]  }
0x89: {  	s3 =	sld [smem:$0x3FFE];
	_ =	sdelay $0x1  }
0x8a: {  	s1 =	srdreg.scid  }
0x8b: {  	s0 =	sand.u32 $0x1, s1  }
0x8c: {  	s16 =	sshll.u32 s0, $0xA;
	s2 =	sadd.s32 s3, s2  }
0x8d: {  	s2 =	sadd.s32 s2, s16  }
0x8e: {  	[smem:$0x3FBF] =	sst s2  }
0x8f: {  	_ = 	snop  }
0x90: {  	(tm) =	ssettm $0x1  }
0x91: {  	s17 =	sld [smem:$0x3FFB];
	_ =	sdelay $0x3  }
0x92: {  	_ =	strace s17  }
0x93: {  	s2 =	sld [smem:$0x3FFC];
	_ =	sdelay $0x3  }
0x94: {  	_ =	strace s2  }
0x95: {  	s2 =	sld [smem:$0x3FFD];
	_ =	sdelay $0x3  }
0x96: {  	_ =	strace s2  }
0x97: {  	_ =	strace $0x8FFFFFFF  }
0x98: {  	s18 =	sld [smem:$0x3FDB];
	_ =	sdelay $0x1  }
0x99: {  	s19 =	simm.s32 $_scs_section_size  }
0x9a: {  	s4 =	simm.s32 $_size__tile_overlayer_lowered;
	s5 =	simm.s32 $_tile_overlayer_lowered  }
0x9b: {  	s22 =	simm.s32 $0x1BFF;
	s21 =	sshll.u32 s5, $0x1;
	s2 =	sadd.s32 s19, s18  }
0x9c: {  	s6 =	simm.s32 $0x0;
	s20 =	sshll.u32 s4, $0x1;
	s4 =	sadd.s32 s21, s2  }
0x9d: {  	[timem:s6], [sflag:s22] =	dma.local [hbm:s4], s20  }
0x9e: {  	_ =	swait.ge [sflag:s22], s20  }
0x9f: {  	s3 =	ssub.s32 $0x0, s20;
	[sflag:s22] =	ssyncset.done $0x0  }
0xa0: {  	[sflag:s22] =	ssyncadd.s32 s3;
	_ =	sdelay $0x1  }
0xa1: {  	s23 =	simm.s32 $0x1B8B  }
0xa2: {  	_ =	swait.ge [sflag:s23], $0x1  }
0xa3: {  	[sflag:s23] =	ssyncset.done $0x0  }
0xa4: {  	s25 =	simm.s32 $0x1B8E;
	s24 =	sld [smem:$0x3FFE];
	[sflag:s23] =	ssyncadd.s32 $0xFFFFFFFF  }
0xa5: {  	s26 =	simm.s32 $execute0_lowered;
	[smem:$0x3FD2] =	sst s25  }
0xa6: {  	s4 =	sshll.u32 s26, $0x1;
	_ =	strace $0x8000004C;
	[dreg:$0x1] =	wrdreg $0xFFFFFFFF  }
0xa7: {  	s28 =	simm.s32 $_size_execute0_lowered;
	s2 =	sadd.s32 s2, s4;
	[dreg:$0x0] =	wrdreg $0x0  }
0xa8: {  	s4 =	sshll.u32 s28, $0x1;
	[dreg:$0x2] =	wrdreg s2  }
0xa9: {  	[dreg:$0x3] =	wrdreg s4  }
0xaa: {  	[dreg:$0x4] =	wrdreg $0xC0  }
0xab: {  	_ =	task [dreg:s6], $0x5FFFF  }
0xac: {  	[dreg:$0x1] =	wrdreg $0xFFFFFFFF  }
0xad: {  	[dreg:$0x0] =	wrdreg $0x60  }
0xae: {  	[dreg:$0x2] =	wrdreg s24  }
0xaf: {  	[dreg:$0x3] =	wrdreg $0x0  }
0xb0: {  	[dreg:$0x4] =	wrdreg $0x9  }
0xb1: {  	_ =	task.clear_ibuf [dreg:s6], $0x5FFFF;
	_ =	strace $0x9000004C  }
0xb2: {  	s29 =	simm.s32 $0x9;
	_ =	strace $0x8000004E  }
0xb3: {  	_ =	swait.ge [sflag:s29], $0x1  }
0xb4: {  	[sflag:s29] =	ssyncadd.s32 $0xFFFFFFFF  }
0xb5: {  	_ =	strace $0x9000004E  }
0xb6: {  	_ =	sfence  }
0xb7: {  	s30 =	sld [smem:$0x0];
	_ =	sdelay $0x2  }
0xb8: {  	s31 =	sshll.u32 s1, $0xD;
	s1 =	sshrl.u32 s1, $0x2  }
0xb9: {  	s3 =	sand.u32 $0x4000, s31;
	s1 =	sadd.s32 s1, s30  }
0xba: {  	s0 =	sor.u32 s3, s0;
	s1 =	sshll.u32 s1, $0x11  }
0xbb: {  	s0 =	sor.u32 s1, s0  }
0xbc: {  	s0 =	sadd.s32 $0x8F2B, s0  }
0xbd: {  	[sflag:s0] =	ssyncadd.remote.s32 $0x1  }
0xbe: {  	_ =	sfence.sel $0xFFFF  }
0xbf: {  	[dreg:$0x0] =	wrdreg $0xFFFFFFFF;
	(pc) =	sbr.abs _section_cstart, $3  }
0xc0: {  	[dreg:$0x1] =	wrdreg $0xFFFFFFFF  }
0xc1: {  	_ =	task.clear_ibuf [dreg:s6], $0x2FFFF;
	_ =	strace $0x9FFFFFFF  }
0xc2: {  	(tm) =	ssettm $0x7FFFFFFF  }
0xc3: {  	_ =	shalt  }
tec
execute0_lowered:
.L_overlay_start_1:
0x0: {  	(tag) =	ssettag $0x1  }
0x1: {  	s6 =	rddreg [dreg:$0x0]  }
0x2: {  	s1 =	rddreg [dreg:$0x1]  }
0x3: {  	s0 =	rddreg [dreg:$0x2];
	s3 =	simm.s32 $0x0;
	s2 =	srdreg.scid  }
0x4: {  	s17 =	simm.s32 $0x80;
	s18 =	simm.s32 $0x14100;
	s19 =	simm.s32 $0x1  }
0x5: {  	s20 =	simm.s32 $0x18100;
	s21 =	simm.s32 $0x18180;
	s7 =	sand.u32 $0x1, s2  }
0x6: {  	s22 =	simm.s32 $0x10;
	s2 =	stileid.u32;
	s8 =	smul.u32 $0x140000, s7  }
0x7: {  	[smem:$0x7FF] =	sst s3;
	s4 =	sadd.s32 $0x16000, s6;
	s9 =	smul.u32 $0x14000, s2  }
0x8: {  	s12 =	sadd.s32 $0x2400, s6;
	s11 =	sadd.s32 $0xC200, s6;
	s13 =	smul.u32 $0x50000, s2  }
0x9: {  	s5 =	sadd.s32 $0x3D200, s6;
	_ =	strace $0x8000004D;
	s24 =	smul.u32 $0x27100, s7  }
0xa: {  	s23 =	sshll.u32 s7, $0x4;
	s10 =	ssub.s32 $0x2, s7;
	s28 =	smul.u32 $0x2710, s2  }
0xb: {  	s29 =	sshll.u32 s2, $0x6;
	s14 =	sshrl.u32 s10, $0x1;
	s8 =	sadd.s32 s9, s8  }
0xc: {  	s9 =	sor.u32 s2, s23;
	s10 =	ssub.s32 s10, s14;
	s25 =	sshrl.u32 s13, $0x2  }
0xd: {  	s16 =	sadd.s32 s28, s24;
	s14 =	simm.s32 $0x2;
	s23 =	simm.s32 $0x18200  }
0xe: {  	s24 =	simm.s32 $0x0;
	s8 =	sshrl.u32 s8, $0x3;
	s9 =	smul.u32 $0x2710, s9  }
0xf: {  	s13 =	sadd.s32 s25, s1;
	s31 =	sshrl.u32 s16, $0x3;
	s10 =	smax.u32 s10, $0x1  }
0x10: {  	s16 =	simm.s32 $0x14080;
	s15 =	sadd.s32 s8, s6;
	s26 =	sshrl.u32 s9, $0x3  }
0x11: {  	s6 =	sor.u32 $0x1C02, s29;
	s13 =	sshrl.u32 s13, $0x3;
	s30 =	sadd.s32 $0x4E0, s26  }
0x12: {  	s9 =	sadd.s32 $0x3FA00, s15;
	s15 =	simm.s32 $0x14000;
	s7 =	sadd.s32 s12, s30  }
0x13: {  	s8 =	sadd.s32 s11, s30;
	s11 =	sadd.s32 s31, s11;
	s12 =	sadd.s32 s31, s12  }
.LBB2_1:
0x14: {  	[spmem:s13], [sflag:s6] =	dma.local [hbm:s5], $0x2800  }
0x15: {  	_ =	swait.ge [sflag:s14], $0x2800  }
0x16: {  	[sflag:s14] =	ssyncset.done $0x0  }
0x17: {  	[sflag:s14] =	ssyncadd.s32 $0xFFFFD800  }
0x18: {  	s25 =	sadd.s32 $0x0, s12;
	[bflag:$0x0] =	sbarrier.arrive $0xFFFF  }
0x19: {  	[tilespmem:s15], [sflag:$0x2] =	stream.linear.gather [hbm4b:s25+s3], $0x80, $0x38;
	[tilespmem:$0x18A00] =	vst v63  }
0x1a: {  	_ =	swait.ge [sflag:s14], $0x80  }
0x1b: {  	[sflag:s14] =	ssyncset.done $0x0  }
0x1c: {  	s31 =	sadd.s32 $0x0, s11;
	[sflag:s14] =	ssyncadd.s32 $0xFFFFFF80  }
0x1d: {  	[tilespmem:s16], [sflag:$0x2] =	stream.linear.gather [hbm4b:s31+s3], $0x80, $0x38;
	[tilespmem:$0x18A00] =	vst v63  }
0x1e: {  	_ =	swait.ge [sflag:s14], $0x80  }
0x1f: {  	[sflag:s14] =	ssyncset.done $0x0  }
0x20: {  	[sflag:s14] =	ssyncadd.s32 $0xFFFFFF80  }
0x21: {  	[tilespmem:s18], [sflag:$0x1] =	stream.indirect.gather [hbm4b:s4+s17], $0x80, s15, s17, $0xb8;
	[tilespmem:$0x18A00] =	vst v63  }
0x22: {  	_ =	swait.ge [sflag:s19], $0x4000  }
0x23: {  	[sflag:s19] =	ssyncset.done $0x0  }
0x24: {  	[sflag:s19] =	ssyncadd.s32 $0xFFFFC000  }
0x25: {  	[spmem:s1] =	stream.indirect.scatter.add.f32 [tilespmem:s18], [sflag:$0x2], $0x80, s16, s17, $0xb8;
	[tilespmem:$0x18A00] =	vst v63  }
0x26: {  	_ =	swait.ge [sflag:s14], $0x4000  }
0x27: {  	s26 =	simm.s32 $0x20;
	s25 =	simm.s32 $0x10;
	[sflag:s14] =	ssyncset.done $0x0  }
.LBB2_2:
0x28: {  	s28 =	sadd.s32 s25, s12  }
0x29: {  	[sflag:s14] =	ssyncadd.s32 $0xFFFFC000;
	s29 =	smov.u32 s26;
	s30 =	sadd.s32 $0x10, s26  }
0x2a: {  	[tilespmem:s15], [sflag:$0x2] =	stream.linear.gather [hbm4b:s28+s3], $0x80, $0x38;
	[tilespmem:$0x18A00] =	vst v63  }
0x2b: {  	p0 =	sne.s32 s26, $0x4D0;
	_ =	swait.ge [sflag:s14], $0x80  }
0x2c: {  	[sflag:s14] =	ssyncset.done $0x0  }
0x2d: {  	s26 =	sadd.s32 s25, s11;
	s25 =	smov.u32 s29;
	[sflag:s14] =	ssyncadd.s32 $0xFFFFFF80  }
0x2e: {  	[tilespmem:s16], [sflag:$0x2] =	stream.linear.gather [hbm4b:s26+s3], $0x80, $0x38;
	[tilespmem:$0x18A00] =	vst v63  }
0x2f: {  	_ =	swait.ge [sflag:s14], $0x80  }
0x30: {  	[sflag:s14] =	ssyncset.done $0x0  }
0x31: {  	[sflag:s14] =	ssyncadd.s32 $0xFFFFFF80  }
0x32: {  	[tilespmem:s18], [sflag:$0x1] =	stream.indirect.gather [hbm4b:s4+s17], $0x80, s15, s17, $0xb8;
	[tilespmem:$0x18A00] =	vst v63  }
0x33: {  	_ =	swait.ge [sflag:s19], $0x4000  }
.Ltmp0:
0x34: {  	[sflag:s19] =	ssyncset.done $0x0;
	(pc) =	sbr.rel @p0 .LBB2_2-.Ltmp0, $4  }
0x35: {  	[sflag:s19] =	ssyncadd.s32 $0xFFFFC000  }
0x36: {  	[spmem:s1] =	stream.indirect.scatter.add.f32 [tilespmem:s18], [sflag:$0x2], $0x80, s16, s17, $0xb8;
	[tilespmem:$0x18A00] =	vst v63  }
0x37: {  	_ =	swait.ge [sflag:s14], $0x4000  }
0x38: {  	s26 =	smov.u32 s30;
	[sflag:s14] =	ssyncset.done $0x0  }
0x39: {  	s26 =	sadd.s32 s25, s12;
	[sflag:s14] =	ssyncadd.s32 $0xFFFFC000  }
0x3a: {  	[tilespmem:s15], [sflag:$0x2] =	stream.linear.gather [hbm4b:s26+s3], $0x80, $0x38;
	[tilespmem:$0x18A00] =	vst v63  }
0x3b: {  	_ =	swait.ge [sflag:s14], $0x80  }
0x3c: {  	[sflag:s14] =	ssyncset.done $0x0  }
0x3d: {  	s31 =	sadd.s32 s25, s11;
	[sflag:s14] =	ssyncadd.s32 $0xFFFFFF80  }
0x3e: {  	[tilespmem:s16], [sflag:$0x2] =	stream.linear.gather [hbm4b:s31+s3], $0x80, $0x38;
	[tilespmem:$0x18A00] =	vst v63  }
0x3f: {  	_ =	swait.ge [sflag:s14], $0x80  }
0x40: {  	[sflag:s14] =	ssyncset.done $0x0  }
0x41: {  	[sflag:s14] =	ssyncadd.s32 $0xFFFFFF80  }
0x42: {  	[tilespmem:s18], [sflag:$0x1] =	stream.indirect.gather [hbm4b:s4+s17], $0x80, s15, s17, $0xb8;
	[tilespmem:$0x18A00] =	vst v63  }
0x43: {  	_ =	swait.ge [sflag:s19], $0x4000  }
0x44: {  	[sflag:s19] =	ssyncset.done $0x0  }
0x45: {  	[sflag:s19] =	ssyncadd.s32 $0xFFFFC000  }
0x46: {  	[spmem:s1] =	stream.indirect.scatter.add.f32 [tilespmem:s18], [sflag:$0x2], $0x80, s16, s17, $0xb8;
	[tilespmem:$0x18A00] =	vst v63  }
0x47: {  	_ =	swait.ge [sflag:s14], $0x4000  }
0x48: {  	[sflag:s14] =	ssyncset.done $0x0  }
0x49: {  	[sflag:s14] =	ssyncadd.s32 $0xFFFFC000  }
0x4a: {  	[tilespmem:s20], [sflag:$0x2] =	stream.linear.gather [hbm4b:s7+s3], $0x10, $0x38;
	[tilespmem:$0x18A00] =	vst v63  }
0x4b: {  	_ =	swait.ge [sflag:s14], $0x10  }
0x4c: {  	[sflag:s14] =	ssyncset.done $0x0  }
0x4d: {  	[sflag:s14] =	ssyncadd.s32 $0xFFFFFFF0  }
0x4e: {  	[tilespmem:s21], [sflag:$0x2] =	stream.linear.gather [hbm4b:s8+s3], $0x10, $0x38;
	[tilespmem:$0x18A00] =	vst v63  }
0x4f: {  	_ =	swait.ge [sflag:s14], $0x10  }
0x50: {  	[sflag:s14] =	ssyncset.done $0x0  }
0x51: {  	[sflag:s14] =	ssyncadd.s32 $0xFFFFFFF0  }
0x52: {  	[tilespmem:s23], [sflag:$0x1] =	stream.indirect.gather [hbm4b:s4+s22], $0x80, s20, s22, $0xb8;
	[tilespmem:$0x18A00] =	vst v63  }
0x53: {  	_ =	swait.ge [sflag:s19], $0x800  }
0x54: {  	[sflag:s19] =	ssyncset.done $0x0  }
0x55: {  	[sflag:s19] =	ssyncadd.s32 $0xFFFFF800  }
0x56: {  	[spmem:s1] =	stream.indirect.scatter.add.f32 [tilespmem:s23], [sflag:$0x2], $0x80, s21, s22, $0xb8;
	[tilespmem:$0x18A00] =	vst v63  }
0x57: {  	_ =	swait.ge [sflag:s14], $0x800  }
0x58: {  	s24 =	sadd.s32 $0x1, s24;
	[sflag:s14] =	ssyncset.done $0x0  }
0x59: {  	p0 =	sne.s32 s24, s10;
	[sflag:s14] =	ssyncadd.s32 $0xFFFFF800  }
.Ltmp1:
0x5a: {  	[bflag:$0x0] =	sbarrier.arrive $0xFFFF;
	(pc) =	sbr.rel @p0 .LBB2_1-.Ltmp1, $4  }
0x5b: {  	[hbm:s9], [sflag:s6] =	dma.local [spmem:s13], $0x2800  }
0x5c: {  	_ =	swait.ge [sflag:s14], $0x2800  }
0x5d: {  	[sflag:s14] =	ssyncset.done $0x0  }
0x5e: {  	[sflag:s14] =	ssyncadd.s32 $0xFFFFD800  }
0x5f: {  	_ =	sfence.sel $0x180000  }
0x60: {  	[bflag:$0x0] =	sbarrier.arrive $0xFFFF  }
0x61: {  	p0 =	sne.s32 s2, $0x0;
	_ =	strace $0x9000004D  }
0x62: {  	s0 =	sadd.s32 @!p0 $0x100000, s0;
	[bflag:$0x2] =	sbarrier.arrive $0xFFFF  }
0x63: {  	[sflag:s0] =	ssyncadd.tile.s32 @!p0 $0x1;
	_ =	shalt  }
.Lfunc_end2:
_tile_overlayer_lowered:
.L_overlay_start_2:
0x64: {  	(tag) =	ssettag $0x2  }
0x65: {  	s0 =	rddreg [dreg:$0x0];
	s2 =	stileid.u32  }
0x66: {  	s1 =	rddreg [dreg:$0x1];
	p0 =	sne.s32 s2, $0x0  }
0x67: {  	s3 =	rddreg [dreg:$0x2];
	[bflag:$0x3] =	sbarrier.arrive $0xFFFF;
	s2 =	simm.s32 @!p0 $0x1C02  }
0x68: {  	[timem:s3], [sflag:s2] =	dma.local @!p0 [hbm:s0], s1  }
0x69: {  	s0 =	simm.s32 @!p0 $0x2  }
0x6a: {  	_ =	swait.ge @!p0 [sflag:s0], s1  }
0x6b: {  	s1 =	ssub.s32 @!p0 $0x0, s1;
	[sflag:s0] =	ssyncset.done @!p0 $0x0  }
0x6c: {  	[sflag:s0] =	ssyncadd.s32 @!p0 s1  }
0x6d: {  	[bflag:$0x3] =	sbarrier.arrive $0xFFFF  }
0x6e: {  	_ =	shalt  }

// kernel: kernel.8.cloned.1.call-start
scs
__scs_entry_jumppad:
0x0: {  	(pc) =	sbr.rel $0x88, $3  }
0x1: {  	(tag) =	ssettag $0x0;
	lr =	simm.s32 $0x1  }
0x2: {  	[smem:$0x3F98] =	sst lr;
	_ =	strace $0xD0000000  }
0x3: {  	_ = 	snop  }
0x4: {  	_ = 	snop  }
0x5: {  	_ = 	snop  }
0x6: {  	_ = 	snop  }
0x7: {  	_ = 	snop  }
__scs_overlays_trampoline_lowered:
0x8: {  	[smem:$0x3FA7] =	sst s0  }
0x9: {  	[smem:$0x3FA8] =	sst s1  }
0xa: {  	[smem:$0x3FA9] =	sst s2  }
0xb: {  	[smem:$0x3FAA] =	sst s3  }
0xc: {  	[smem:$0x3FAB] =	sst s4  }
0xd: {  	[smem:$0x3FAC] =	sst s5  }
0xe: {  	[smem:$0x3FAD] =	sst s6  }
0xf: {  	[smem:$0x3FAE] =	sst s7  }
0x10: {  	[smem:$0x3FAF] =	sst s8  }
0x11: {  	[smem:$0x3FB0] =	sst s9;
	s0 =	simm.s32 @!p0 $0x0  }
0x12: {  	s1 =	sld [smem:$0x3F96];
	s0 =	simm.s32 @p0 $0x1  }
0x13: {  	[smem:$0x3FB1] =	sst s0;
	s0 =	simm.s32 @!p1 $0x0  }
0x14: {  	s2 =	sld [smem:$0x3F95];
	s0 =	simm.s32 @p1 $0x1  }
0x15: {  	[smem:$0x3FB2] =	sst s0;
	s0 =	simm.s32 @!p2 $0x0  }
0x16: {  	s3 =	sld [smem:$0x3FDB];
	s0 =	simm.s32 @p2 $0x1  }
0x17: {  	s4 =	simm.s32 $0x1BF5;
	[smem:$0x3FB4] =	sst s0  }
0x18: {  	s0 =	sld [smem:$0x3F97];
	_ =	swait.ge [sflag:s4], $0x0  }
0x19: {  	s7 =	sld [smem:$0x3F98]  }
0x1a: {  	s8 =	sadd.s32 $0xFFFFE003, lr  }
0x1b: {  	s9 =	sadd.s32 $0xFFFFFEF7, lr;
	s5 =	simm.s32 $0xFFFFFFFF;
	p2 =	slt.u32 s8, $0xFFFFF086  }
0x1c: {  	p1 =	slt.u32 s9, $0xF7A;
	s5 =	simm.s32 @!p2 $0x0  }
0x1d: {  	s5 =	simm.s32 @p1 $0x1;
	p0 =	seq.s32 s7, s2  }
0x1e: {  	s7 =	smul.u32 @!p0 $0xF7A, s2;
	p2 =	seq.s32 @!p0 s5, $0x0  }
0x1f: {  	s9 =	smul.u32 $0xF7A, s1;
	s8 =	simm.s32 @!p0 $0x1BF5;
	p2 =	por !p2, p0  }
0x20: {  	[sflag:s8] =	ssyncset.s32 @!p0 $0xFFFFF086;
	s6 =	sadd.s32 @!p0 s3, s7;
	s7 =	simm.s32 @!p0 $0x108  }
0x21: {  	s3 =	sadd.s32 s3, s9;
	s6 =	sadd.s32 @!p0 $0x88, s6;
	s7 =	simm.s32 @p2 $0x1082  }
0x22: {  	[simem:s7], [sflag:s8] =	dma.local @!p0 [hbm:s6], $0xF7A  }
0x23: {  	s9 =	sor.u32 $0xD0000000, s2;
	s6 =	simm.s32 $0x108;
	_ =	swait.ge @!p0 [sflag:s8], $0x0  }
0x24: {  	s3 =	sadd.s32 $0x88, s3;
	s6 =	simm.s32 @!p1 $0x1082;
	[sflag:s4] =	ssyncset.s32 $0xFFFFF086  }
0x25: {  	[simem:s6], [sflag:s4] =	dma.local [hbm:s3], $0xF7A  }
0x26: {  	[smem:$0x3F98] =	sst s1;
	(tag) =	ssettag s2;
	_ =	strace s9  }
0x27: {  	s1 =	sld [smem:$0x3FA8]  }
0x28: {  	s2 =	sld [smem:$0x3FA9]  }
0x29: {  	s4 =	sld [smem:$0x3FAB]  }
0x2a: {  	p0 =	seq.s32 s5, $0x0;
	s5 =	sld [smem:$0x3FAC]  }
0x2b: {  	s6 =	sld [smem:$0x3FAD]  }
0x2c: {  	s7 =	sld [smem:$0x3FAE]  }
0x2d: {  	s3 =	simm.s32 $0x108;
	s8 =	sld [smem:$0x3FAF]  }
0x2e: {  	s3 =	simm.s32 @!p0 $0x1082;
	s9 =	sld [smem:$0x3FB0]  }
0x2f: {  	lr =	sadd.s32 s0, s3;
	s0 =	sld [smem:$0x3FA7]  }
0x30: {  	s3 =	sld [smem:$0x3FAA]  }
0x31: {  	[smem:$0x3FB3] =	sst s10  }
0x32: {  	s10 =	sld [smem:$0x3FB1];
	_ =	sdelay $0x3  }
0x33: {  	p0 =	seq.s32 s10, $0x1;
	s10 =	sld [smem:$0x3FB3];
	_ =	sdelay $0x3  }
0x34: {  	[smem:$0x3FB3] =	sst s10  }
0x35: {  	s10 =	sld [smem:$0x3FB2];
	_ =	sdelay $0x3  }
0x36: {  	p1 =	seq.s32 s10, $0x1;
	s10 =	sld [smem:$0x3FB3];
	_ =	sdelay $0x3  }
0x37: {  	[smem:$0x3FB3] =	sst s10  }
0x38: {  	s10 =	sld [smem:$0x3FB4]  }
0x39: {  	_ = 	snop;
	(pc) =	sbr.ind lr, $3  }
0x3a: {  	_ = 	snop  }
0x3b: {  	_ = 	snop  }
0x3c: {  	p2 =	seq.s32 s10, $0x1;
	s10 =	sld [smem:$0x3FB3]  }
0x3d: {  	_ =	shalt  }
0x3e: {  	_ =	shalt  }
0x3f: {  	_ =	shalt  }
0x40: {  	_ =	shalt  }
0x41: {  	_ =	shalt  }
0x42: {  	_ =	shalt  }
0x43: {  	_ =	shalt  }
0x44: {  	_ =	shalt  }
0x45: {  	_ =	shalt  }
0x46: {  	_ =	shalt  }
0x47: {  	_ =	shalt  }
0x48: {  	_ =	shalt  }
0x49: {  	_ =	shalt  }
0x4a: {  	_ =	shalt  }
0x4b: {  	_ =	shalt  }
0x4c: {  	_ =	shalt  }
0x4d: {  	_ =	shalt  }
0x4e: {  	_ =	shalt  }
0x4f: {  	_ =	shalt  }
0x50: {  	_ =	shalt  }
0x51: {  	_ =	shalt  }
0x52: {  	_ =	shalt  }
0x53: {  	_ =	shalt  }
0x54: {  	_ =	shalt  }
0x55: {  	_ =	shalt  }
0x56: {  	_ =	shalt  }
0x57: {  	_ =	shalt  }
0x58: {  	_ =	shalt  }
0x59: {  	_ =	shalt  }
0x5a: {  	_ =	shalt  }
0x5b: {  	_ =	shalt  }
0x5c: {  	_ =	shalt  }
0x5d: {  	_ =	shalt  }
0x5e: {  	_ =	shalt  }
0x5f: {  	_ =	shalt  }
0x60: {  	_ =	shalt  }
0x61: {  	_ =	shalt  }
0x62: {  	_ =	shalt  }
0x63: {  	_ =	shalt  }
0x64: {  	_ =	shalt  }
0x65: {  	_ =	shalt  }
0x66: {  	_ =	shalt  }
0x67: {  	_ =	shalt  }
0x68: {  	_ =	shalt  }
0x69: {  	_ =	shalt  }
0x6a: {  	_ =	shalt  }
0x6b: {  	_ =	shalt  }
0x6c: {  	_ =	shalt  }
0x6d: {  	_ =	shalt  }
0x6e: {  	_ =	shalt  }
0x6f: {  	_ =	shalt  }
0x70: {  	_ =	shalt  }
0x71: {  	_ =	shalt  }
0x72: {  	_ =	shalt  }
0x73: {  	_ =	shalt  }
0x74: {  	_ =	shalt  }
0x75: {  	_ =	shalt  }
0x76: {  	_ =	shalt  }
0x77: {  	_ =	shalt  }
0x78: {  	_ =	shalt  }
0x79: {  	_ =	shalt  }
0x7a: {  	_ =	shalt  }
0x7b: {  	_ =	shalt  }
0x7c: {  	_ =	shalt  }
0x7d: {  	_ =	shalt  }
0x7e: {  	_ =	shalt  }
0x7f: {  	_ =	shalt  }
0x80: {  	_ =	shalt  }
0x81: {  	_ =	shalt  }
0x82: {  	_ =	shalt  }
0x83: {  	_ =	shalt  }
0x84: {  	_ =	shalt  }
0x85: {  	_ =	shalt  }
0x86: {  	_ =	shalt  }
0x87: {  	_ =	shalt  }
.Lfunc_end0:
.L_simem_size_0:
called_computation_lowered:
.L_overlay_start_0:
0x88: {  	s2 =	sld [smem:$0x3FD9]  }
0x89: {  	s3 =	sld [smem:$0x3FFE];
	_ =	sdelay $0x1  }
0x8a: {  	s1 =	srdreg.scid  }
0x8b: {  	s0 =	sand.u32 $0x1, s1  }
0x8c: {  	s17 =	sshll.u32 s0, $0xA;
	s2 =	sadd.s32 s3, s2  }
0x8d: {  	s2 =	sadd.s32 s2, s17  }
0x8e: {  	[smem:$0x3FBF] =	sst s2  }
0x8f: {  	_ = 	snop  }
0x90: {  	s2 =	sld [smem:$0x3FD0];
	(tm) =	ssettm $0x1  }
0x91: {  	s18 =	sld [smem:$0x3FFB];
	_ =	sdelay $0x3  }
0x92: {  	_ =	strace s18  }
0x93: {  	s3 =	sld [smem:$0x3FFC];
	_ =	sdelay $0x3  }
0x94: {  	_ =	strace s3  }
0x95: {  	s3 =	sld [smem:$0x3FFD];
	_ =	sdelay $0x3  }
0x96: {  	_ =	strace s3  }
0x97: {  	_ =	strace $0x8FFFFFFF  }
0x98: {  	s19 =	sld [smem:$0x3FDB];
	_ =	sdelay $0x1  }
0x99: {  	s4 =	simm.s32 $_scs_section_size  }
0x9a: {  	s5 =	simm.s32 $_size__tile_overlayer_lowered;
	s6 =	simm.s32 $_tile_overlayer_lowered  }
0x9b: {  	s22 =	simm.s32 $0x1BFF;
	s21 =	sshll.u32 s6, $0x1;
	s3 =	sadd.s32 s4, s19  }
0x9c: {  	s7 =	simm.s32 $0x0;
	s20 =	sshll.u32 s5, $0x1;
	s5 =	sadd.s32 s21, s3  }
0x9d: {  	[timem:s7], [sflag:s22] =	dma.local [hbm:s5], s20  }
0x9e: {  	_ =	swait.ge [sflag:s22], s20  }
0x9f: {  	s4 =	ssub.s32 $0x0, s20;
	[sflag:s22] =	ssyncset.done $0x0  }
0xa0: {  	[sflag:s22] =	ssyncadd.s32 s4;
	_ =	sdelay $0x1  }
0xa1: {  	s23 =	simm.s32 $0x1B8B  }
0xa2: {  	_ =	swait.ge [sflag:s23], $0x1  }
0xa3: {  	[sflag:s23] =	ssyncset.done $0x0  }
0xa4: {  	s25 =	simm.s32 $0x1B8E;
	s24 =	sld [smem:$0x3FFE];
	[sflag:s23] =	ssyncadd.s32 $0xFFFFFFFF  }
0xa5: {  	s26 =	simm.s32 $execute0_lowered;
	[smem:$0x3FD2] =	sst s25  }
0xa6: {  	s5 =	sshll.u32 s26, $0x1;
	_ =	strace $0x80000046;
	[dreg:$0x1] =	wrdreg $0xFFFFFFFF  }
0xa7: {  	s28 =	simm.s32 $_size_execute0_lowered;
	s3 =	sadd.s32 s3, s5;
	[dreg:$0x0] =	wrdreg $0x0  }
0xa8: {  	s5 =	sshll.u32 s28, $0x1;
	[dreg:$0x2] =	wrdreg s3  }
0xa9: {  	[dreg:$0x3] =	wrdreg s5  }
0xaa: {  	[dreg:$0x4] =	wrdreg $0xC0  }
0xab: {  	_ =	task [dreg:s7], $0x5FFFF  }
0xac: {  	[dreg:$0x1] =	wrdreg $0xFFFFFFFF  }
0xad: {  	[dreg:$0x0] =	wrdreg $0x60  }
0xae: {  	[dreg:$0x2] =	wrdreg s24  }
0xaf: {  	[dreg:$0x3] =	wrdreg s2  }
0xb0: {  	[dreg:$0x4] =	wrdreg $0x0  }
0xb1: {  	[dreg:$0x5] =	wrdreg $0x9  }
0xb2: {  	_ =	task.clear_ibuf [dreg:s7], $0x6FFFF;
	_ =	strace $0x90000046  }
0xb3: {  	s29 =	simm.s32 $0x9;
	_ =	strace $0x80000048  }
0xb4: {  	_ =	swait.ge [sflag:s29], $0x1  }
0xb5: {  	[sflag:s29] =	ssyncadd.s32 $0xFFFFFFFF  }
0xb6: {  	_ =	strace $0x90000048  }
0xb7: {  	_ =	sfence  }
0xb8: {  	s30 =	sld [smem:$0x0];
	_ =	sdelay $0x2  }
0xb9: {  	s31 =	sshll.u32 s1, $0xD;
	s1 =	sshrl.u32 s1, $0x2  }
0xba: {  	s3 =	sand.u32 $0x4000, s31;
	s1 =	sadd.s32 s1, s30  }
0xbb: {  	s0 =	sor.u32 s3, s0;
	s1 =	sshll.u32 s1, $0x11  }
0xbc: {  	s0 =	sor.u32 s1, s0  }
0xbd: {  	s0 =	sadd.s32 $0x8F2B, s0  }
0xbe: {  	[sflag:s0] =	ssyncadd.remote.s32 $0x1  }
0xbf: {  	_ =	sfence.sel $0xFFFF  }
0xc0: {  	[dreg:$0x0] =	wrdreg $0xFFFFFFFF;
	(pc) =	sbr.abs _section_cstart, $3  }
0xc1: {  	[dreg:$0x1] =	wrdreg $0xFFFFFFFF  }
0xc2: {  	_ =	task.clear_ibuf [dreg:s7], $0x2FFFF;
	_ =	strace $0x9FFFFFFF  }
0xc3: {  	(tm) =	ssettm $0x7FFFFFFF  }
tec
execute0_lowered:
.L_overlay_start_1:
0x0: {  	(tag) =	ssettag $0x1  }
0x1: {  	s6 =	stileid.u32  }
0x2: {  	s4 =	smul.u32 $0x280, s6;
	_ =	sdelay $0x1  }
0x3: {  	v1 =	vimm.s32 $0x0;
	vm0 =	vcmask $0x300;
	v0 =	vmov s4;
	s0 =	sadd.s32 $0x90, s4  }
0x4: {  	v27 =	vsel vm0, $0x7, v1;
	s26 =	sadd.s32 $0x80, s4;
	s28 =	sadd.s32 $0xA0, s4;
	s1 =	sadd.s32 $0xC0, s4;
	v0 =	vshrl.u32 v0, $0x7;
	v7 =	vmov s0  }
0x5: {  	s30 =	sadd.s32 $0xD0, s4;
	s31 =	sadd.s32 $0xE0, s4;
	s3 =	sadd.s32 $0x100, s4;
	v8 =	vmov s26;
	v9 =	vmov s28;
	v10 =	vmov s1  }
0x6: {  	s5 =	sadd.s32 $0x120, s4;
	s9 =	sadd.s32 $0x150, s4;
	s10 =	sadd.s32 $0x160, s4;
	v11 =	vmov s30;
	v12 =	vmov s31;
	v14 =	vmov s3  }
0x7: {  	s11 =	sadd.s32 $0x170, s4;
	s14 =	sadd.s32 $0x1A0, s4;
	s15 =	sadd.s32 $0x1B0, s4;
	v15 =	vmov s5;
	v16 =	vmov s9;
	v17 =	vmov s10  }
0x8: {  	s16 =	sadd.s32 $0x1C0, s4;
	s17 =	sadd.s32 $0x1D0, s4;
	s18 =	sadd.s32 $0x210, s4;
	v18 =	vmov s11;
	v19 =	vmov s14;
	v20 =	vmov s15  }
0x9: {  	s19 =	sadd.s32 $0x220, s4;
	s20 =	sadd.s32 $0x1E0, s4;
	s21 =	sadd.s32 $0x1F0, s4;
	v21 =	vmov s16;
	v37 =	vmov s17;
	v57 =	vmov s18  }
0xa: {  	s22 =	sadd.s32 $0x230, s4;
	s23 =	sadd.s32 $0x240, s4;
	s24 =	sadd.s32 $0x250, s4;
	v38 =	vmov s19;
	v40 =	vmov s20;
	v41 =	vmov s21  }
0xb: {  	s25 =	sadd.s32 $0x260, s4;
	v58 =	vmov s22;
	v59 =	vmov s23;
	v42 =	vmov s24  }
0xc: {  	v61 =	vmov s25;
	v0 =	vshll.u32 v0, v27;
	v7 =	vshrl.u32 v7, $0x7  }
0xd: {  	s1 =	sadd.s32 $0x110, s4;
	v8 =	vshrl.u32 v8, $0x7;
	v9 =	vshrl.u32 v9, $0x7;
	v10 =	vshrl.u32 v10, $0x7  }
0xe: {  	v11 =	vshrl.u32 v11, $0x7;
	v12 =	vshrl.u32 v12, $0x7;
	v13 =	vmov s1  }
0xf: {  	s29 =	sadd.s32 $0xB0, s4;
	s2 =	sadd.s32 $0xF0, s4;
	v14 =	vshrl.u32 v14, $0x7;
	v16 =	vshrl.u32 v16, $0x7;
	v17 =	vshrl.u32 v17, $0x7  }
0x10: {  	s7 =	sadd.s32 $0x130, s4;
	s8 =	sadd.s32 $0x140, s4;
	s12 =	sadd.s32 $0x180, s4;
	v19 =	vshrl.u32 v19, $0x7;
	v20 =	vshrl.u32 v20, $0x7;
	v21 =	vshrl.u32 v21, $0x7  }
0x11: {  	s13 =	sadd.s32 $0x190, s4;
	s9 =	sadd.s32 $0x200, s4;
	s4 =	sadd.s32 $0x270, s4;
	v38 =	vshrl.u32 v38, $0x7;
	v40 =	vshrl.u32 v40, $0x7;
	v41 =	vshrl.u32 v41, $0x7  }
0x12: {  	v42 =	vshrl.u32 v42, $0x7;
	v60 =	vmov s9;
	v62 =	vmov s4  }
0x13: {  	v28 =	vbroadcast v0, $0x0;
	v0 =	vlaneseq.u32;
	v7 =	vshll.u32 v7, v27  }
0x14: {  	v8 =	vshll.u32 v8, v27;
	v10 =	vshll.u32 v10, v27;
	v11 =	vshll.u32 v11, v27  }
0x15: {  	v12 =	vshll.u32 v12, v27;
	v13 =	vshrl.u32 v13, $0x7;
	v31 =	vshll.u32 v14, v27  }
0x16: {  	v14 =	vshrl.u32 v15, $0x7;
	v15 =	vmov s8;
	v16 =	vshll.u32 v16, v27  }
0x17: {  	v33 =	vshll.u32 v17, v27;
	v17 =	vshrl.u32 v18, $0x7;
	v18 =	vmov s13  }
0x18: {  	v19 =	vshll.u32 v19, v27;
	v20 =	vshll.u32 v20, v27;
	v38 =	vshll.u32 v38, v27  }
0x19: {  	v42 =	vshll.u32 v42, v27;
	v40 =	vshll.u32 v40, v27;
	v41 =	vshll.u32 v41, v27  }
0x1a: {  	v22 =	vor.u32 $0x10, v0;
	v23 =	vor.u32 $0x20, v0;
	v24 =	vor.u32 $0x30, v0  }
0x1b: {  	v25 =	vor.u32 $0x40, v0;
	v26 =	vor.u32 $0x50, v0;
	v35 =	vor.u32 $0x60, v0  }
0x1c: {  	v7 =	vbroadcast v7, $0x0;
	v39 =	vor.u32 $0x70, v0;
	v29 =	vbroadcast v8, $0x0  }
0x1d: {  	v8 =	vshll.u32 v9, v27;
	v9 =	vmov s29;
	v10 =	vbroadcast v10, $0x0  }
0x1e: {  	v11 =	vbroadcast v11, $0x0;
	v30 =	vbroadcast v12, $0x0;
	v12 =	vmov s2  }
0x1f: {  	v13 =	vshll.u32 v13, v27;
	v15 =	vshrl.u32 v15, $0x7;
	v16 =	vbroadcast v16, $0x0  }
0x20: {  	v34 =	vshll.u32 v17, v27;
	v19 =	vbroadcast v19, $0x0;
	v20 =	vbroadcast v20, $0x0  }
0x21: {  	v17 =	vmov s12;
	v38 =	vbroadcast v38, $0x0;
	v42 =	vbroadcast v42, $0x0  }
0x22: {  	v18 =	vshrl.u32 v18, $0x7;
	v43 =	vbroadcast v31, $0x0;
	v33 =	vbroadcast v33, $0x0  }
0x23: {  	v40 =	vbroadcast v40, $0x0;
	v41 =	vbroadcast v41, $0x0;
	v1 =	vor.u32 v0, v28  }
0x24: {  	v2 =	vor.u32 v22, v28;
	v3 =	vor.u32 v23, v28;
	v4 =	vor.u32 v24, v28  }
0x25: {  	v5 =	vor.u32 v25, v28;
	v6 =	vor.u32 v26, v28;
	v8 =	vbroadcast v8, $0x0  }
0x26: {  	v9 =	vshrl.u32 v9, $0x7;
	v12 =	vshrl.u32 v12, $0x7;
	v13 =	vbroadcast v13, $0x0  }
0x27: {  	v15 =	vshll.u32 v15, v27;
	v17 =	vshrl.u32 v17, $0x7;
	v18 =	vshll.u32 v18, v27  }
0x28: {  	v34 =	vbroadcast v34, $0x0;
	v7 =	vor.u32 v22, v7;
	v9 =	vshll.u32 v9, v27  }
0x29: {  	v10 =	vor.u32 v25, v10;
	v11 =	vor.u32 v26, v11;
	v32 =	vshll.u32 v12, v27  }
0x2a: {  	v15 =	vbroadcast v15, $0x0;
	v16 =	vor.u32 v26, v16;
	v18 =	vbroadcast v18, $0x0  }
0x2b: {  	v36 =	vshll.u32 v17, v27;
	v29 =	vor.u32 v0, v29;
	v30 =	vor.u32 v35, v30  }
0x2c: {  	v33 =	vor.u32 v35, v33;
	v9 =	vbroadcast v9, $0x0;
	v8 =	vor.u32 v23, v8  }
0x2d: {  	v12 =	vor.u32 v22, v13;
	v13 =	vshll.u32 v14, v27;
	v14 =	vmov s7  }
0x2e: {  	v32 =	vbroadcast v32, $0x0;
	v36 =	vbroadcast v36, $0x0;
	v34 =	vor.u32 v39, v34  }
0x2f: {  	v13 =	vbroadcast v13, $0x0;
	v14 =	vshrl.u32 v14, $0x7;
	v15 =	vor.u32 v25, v15  }
0x30: {  	v17 =	vor.u32 v22, v18;
	v18 =	vor.u32 v23, v19;
	v19 =	vor.u32 v24, v20  }
0x31: {  	s5 =	rddreg [dreg:$0x0];
	v20 =	vshll.u32 v21, v27;
	v21 =	vshrl.u32 v37, $0x7;
	v37 =	vshrl.u32 v57, $0x7  }
0x32: {  	p0 =	sne.s32 s6, $0x0;
	s0 =	rddreg [dreg:$0x1];
	v9 =	vor.u32 v24, v9;
	v14 =	vshll.u32 v14, v27;
	v20 =	vbroadcast v20, $0x0  }
0x33: {  	s3 =	srdreg.scid;
	s11 =	smul.u32 $0x14000, s6;
	s14 =	simm.s32 $0x2B00;
	v21 =	vshll.u32 v21, v27;
	v37 =	vshll.u32 v37, v27;
	v31 =	vor.u32 v39, v32  }
0x34: {  	s15 =	simm.s32 $0x50;
	s16 =	simm.s32 $0x2C00;
	s17 =	simm.s32 $0x0;
	v32 =	vor.u32 v0, v43;
	v36 =	vor.u32 v0, v36;
	v14 =	vbroadcast v14, $0x0  }
0x35: {  	s1 =	rddreg [dreg:$0x3];
	s26 =	sadd.s32 $0xC200, s5;
	s4 =	sadd.s32 $0x16000, s5;
	v13 =	vor.u32 v23, v13;
	v21 =	vbroadcast v21, $0x0;
	v37 =	vbroadcast v37, $0x0  }
0x36: {  	s2 =	rddreg [dreg:$0x2];
	s12 =	smul.u32 $0x2710, s6;
	s7 =	sand.u32 $0x1, s3;
	v23 =	vor.u32 v23, v38;
	v38 =	vshrl.u32 v59, $0x7;
	v20 =	vor.u32 v25, v20  }
0x37: {  	s3 =	simm.s32 $0x0;
	s8 =	smul.u32 $0x140000, s7;
	s10 =	sshll.u32 s7, $0x4;
	v38 =	vshll.u32 v38, v27;
	v22 =	vor.u32 v22, v37;
	v37 =	vshrl.u32 v58, $0x7  }
0x38: {  	[smem:$0x7FF] =	sst s3;
	s28 =	smul.u32 $0x27100, s7;
	s7 =	ssub.s32 $0x2, s7;
	v21 =	vor.u32 v26, v21;
	v38 =	vbroadcast v38, $0x0;
	v37 =	vshll.u32 v37, v27  }
0x39: {  	s10 =	sor.u32 s6, s10;
	_ =	strace $0x80000047;
	s29 =	sshrl.u32 s7, $0x1;
	v26 =	vor.u32 v26, v42;
	v42 =	vshrl.u32 v62, $0x7;
	v37 =	vbroadcast v37, $0x0  }
0x3a: {  	s6 =	sshrl.u32 @!p0 s2, $0x3;
	s10 =	smul.u32 $0x2710, s10;
	s8 =	sadd.s32 s11, s8;
	v14 =	vor.u32 v24, v14;
	v42 =	vshll.u32 v42, v27;
	v25 =	vor.u32 v25, v38  }
0x3b: {  	s13 =	ssub.s32 s7, s29;
	s31 =	sadd.s32 s12, s28;
	s8 =	sshrl.u32 s8, $0x3;
	v38 =	vshrl.u32 v61, $0x7;
	v24 =	vor.u32 v24, v37;
	v37 =	vshrl.u32 v60, $0x7  }
0x3c: {  	s11 =	simm.s32 $0x1;
	s8 =	sadd.s32 s8, s5;
	s10 =	sshrl.u32 s10, $0x3;
	v42 =	vbroadcast v42, $0x0;
	v38 =	vshll.u32 v38, v27;
	v37 =	vshll.u32 v37, v27  }
0x3d: {  	s12 =	simm.s32 $0x2B80;
	s30 =	sadd.s32 s26, s10;
	s7 =	sadd.s32 $0x16600, s8;
	v44 =	vbroadcast v38, $0x0;
	v38 =	vor.u32 v39, v41;
	v63 =	vbroadcast v37, $0x0  }
0x3e: {  	s10 =	sshrl.u32 s31, $0x3;
	s8 =	smax.u32 s13, $0x1;
	s13 =	simm.s32 $0x280;
	v27 =	vor.u32 v35, v28;
	v28 =	vor.u32 v39, v28;
	v39 =	vor.u32 v39, v42  }
0x3f: {  	s5 =	sadd.s32 $0x4E0, s30;
	s9 =	sadd.s32 s10, s26;
	s10 =	simm.s32 $0x300;
	v37 =	vor.u32 v35, v40;
	v35 =	vor.u32 v35, v44;
	v40 =	vor.u32 v0, v63  }
.LBB2_1:
0x40: {  	s18 =	simm.s32 @!p0 $0x1C01  }
0x41: {  	[spmem:s6], [sflag:s18] =	dma.local @!p0 [hbm:s4], $0x500  }
0x42: {  	s18 =	simm.s32 @!p0 $0x1  }
0x43: {  	_ =	swait.ge @!p0 [sflag:s18], $0x500  }
0x44: {  	[sflag:s18] =	ssyncset.done @!p0 $0x0  }
0x45: {  	[sflag:s18] =	ssyncadd.s32 @!p0 $0xFFFFFB00  }
0x46: {  	[tilespmem:s10], [sflag:$0x1] =	stream.linear.gather [hbm4b:s4+s3], $0x2800, $0x38;
	[tilespmem:$0x16C00] =	vst v63  }
0x47: {  	_ =	swait.ge [sflag:s11], $0x2800  }
0x48: {  	[sflag:s11] =	ssyncset.done $0x0  }
0x49: {  	[sflag:s11] =	ssyncadd.s32 $0xFFFFD800  }
0x4a: {  	[tilespmem:s12], [sflag:$0x1] =	stream.linear.gather [hbm4b:s0+s3], $0x80, $0x38;
	[tilespmem:$0x16C00] =	vst v63  }
0x4b: {  	_ =	swait.ge [sflag:s11], $0x80  }
0x4c: {  	[sflag:s11] =	ssyncset.done $0x0  }
0x4d: {  	[sflag:s11] =	ssyncadd.s32 $0xFFFFFF80  }
0x4e: {  	s18 =	simm.s32 $0x0;
	[bflag:$0x0] =	sbarrier.arrive $0xFFFF  }
.LBB2_2:
0x4f: {  	s19 =	sadd.s32 s18, s9  }
0x50: {  	[tilespmem:s13], [sflag:$0x1] =	stream.linear.gather [hbm4b:s19+s3], $0x80, $0x38;
	[tilespmem:$0x16C00] =	vst v63  }
0x51: {  	_ =	swait.ge [sflag:s11], $0x80  }
0x52: {  	[sflag:s11] =	ssyncset.done $0x0  }
0x53: {  	[sflag:s11] =	ssyncadd.s32 $0xFFFFFF80  }
0x54: {  	v41 =	vld [tilespmem:$0x280];
	_ =	sdelay $0x4  }
0x55: {  	(xrf1) =	vunique.msk.u32 $0xffff, v41;
	_ =	sdelay $0xd  }
0x56: {  	_, v42, vm0 =	vpop (xrf1);
	_ =	sdelay $0x3  }
0x57: {  	v42 =	vcvt.s32.f32 v42;
	_ =	sdelay $0x1  }
0x58: {  	[tilespmem:v41+s10+$0x0] =	vst.idx.add.f32.msk vm0, v42  }
0x59: {  	v41 =	vld [tilespmem:$0x290];
	_ =	sdelay $0x4  }
0x5a: {  	(xrf1) =	vunique.msk.u32 $0xffff, v41;
	_ =	sdelay $0xd  }
0x5b: {  	_, v42, vm0 =	vpop (xrf1);
	_ =	sdelay $0x3  }
0x5c: {  	v42 =	vcvt.s32.f32 v42;
	_ =	sdelay $0x1  }
0x5d: {  	[tilespmem:v41+s10+$0x0] =	vst.idx.add.f32.msk vm0, v42  }
0x5e: {  	v41 =	vld [tilespmem:$0x2A0];
	_ =	sdelay $0x4  }
0x5f: {  	(xrf1) =	vunique.msk.u32 $0xffff, v41;
	_ =	sdelay $0xd  }
0x60: {  	_, v42, vm0 =	vpop (xrf1);
	_ =	sdelay $0x3  }
0x61: {  	v42 =	vcvt.s32.f32 v42;
	_ =	sdelay $0x1  }
0x62: {  	[tilespmem:v41+s10+$0x0] =	vst.idx.add.f32.msk vm0, v42  }
0x63: {  	v41 =	vld [tilespmem:$0x2B0];
	_ =	sdelay $0x4  }
0x64: {  	(xrf1) =	vunique.msk.u32 $0xffff, v41;
	_ =	sdelay $0xd  }
0x65: {  	_, v42, vm0 =	vpop (xrf1);
	_ =	sdelay $0x3  }
0x66: {  	v42 =	vcvt.s32.f32 v42;
	_ =	sdelay $0x1  }
0x67: {  	[tilespmem:v41+s10+$0x0] =	vst.idx.add.f32.msk vm0, v42  }
0x68: {  	v41 =	vld [tilespmem:$0x2C0];
	_ =	sdelay $0x4  }
0x69: {  	(xrf1) =	vunique.msk.u32 $0xffff, v41;
	_ =	sdelay $0xd  }
0x6a: {  	_, v42, vm0 =	vpop (xrf1);
	_ =	sdelay $0x3  }
0x6b: {  	v42 =	vcvt.s32.f32 v42;
	_ =	sdelay $0x1  }
0x6c: {  	[tilespmem:v41+s10+$0x0] =	vst.idx.add.f32.msk vm0, v42  }
0x6d: {  	v41 =	vld [tilespmem:$0x2D0];
	_ =	sdelay $0x4  }
0x6e: {  	(xrf1) =	vunique.msk.u32 $0xffff, v41;
	_ =	sdelay $0xd  }
0x6f: {  	_, v42, vm0 =	vpop (xrf1);
	_ =	sdelay $0x3  }
0x70: {  	v42 =	vcvt.s32.f32 v42;
	_ =	sdelay $0x1  }
0x71: {  	[tilespmem:v41+s10+$0x0] =	vst.idx.add.f32.msk vm0, v42  }
0x72: {  	v41 =	vld [tilespmem:$0x2E0];
	_ =	sdelay $0x4  }
0x73: {  	(xrf1) =	vunique.msk.u32 $0xffff, v41;
	_ =	sdelay $0xd  }
0x74: {  	_, v42, vm0 =	vpop (xrf1);
	_ =	sdelay $0x3  }
0x75: {  	v42 =	vcvt.s32.f32 v42;
	_ =	sdelay $0x1  }
0x76: {  	[tilespmem:v41+s10+$0x0] =	vst.idx.add.f32.msk vm0, v42  }
0x77: {  	v41 =	vld [tilespmem:$0x2F0];
	_ =	sdelay $0x4  }
0x78: {  	(xrf1) =	vunique.msk.u32 $0xffff, v41;
	_ =	sdelay $0xd  }
0x79: {  	_, v42, vm0 =	vpop (xrf1)  }
0x7a: {  	p1 =	sne.s32 s18, $0x4D0  }
.Ltmp0:
0x7b: {  	_ = 	snop;
	(pc) =	sbr.rel @p1 .LBB2_2-.Ltmp0, $3  }
0x7c: {  	_ = 	snop  }
0x7d: {  	v42 =	vcvt.s32.f32 v42;
	_ =	sdelay $0x1  }
0x7e: {  	s18 =	sadd.s32 $0x10, s18;
	[tilespmem:v41+s10+$0x0] =	vst.idx.add.f32.msk vm0, v42  }
0x7f: {  	[tilespmem:s14], [sflag:$0x1] =	stream.linear.gather [hbm4b:s5+s3], $0x10, $0x38;
	[tilespmem:$0x16C00] =	vst v63  }
0x80: {  	_ =	swait.ge [sflag:s11], $0x10  }
0x81: {  	[sflag:s11] =	ssyncset.done $0x0  }
0x82: {  	[sflag:s11] =	ssyncadd.s32 $0xFFFFFFF0  }
0x83: {  	v41 =	vld [tilespmem:$0x2B00];
	_ =	sdelay $0x4  }
0x84: {  	(xrf1) =	vunique.msk.u32 $0xffff, v41;
	_ =	sdelay $0xd  }
0x85: {  	_, v42, vm0 =	vpop (xrf1);
	_ =	sdelay $0x3  }
0x86: {  	v42 =	vcvt.s32.f32 v42;
	_ =	sdelay $0x1  }
0x87: {  	[tilespmem:v41+s10+$0x0] =	vst.idx.add.f32.msk vm0, v42  }
0x88: {  	[spmem:s2] =	stream.indirect.scatter.add.f32 [tilespmem:s10], [sflag:$0x1], $0x80, s12, s15, $0xb8;
	[tilespmem:$0x16C00] =	vst v63  }
0x89: {  	_ =	swait.ge [sflag:s11], $0x2800  }
0x8a: {  	[sflag:s11] =	ssyncset.done $0x0  }
0x8b: {  	[sflag:s11] =	ssyncadd.s32 $0xFFFFD800  }
0x8c: {  	[bflag:$0x0] =	sbarrier.arrive $0xFFFF  }
0x8d: {  	[tilespmem:s10], [sflag:$0x1] =	stream.linear.gather [spmem:s2], $0x2800, $0x38;
	[tilespmem:$0x16C00] =	vst v63  }
0x8e: {  	_ =	swait.ge [sflag:s11], $0x2800  }
0x8f: {  	[sflag:s11] =	ssyncset.done $0x0  }
0x90: {  	v41 =	vmul.u32 $0x80, v0;
	[sflag:s11] =	ssyncadd.s32 $0xFFFFD800  }
0x91: {  	v45 =	vld.idx.msk [tilespmem:v1+s10+$0x0], $0xffff;
	_ =	sdelay $0x4  }
0x92: {  	[tilespmem:v41+s16+$0x0] =	vst.idx.msk $0xffff, v45  }
0x93: {  	v43 =	vor.u32 $0x800, v41;
	v42 =	vld.idx.msk [tilespmem:v2+s10+$0x0], $0xffff;
	_ =	sdelay $0x4  }
0x94: {  	[tilespmem:v43+s16+$0x0] =	vst.idx.msk $0xffff, v42  }
0x95: {  	v46 =	vor.u32 $0x1000, v41;
	v42 =	vld.idx.msk [tilespmem:v3+s10+$0x0], $0xffff;
	_ =	sdelay $0x4  }
0x96: {  	[tilespmem:v46+s16+$0x0] =	vst.idx.msk $0xffff, v42  }
0x97: {  	v47 =	vor.u32 $0x1800, v41;
	v42 =	vld.idx.msk [tilespmem:v4+s10+$0x0], $0xffff;
	_ =	sdelay $0x4  }
0x98: {  	[tilespmem:v47+s16+$0x0] =	vst.idx.msk $0xffff, v42  }
0x99: {  	v48 =	vor.u32 $0x2000, v41;
	v42 =	vld.idx.msk [tilespmem:v5+s10+$0x0], $0xffff;
	_ =	sdelay $0x4  }
0x9a: {  	[tilespmem:v48+s16+$0x0] =	vst.idx.msk $0xffff, v42  }
0x9b: {  	v49 =	vor.u32 $0x2800, v41;
	v42 =	vld.idx.msk [tilespmem:v6+s10+$0x0], $0xffff;
	_ =	sdelay $0x4  }
0x9c: {  	[tilespmem:v49+s16+$0x0] =	vst.idx.msk $0xffff, v42  }
0x9d: {  	v50 =	vor.u32 $0x3000, v41;
	v42 =	vld.idx.msk [tilespmem:v27+s10+$0x0], $0xffff;
	_ =	sdelay $0x4  }
0x9e: {  	[tilespmem:v50+s16+$0x0] =	vst.idx.msk $0xffff, v42  }
0x9f: {  	v51 =	vor.u32 $0x3800, v41;
	v42 =	vld.idx.msk [tilespmem:v28+s10+$0x0], $0xffff;
	_ =	sdelay $0x4  }
0xa0: {  	[tilespmem:v51+s16+$0x0] =	vst.idx.msk $0xffff, v42  }
0xa1: {  	v52 =	vor.u32 $0x4000, v41;
	v42 =	vld.idx.msk [tilespmem:v29+s10+$0x0], $0xffff;
	_ =	sdelay $0x4  }
0xa2: {  	[tilespmem:v52+s16+$0x0] =	vst.idx.msk $0xffff, v42  }
0xa3: {  	v53 =	vor.u32 $0x4800, v41;
	v42 =	vld.idx.msk [tilespmem:v7+s10+$0x0], $0xffff;
	_ =	sdelay $0x4  }
0xa4: {  	[tilespmem:v53+s16+$0x0] =	vst.idx.msk $0xffff, v42  }
0xa5: {  	v54 =	vor.u32 $0x5000, v41;
	v42 =	vld.idx.msk [tilespmem:v8+s10+$0x0], $0xffff;
	_ =	sdelay $0x4  }
0xa6: {  	[tilespmem:v54+s16+$0x0] =	vst.idx.msk $0xffff, v42  }
0xa7: {  	v55 =	vor.u32 $0x5800, v41;
	v42 =	vld.idx.msk [tilespmem:v9+s10+$0x0], $0xffff;
	_ =	sdelay $0x4  }
0xa8: {  	[tilespmem:v55+s16+$0x0] =	vst.idx.msk $0xffff, v42  }
0xa9: {  	v56 =	vor.u32 $0x6000, v41;
	v42 =	vld.idx.msk [tilespmem:v10+s10+$0x0], $0xffff;
	_ =	sdelay $0x4  }
0xaa: {  	[tilespmem:v56+s16+$0x0] =	vst.idx.msk $0xffff, v42  }
0xab: {  	v57 =	vor.u32 $0x6800, v41;
	v42 =	vld.idx.msk [tilespmem:v11+s10+$0x0], $0xffff;
	_ =	sdelay $0x4  }
0xac: {  	[tilespmem:v57+s16+$0x0] =	vst.idx.msk $0xffff, v42  }
0xad: {  	v58 =	vor.u32 $0x7000, v41;
	v42 =	vld.idx.msk [tilespmem:v30+s10+$0x0], $0xffff;
	_ =	sdelay $0x4  }
0xae: {  	[tilespmem:v58+s16+$0x0] =	vst.idx.msk $0xffff, v42  }
0xaf: {  	v59 =	vor.u32 $0x7800, v41;
	v42 =	vld.idx.msk [tilespmem:v31+s10+$0x0], $0xffff;
	_ =	sdelay $0x4  }
0xb0: {  	[tilespmem:v59+s16+$0x0] =	vst.idx.msk $0xffff, v42  }
0xb1: {  	v60 =	vor.u32 $0x8000, v41;
	v42 =	vld.idx.msk [tilespmem:v32+s10+$0x0], $0xffff;
	_ =	sdelay $0x4  }
0xb2: {  	[tilespmem:v60+s16+$0x0] =	vst.idx.msk $0xffff, v42  }
0xb3: {  	v61 =	vor.u32 $0x8800, v41;
	v42 =	vld.idx.msk [tilespmem:v12+s10+$0x0], $0xffff;
	_ =	sdelay $0x4  }
0xb4: {  	[tilespmem:v61+s16+$0x0] =	vst.idx.msk $0xffff, v42  }
0xb5: {  	v62 =	vor.u32 $0x9000, v41;
	v42 =	vld.idx.msk [tilespmem:v13+s10+$0x0], $0xffff;
	_ =	sdelay $0x4  }
0xb6: {  	[tilespmem:v62+s16+$0x0] =	vst.idx.msk $0xffff, v42  }
0xb7: {  	v63 =	vor.u32 $0x9800, v41;
	v42 =	vld.idx.msk [tilespmem:v14+s10+$0x0], $0xffff;
	_ =	sdelay $0x4  }
0xb8: {  	[tilespmem:v63+s16+$0x0] =	vst.idx.msk $0xffff, v42  }
0xb9: {  	v45 =	vor.u32 $0xA000, v41;
	v42 =	vld.idx.msk [tilespmem:v15+s10+$0x0], $0xffff;
	_ =	sdelay $0x4  }
0xba: {  	[tilespmem:v45+s16+$0x0] =	vst.idx.msk $0xffff, v42  }
0xbb: {  	v46 =	vor.u32 $0xA800, v41;
	v42 =	vld.idx.msk [tilespmem:v16+s10+$0x0], $0xffff;
	_ =	sdelay $0x4  }
0xbc: {  	[tilespmem:v46+s16+$0x0] =	vst.idx.msk $0xffff, v42  }
0xbd: {  	v47 =	vor.u32 $0xB000, v41;
	v42 =	vld.idx.msk [tilespmem:v33+s10+$0x0], $0xffff;
	_ =	sdelay $0x4  }
0xbe: {  	[tilespmem:v47+s16+$0x0] =	vst.idx.msk $0xffff, v42  }
0xbf: {  	v48 =	vor.u32 $0xB800, v41;
	v42 =	vld.idx.msk [tilespmem:v34+s10+$0x0], $0xffff;
	_ =	sdelay $0x4  }
0xc0: {  	[tilespmem:v48+s16+$0x0] =	vst.idx.msk $0xffff, v42  }
0xc1: {  	v49 =	vor.u32 $0xC000, v41;
	v42 =	vld.idx.msk [tilespmem:v36+s10+$0x0], $0xffff;
	_ =	sdelay $0x4  }
0xc2: {  	[tilespmem:v49+s16+$0x0] =	vst.idx.msk $0xffff, v42  }
0xc3: {  	v50 =	vor.u32 $0xC800, v41;
	v42 =	vld.idx.msk [tilespmem:v17+s10+$0x0], $0xffff;
	_ =	sdelay $0x4  }
0xc4: {  	[tilespmem:v50+s16+$0x0] =	vst.idx.msk $0xffff, v42  }
0xc5: {  	v51 =	vor.u32 $0xD000, v41;
	v42 =	vld.idx.msk [tilespmem:v18+s10+$0x0], $0xffff;
	_ =	sdelay $0x4  }
0xc6: {  	[tilespmem:v51+s16+$0x0] =	vst.idx.msk $0xffff, v42  }
0xc7: {  	v52 =	vor.u32 $0xD800, v41;
	v42 =	vld.idx.msk [tilespmem:v19+s10+$0x0], $0xffff;
	_ =	sdelay $0x4  }
0xc8: {  	[tilespmem:v52+s16+$0x0] =	vst.idx.msk $0xffff, v42  }
0xc9: {  	v53 =	vor.u32 $0xE000, v41;
	v42 =	vld.idx.msk [tilespmem:v20+s10+$0x0], $0xffff;
	_ =	sdelay $0x4  }
0xca: {  	[tilespmem:v53+s16+$0x0] =	vst.idx.msk $0xffff, v42  }
0xcb: {  	v54 =	vor.u32 $0xE800, v41;
	v42 =	vld.idx.msk [tilespmem:v21+s10+$0x0], $0xffff;
	_ =	sdelay $0x4  }
0xcc: {  	[tilespmem:v54+s16+$0x0] =	vst.idx.msk $0xffff, v42  }
0xcd: {  	v55 =	vor.u32 $0xF000, v41;
	v42 =	vld.idx.msk [tilespmem:v37+s10+$0x0], $0xffff;
	_ =	sdelay $0x4  }
0xce: {  	[tilespmem:v55+s16+$0x0] =	vst.idx.msk $0xffff, v42  }
0xcf: {  	v56 =	vor.u32 $0xF800, v41;
	v42 =	vld.idx.msk [tilespmem:v38+s10+$0x0], $0xffff;
	_ =	sdelay $0x4  }
0xd0: {  	[tilespmem:v56+s16+$0x0] =	vst.idx.msk $0xffff, v42  }
0xd1: {  	v57 =	vor.u32 $0x10000, v41;
	v42 =	vld.idx.msk [tilespmem:v40+s10+$0x0], $0xffff;
	_ =	sdelay $0x4  }
0xd2: {  	[tilespmem:v57+s16+$0x0] =	vst.idx.msk $0xffff, v42  }
0xd3: {  	v58 =	vor.u32 $0x10800, v41;
	v42 =	vld.idx.msk [tilespmem:v22+s10+$0x0], $0xffff;
	_ =	sdelay $0x4  }
0xd4: {  	[tilespmem:v58+s16+$0x0] =	vst.idx.msk $0xffff, v42  }
0xd5: {  	v59 =	vor.u32 $0x11000, v41;
	v42 =	vld.idx.msk [tilespmem:v23+s10+$0x0], $0xffff;
	_ =	sdelay $0x4  }
0xd6: {  	[tilespmem:v59+s16+$0x0] =	vst.idx.msk $0xffff, v42  }
0xd7: {  	v60 =	vor.u32 $0x11800, v41;
	v42 =	vld.idx.msk [tilespmem:v24+s10+$0x0], $0xffff;
	_ =	sdelay $0x4  }
0xd8: {  	[tilespmem:v60+s16+$0x0] =	vst.idx.msk $0xffff, v42  }
0xd9: {  	v61 =	vor.u32 $0x12000, v41;
	v42 =	vld.idx.msk [tilespmem:v25+s10+$0x0], $0xffff;
	_ =	sdelay $0x4  }
0xda: {  	[tilespmem:v61+s16+$0x0] =	vst.idx.msk $0xffff, v42  }
0xdb: {  	v62 =	vor.u32 $0x12800, v41;
	v42 =	vld.idx.msk [tilespmem:v26+s10+$0x0], $0xffff;
	_ =	sdelay $0x4  }
0xdc: {  	[tilespmem:v62+s16+$0x0] =	vst.idx.msk $0xffff, v42  }
0xdd: {  	v63 =	vor.u32 $0x13000, v41;
	v42 =	vld.idx.msk [tilespmem:v35+s10+$0x0], $0xffff;
	_ =	sdelay $0x4  }
0xde: {  	[tilespmem:v63+s16+$0x0] =	vst.idx.msk $0xffff, v42  }
0xdf: {  	v41 =	vor.u32 $0x13800, v41;
	v42 =	vld.idx.msk [tilespmem:v39+s10+$0x0], $0xffff;
	_ =	sdelay $0x2  }
0xe0: {  	s17 =	sadd.s32 $0x1, s17  }
0xe1: {  	p1 =	sne.s32 s17, s8  }
.Ltmp1:
0xe2: {  	[tilespmem:v41+s16+$0x0] =	vst.idx.msk $0xffff, v42;
	(pc) =	sbr.rel @p1 .LBB2_1-.Ltmp1, $4  }
0xe3: {  	[hbm4b:s7+s3] =	stream.linear.scatter [tilespmem:s16], [sflag:$0x1], $0x14000, $0x38;
	[tilespmem:$0x16C00] =	vst v63  }
0xe4: {  	_ =	swait.ge [sflag:s11], $0x14000  }
0xe5: {  	[sflag:s11] =	ssyncset.done $0x0  }
0xe6: {  	[sflag:s11] =	ssyncadd.s32 $0xFFFEC000  }
0xe7: {  	_ =	sfence.sel $0x180000  }
0xe8: {  	[bflag:$0x0] =	sbarrier.arrive $0xFFFF  }
0xe9: {  	_ =	strace $0x90000047  }
0xea: {  	s0 =	sadd.s32 @!p0 $0x100000, s1;
	[bflag:$0x2] =	sbarrier.arrive $0xFFFF  }
0xeb: {  	[sflag:s0] =	ssyncadd.tile.s32 @!p0 $0x1;
	_ =	shalt  }
.Lfunc_end2:
_tile_overlayer_lowered:
.L_overlay_start_2:
0xec: {  	(tag) =	ssettag $0x2  }
0xed: {  	s0 =	rddreg [dreg:$0x0];
	s2 =	stileid.u32  }
0xee: {  	s1 =	rddreg [dreg:$0x1];
	p0 =	sne.s32 s2, $0x0  }
0xef: {  	s3 =	rddreg [dreg:$0x2];
	[bflag:$0x3] =	sbarrier.arrive $0xFFFF;
	s2 =	simm.s32 @!p0 $0x1C01  }
0xf0: {  	[timem:s3], [sflag:s2] =	dma.local @!p0 [hbm:s0], s1  }
0xf1: {  	s0 =	simm.s32 @!p0 $0x1  }
0xf2: {  	_ =	swait.ge @!p0 [sflag:s0], s1  }
0xf3: {  	s1 =	ssub.s32 @!p0 $0x0, s1;
	[sflag:s0] =	ssyncset.done @!p0 $0x0  }
0xf4: {  	[sflag:s0] =	ssyncadd.s32 @!p0 s1  }
0xf5: {  	[bflag:$0x3] =	sbarrier.arrive $0xFFFF  }
0xf6: {  	_ =	shalt  }

</sc_bundles>
